<compile_context>
chip_gen: v7x
topology: tpu7x:2x2x1
jax: 0.10.2.dev20260603
libtpu: 0.0.44.dev20260713+nightly
codegen_flags: <defaults>
</compile_context>

<pallas_src>
import functools

import jax
import jax.numpy as jnp
from jax import lax
from jax.experimental import pallas as pl
from jax.experimental.pallas import tpu as pltpu
from jax.experimental.pallas import tpu_sc as plsc

_N = 10000
_E = 320000
_F = 16
_DIN = 128
_DOUT = 128

_NC = 2
_NS = 16
_NW = _NC * _NS
_CK = 10000
_ND = 10240
_ZS = _ND // _NS


def _mesh():
    return plsc.VectorSubcoreMesh(core_axis_name="c", subcore_axis_name="s")


_EPT = _E // _NW


@functools.partial(
    pl.kernel,
    out_type=jax.ShapeDtypeStruct((2 * _ND,), jnp.float32),
    mesh=_mesh(),
    compiler_params=pltpu.CompilerParams(needs_layout_passes=False),
    scratch_types=[
        pltpu.VMEM((_CK,), jnp.int32),
        pltpu.VMEM((_ND,), jnp.float32),
        pltpu.VMEM((_ZS,), jnp.float32),
        pltpu.VMEM((_ZS,), jnp.float32),
        pltpu.VMEM_SHARED((_NS, _ND), jnp.float32),
    ],
)
def _deg_kernel(col_hbm, zeros_hbm, out_hbm, col_v, hist, acc640, pbuf, part):
    c = lax.axis_index("c")
    s = lax.axis_index("s")
    wid = c * _NS + s
    pltpu.sync_copy(zeros_hbm.at[pl.ds(0, _ND)], hist)
    ones = jnp.ones((16,), jnp.float32)

    def chunk(g, carry):
        pltpu.sync_copy(col_hbm.at[pl.ds(wid * _EPT + g * _CK, _CK)], col_v)

        @plsc.parallel_loop(0, _CK // 16, unroll=5)
        def _vreg(k):
            cidx = col_v[pl.ds(pl.multiple_of(k * 16, 16), 16)]
            plsc.addupdate_scatter(hist, [cidx], ones)

        return carry

    lax.fori_loop(0, _EPT // _CK, chunk, 0)
    pltpu.sync_copy(hist, part.at[s])
    plsc.subcore_barrier()
    pltpu.sync_copy(zeros_hbm.at[pl.ds(0, _ZS)], acc640)
    for p in range(_NS):
        pltpu.sync_copy(part.at[p, pl.ds(s * _ZS, _ZS)], pbuf)

        def addv(k, carry):
            b = pl.multiple_of(k * 16, 16)
            acc640[pl.ds(b, 16)] = acc640[pl.ds(b, 16)] + pbuf[pl.ds(b, 16)]
            return carry

        lax.fori_loop(0, _ZS // 16, addv, 0)
    pltpu.sync_copy(acc640, out_hbm.at[pl.ds(c * _ND + s * _ZS, _ZS)])


_EPC = _E // _NC


_CKA = 20000
_NCH = _EPC // _CKA


@functools.partial(
    pl.kernel,
    out_type=jax.ShapeDtypeStruct((_NC * _F * _N,), jnp.float32),
    mesh=_mesh(),
    compiler_params=pltpu.CompilerParams(needs_layout_passes=False),
    scratch_types=[
        pltpu.VMEM((_CKA,), jnp.int32),
        pltpu.VMEM((_CKA,), jnp.int32),
        pltpu.VMEM((_CKA,), jnp.int32),
        pltpu.VMEM((_CKA,), jnp.int32),
        pltpu.VMEM((_N,), jnp.float32),
        pltpu.VMEM((_N,), jnp.float32),
        pltpu.SemaphoreType.DMA,
        pltpu.SemaphoreType.DMA,
    ],
)
def _agg_kernel(ht_hbm, row_hbm, col_hbm, zeros_hbm, out_hbm,
                rowa, cola, rowb, colb, hcol, acol, sem0, sem1):
    c = lax.axis_index("c")
    s = lax.axis_index("s")
    pltpu.sync_copy(ht_hbm.at[pl.ds(s * _N, _N)], hcol)
    pltpu.sync_copy(zeros_hbm.at[pl.ds(0, _N)], acol)
    ebase = c * _EPC
    slots = ((rowa, cola, sem0), (rowb, colb, sem1))

    def start(g, sl):
        rv, cv, sem = slots[sl]
        return (pltpu.async_copy(row_hbm.at[pl.ds(ebase + g * _CKA, _CKA)],
                                 rv, sem),
                pltpu.async_copy(col_hbm.at[pl.ds(ebase + g * _CKA, _CKA)],
                                 cv, sem))

    pending = start(0, 0)
    for g in range(_NCH):
        sl = g % 2
        row_v, col_v, _ = slots[sl]
        for h in pending:
            h.wait()
        if g + 1 < _NCH:
            pending = start(g + 1, 1 - sl)

        @plsc.parallel_loop(0, _CKA // 16, unroll=5)
        def _vreg(k):
            b = pl.multiple_of(k * 16, 16)
            ridx = row_v[pl.ds(b, 16)]
            cidx = col_v[pl.ds(b, 16)]
            vals = plsc.load_gather(hcol, [ridx])
            plsc.addupdate_scatter(acol, [cidx], vals)

    pltpu.sync_copy(acol, out_hbm.at[pl.ds((c * _F + s) * _N, _N)])


_CK2 = 16000
_NCH2 = _EPC // _CK2


@functools.partial(
    pl.kernel,
    out_type=jax.ShapeDtypeStruct((_NC * _F * _N,), jnp.float32),
    mesh=_mesh(),
    compiler_params=pltpu.CompilerParams(needs_layout_passes=False),
    scratch_types=[
        pltpu.VMEM((_CK2,), jnp.int32),
        pltpu.VMEM((_CK2,), jnp.int32),
        pltpu.VMEM((_CK2,), jnp.int32),
        pltpu.VMEM((_CK2,), jnp.int32),
        pltpu.VMEM((_N,), jnp.float32),
        pltpu.VMEM((_N,), jnp.float32),
        pltpu.VMEM((_N,), jnp.float32),
        pltpu.VMEM((_N,), jnp.float32),
        pltpu.VMEM((16,), jnp.float32),
        pltpu.SemaphoreType.DMA,
        pltpu.SemaphoreType.DMA,
    ],
)
def _agg2_kernel(h1p_hbm, agg1_hbm, dinv_hbm, b1_hbm, row_hbm, col_hbm,
                 zeros_hbm, out_hbm,
                 rowa, cola, rowb, colb, hcol, acol, pcol, dcol, b1v,
                 sem0, sem1):
    c = lax.axis_index("c")
    s = lax.axis_index("s")
    pltpu.sync_copy(h1p_hbm.at[pl.ds(s * _N, _N)], hcol)
    pltpu.sync_copy(agg1_hbm.at[pl.ds(s * _N, _N)], pcol)
    pltpu.sync_copy(dinv_hbm, dcol)
    pltpu.sync_copy(b1_hbm, b1v)
    pltpu.sync_copy(zeros_hbm.at[pl.ds(0, _N)], acol)
    b1s = plsc.load_gather(b1v, [jnp.full((16,), s, jnp.int32)])

    @plsc.parallel_loop(0, _N // 16, unroll=5)
    def _pre0(k):
        b = pl.multiple_of(k * 16, 16)
        hcol[pl.ds(b, 16)] = hcol[pl.ds(b, 16)] + pcol[pl.ds(b, 16)]

    pltpu.sync_copy(agg1_hbm.at[pl.ds((_F + s) * _N, _N)], pcol)

    @plsc.parallel_loop(0, _N // 16, unroll=5)
    def _pre1(k):
        b = pl.multiple_of(k * 16, 16)
        d = dcol[pl.ds(b, 16)]
        t = (hcol[pl.ds(b, 16)] + pcol[pl.ds(b, 16)]) * d + b1s
        hcol[pl.ds(b, 16)] = jnp.maximum(t, 0.0) * d

    ebase = c * _EPC
    slots = ((rowa, cola, sem0), (rowb, colb, sem1))

    def start(g, sl):
        rv, cv, sem = slots[sl]
        return (pltpu.async_copy(row_hbm.at[pl.ds(ebase + g * _CK2, _CK2)],
                                 rv, sem),
                pltpu.async_copy(col_hbm.at[pl.ds(ebase + g * _CK2, _CK2)],
                                 cv, sem))

    pending = start(0, 0)
    for g in range(_NCH2):
        sl = g % 2
        row_v, col_v, _ = slots[sl]
        for h in pending:
            h.wait()
        if g + 1 < _NCH2:
            pending = start(g + 1, 1 - sl)

        @plsc.parallel_loop(0, _CK2 // 16, unroll=5)
        def _vreg(k):
            b = pl.multiple_of(k * 16, 16)
            ridx = row_v[pl.ds(b, 16)]
            cidx = col_v[pl.ds(b, 16)]
            vals = plsc.load_gather(hcol, [ridx])
            plsc.addupdate_scatter(acol, [cidx], vals)

    pltpu.sync_copy(acol, out_hbm.at[pl.ds((c * _F + s) * _N, _N)])


def _tc1_body(x_ref, w1_ref, dacc_ref, h1pt_ref, dinv_ref, dinvf_ref):
    deg = dacc_ref[0:1, 0:_N] + dacc_ref[1:2, 0:_N] + 1.0
    dinv = lax.rsqrt(deg)
    h1t = lax.dot_general(w1_ref[...], x_ref[...],
                          (((0,), (1,)), ((), ())),
                          preferred_element_type=jnp.float32)
    h1pt_ref[...] = h1t * dinv
    dinv_ref[...] = dinv
    dinvf_ref[...] = dinv.reshape(_N)


def _tc3_body(agg2_ref, agg1_ref, h1pt_ref, dinv_ref, b1_ref, w2_ref,
              b2_ref, out_ref):
    dinv = dinv_ref[...]
    agg1f = agg1_ref[0:_F, :] + agg1_ref[_F:2 * _F, :] + h1pt_ref[...]
    h2pt = jnp.maximum(agg1f * dinv + b1_ref[...], 0.0) * dinv
    aggf = agg2_ref[0:_F, :] + agg2_ref[_F:2 * _F, :] + h2pt
    scaled = aggf * dinv
    out_ref[...] = lax.dot_general(scaled, w2_ref[...],
                                   (((0,), (0,)), ((), ())),
                                   preferred_element_type=jnp.float32) + b2_ref[...]


def kernel(x, edge_index, W1, b1, W2, b2):
    row = edge_index[0].astype(jnp.int32)
    col = edge_index[1].astype(jnp.int32)
    zeros = jnp.zeros((_ND,), jnp.float32)
    b1f = b1.astype(jnp.float32)

    dacc = _deg_kernel(col, zeros)

    h1pt, dinv, dinvf = pl.pallas_call(
        _tc1_body,
        out_shape=(jax.ShapeDtypeStruct((_F, _N), jnp.float32),
                   jax.ShapeDtypeStruct((1, _N), jnp.float32),
                   jax.ShapeDtypeStruct((_N,), jnp.float32)),
    )(x, W1, dacc.reshape(2, _ND))

    h1ptf = h1pt.reshape(-1)
    agg1 = _agg_kernel(h1ptf, row, col, zeros)

    agg2 = _agg2_kernel(h1ptf, agg1, dinvf, b1f, row, col, zeros)

    out = pl.pallas_call(
        _tc3_body,
        out_shape=jax.ShapeDtypeStruct((_N, _DOUT), jnp.float32),
    )(agg2.reshape(2 * _F, _N), agg1.reshape(2 * _F, _N), h1pt, dinv,
      b1f.reshape(_F, 1), W2, b2.reshape(1, _DOUT))
    return out

# --- scband reference (transcript-rebuilt; emitter-appended) ---
"""Pipeline reference for scband-gcn-19756849561887 (READ-ONLY COPY).

The authoritative reference and input builder live on the scoring server;
editing this copy changes nothing except your own understanding.
"""

import jax, jax.numpy as jnp
import numpy as np

N_NODES = 10000
N_EDGES = 320000
D_IN = 128
D_HID = 16
D_OUT = 128


def setup_inputs(seed: int = 0) -> dict:
    key = jax.random.key(seed)
    k1, k2, k3, k4, k5, k6 = jax.random.split(key, 6)
    x = jax.random.normal(k1, (N_NODES, D_IN), dtype=jnp.float32)
    edge_index = jax.random.randint(k2, (2, N_EDGES), 0, N_NODES, dtype=jnp.int64)
    # glorot init for linear weights, zeros for biases (per module reset_parameters)
    s1 = float(np.sqrt(6.0 / (D_IN + D_HID)))
    W1 = jax.random.uniform(k3, (D_IN, D_HID), dtype=jnp.float32, minval=-s1, maxval=s1)
    b1 = jnp.zeros((D_HID,), dtype=jnp.float32)
    s2 = float(np.sqrt(6.0 / (D_HID + D_OUT)))
    W2 = jax.random.uniform(k4, (D_HID, D_OUT), dtype=jnp.float32, minval=-s2, maxval=s2)
    b2 = jnp.zeros((D_OUT,), dtype=jnp.float32)
    return {"x": x, "edge_index": edge_index, "W1": W1, "b1": b1, "W2": W2, "b2": b2}


def _gcn_conv(x, row, col, W, b, n_nodes):
    # x = self.lin(x)
    h = x @ W
    # deg = degree(col); deg_inv_sqrt with inf -> 0
    deg = jnp.zeros((n_nodes,), dtype=h.dtype).at[col].add(1.0)
    deg_inv_sqrt = jnp.where(deg > 0, deg ** -0.5, 0.0)
    norm = deg_inv_sqrt[row] * deg_inv_sqrt[col]
    # propagate: sum-aggregate norm * x_j at target nodes (col)
    msgs = norm[:, None] * jnp.take(h, row, axis=0)
    out = jax.ops.segment_sum(msgs, col, num_segments=n_nodes)
    return out + b


def reference(x, edge_index, W1, b1, W2, b2):
    n_nodes = x.shape[0]
    # add_self_loops (applied inside each GCNConv forward)
    loops = jnp.arange(n_nodes, dtype=edge_index.dtype)
    ei = jnp.concatenate([edge_index, jnp.stack([loops, loops], axis=0)], axis=1)
    row, col = ei[0], ei[1]
    h = _gcn_conv(x, row, col, W1, b1, n_nodes)
    h = jax.nn.relu(h)
    # dropout p=0.0 -> identity (eval-mode equivalent)
    out = _gcn_conv(h, row, col, W2, b2, n_nodes)
    return out

if __name__ == "__main__":
    import jax
    _d = setup_inputs()
    print(jax.jit(kernel)(*tuple(_d.values())))

</pallas_src>

<mosaic_0001>
#map = affine_map<(d0, d1) -> (0)>
module attributes {stable_mosaic.version = 14 : i64} {
  func.func @_agg_kernel(%arg0: i32, %arg1: i32, %arg2: memref<160000xf32, #tpu.memory_space<hbm>>, %arg3: memref<320000xi32, #tpu.memory_space<hbm>>, %arg4: memref<320000xi32, #tpu.memory_space<hbm>>, %arg5: memref<10240xf32, #tpu.memory_space<hbm>>, %arg6: memref<320000xf32, #tpu.memory_space<hbm>>, %arg7: memref<20000xi32, #tpu.memory_space<vmem>>, %arg8: memref<20000xi32, #tpu.memory_space<vmem>>, %arg9: memref<20000xi32, #tpu.memory_space<vmem>>, %arg10: memref<20000xi32, #tpu.memory_space<vmem>>, %arg11: memref<10000xf32, #tpu.memory_space<vmem>>, %arg12: memref<10000xf32, #tpu.memory_space<vmem>>, %arg13: memref<!tpu.dma_semaphore, #tpu.memory_space<semaphore_mem>>, %arg14: memref<!tpu.dma_semaphore, #tpu.memory_space<semaphore_mem>>) attributes {dimension_semantics = [#tpu.dimension_semantics<core_parallel>, #tpu.dimension_semantics<subcore_parallel>], iteration_bounds = array<i64: 2, 16>, scalar_prefetch = 0 : i64, scratch_operands = 8 : i64, tpu.core_type = #tpu.core_type<sc_vector_subcore>, window_params = [{transform_indices = #map}, {transform_indices = #map}, {transform_indices = #map}, {transform_indices = #map}, {transform_indices = #map}]} {
    %mul3A = arith.constant 10000 : i32
    %mul3A_0 = arith.muli %arg1, %mul3A : i32
    "tpu.region"() ({
      %run_scoped3A = tpu.sem_alloc : memref<!tpu.dma_semaphore, #tpu.memory_space<semaphore_mem>>
      %dma_start3A_124 = tpu.memref_slice %arg2[%mul3A_0] : memref<160000xf32, #tpu.memory_space<hbm>> -> memref<10000xf32, #tpu.memory_space<hbm>>
      %dma_start3A_125 = tpu.memref_slice %arg2[%mul3A_0] : memref<160000xf32, #tpu.memory_space<hbm>> -> memref<10000xf32, #tpu.memory_space<hbm>>
      tpu.enqueue_dma source(%dma_start3A_125 : memref<10000xf32, #tpu.memory_space<hbm>>) target(%arg11 : memref<10000xf32, #tpu.memory_space<vmem>>) target_semaphore(%run_scoped3A : memref<!tpu.dma_semaphore, #tpu.memory_space<semaphore_mem>>)
      %dma_wait3A_126 = tpu.memref_slice %arg2[%mul3A_0] : memref<160000xf32, #tpu.memory_space<hbm>> -> memref<10000xf32, #tpu.memory_space<hbm>>
      %dma_wait3A_127 = tpu.memref_slice %arg2[%mul3A_0] : memref<160000xf32, #tpu.memory_space<hbm>> -> memref<10000xf32, #tpu.memory_space<hbm>>
      tpu.wait_dma2 semaphore(%run_scoped3A : memref<!tpu.dma_semaphore, #tpu.memory_space<semaphore_mem>>) src(%dma_wait3A_127 : memref<10000xf32, #tpu.memory_space<hbm>>) dst(%arg11 : memref<10000xf32, #tpu.memory_space<vmem>>)
      tpu.yield
    }) : () -> ()
    "tpu.region"() ({
      %run_scoped3A = tpu.sem_alloc : memref<!tpu.dma_semaphore, #tpu.memory_space<semaphore_mem>>
      %dma_start3A_124 = arith.constant 0 : i32
      %dma_start3A_125 = tpu.memref_slice %arg5[%dma_start3A_124] : memref<10240xf32, #tpu.memory_space<hbm>> -> memref<10000xf32, #tpu.memory_space<hbm>>
      %dma_start3A_126 = arith.constant 0 : i32
      %dma_start3A_127 = tpu.memref_slice %arg5[%dma_start3A_126] : memref<10240xf32, #tpu.memory_space<hbm>> -> memref<10000xf32, #tpu.memory_space<hbm>>
      tpu.enqueue_dma source(%dma_start3A_127 : memref<10000xf32, #tpu.memory_space<hbm>>) target(%arg12 : memref<10000xf32, #tpu.memory_space<vmem>>) target_semaphore(%run_scoped3A : memref<!tpu.dma_semaphore, #tpu.memory_space<semaphore_mem>>)
      %dma_wait3A_128 = arith.constant 0 : i32
      %dma_wait3A_129 = tpu.memref_slice %arg5[%dma_wait3A_128] : memref<10240xf32, #tpu.memory_space<hbm>> -> memref<10000xf32, #tpu.memory_space<hbm>>
      %dma_wait3A_130 = arith.constant 0 : i32
      %dma_wait3A_131 = tpu.memref_slice %arg5[%dma_wait3A_130] : memref<10240xf32, #tpu.memory_space<hbm>> -> memref<10000xf32, #tpu.memory_space<hbm>>
      tpu.wait_dma2 semaphore(%run_scoped3A : memref<!tpu.dma_semaphore, #tpu.memory_space<semaphore_mem>>) src(%dma_wait3A_131 : memref<10000xf32, #tpu.memory_space<hbm>>) dst(%arg12 : memref<10000xf32, #tpu.memory_space<vmem>>)
      tpu.yield
    }) : () -> ()
    %mul3A_1 = arith.constant 160000 : i32
    %mul3A_2 = arith.muli %arg0, %mul3A_1 : i32
    %add3A = arith.constant 0 : i32
    %add3A_3 = arith.addi %mul3A_2, %add3A : i32
    %dma_start3A = tpu.memref_slice %arg3[%add3A_3] : memref<320000xi32, #tpu.memory_space<hbm>> -> memref<20000xi32, #tpu.memory_space<hbm>>
    %dma_start3A_4 = tpu.memref_slice %arg3[%add3A_3] : memref<320000xi32, #tpu.memory_space<hbm>> -> memref<20000xi32, #tpu.memory_space<hbm>>
    tpu.enqueue_dma source(%dma_start3A_4 : memref<20000xi32, #tpu.memory_space<hbm>>) target(%arg7 : memref<20000xi32, #tpu.memory_space<vmem>>) target_semaphore(%arg13 : memref<!tpu.dma_semaphore, #tpu.memory_space<semaphore_mem>>)
    %add3A_5 = arith.constant 0 : i32
    %add3A_6 = arith.addi %mul3A_2, %add3A_5 : i32
    %dma_start3A_7 = tpu.memref_slice %arg4[%add3A_6] : memref<320000xi32, #tpu.memory_space<hbm>> -> memref<20000xi32, #tpu.memory_space<hbm>>
    %dma_start3A_8 = tpu.memref_slice %arg4[%add3A_6] : memref<320000xi32, #tpu.memory_space<hbm>> -> memref<20000xi32, #tpu.memory_space<hbm>>
    tpu.enqueue_dma source(%dma_start3A_8 : memref<20000xi32, #tpu.memory_space<hbm>>) target(%arg8 : memref<20000xi32, #tpu.memory_space<vmem>>) target_semaphore(%arg13 : memref<!tpu.dma_semaphore, #tpu.memory_space<semaphore_mem>>)
    %dma_wait3A = tpu.memref_slice %arg3[%add3A_3] : memref<320000xi32, #tpu.memory_space<hbm>> -> memref<20000xi32, #tpu.memory_space<hbm>>
    %dma_wait3A_9 = tpu.memref_slice %arg3[%add3A_3] : memref<320000xi32, #tpu.memory_space<hbm>> -> memref<20000xi32, #tpu.memory_space<hbm>>
    tpu.wait_dma2 semaphore(%arg13 : memref<!tpu.dma_semaphore, #tpu.memory_space<semaphore_mem>>) src(%dma_wait3A_9 : memref<20000xi32, #tpu.memory_space<hbm>>) dst(%arg7 : memref<20000xi32, #tpu.memory_space<vmem>>)
    %dma_wait3A_10 = tpu.memref_slice %arg4[%add3A_6] : memref<320000xi32, #tpu.memory_space<hbm>> -> memref<20000xi32, #tpu.memory_space<hbm>>
    %dma_wait3A_11 = tpu.memref_slice %arg4[%add3A_6] : memref<320000xi32, #tpu.memory_space<hbm>> -> memref<20000xi32, #tpu.memory_space<hbm>>
    tpu.wait_dma2 semaphore(%arg13 : memref<!tpu.dma_semaphore, #tpu.memory_space<semaphore_mem>>) src(%dma_wait3A_11 : memref<20000xi32, #tpu.memory_space<hbm>>) dst(%arg8 : memref<20000xi32, #tpu.memory_space<vmem>>)
    %add3A_12 = arith.constant 20000 : i32
    %add3A_13 = arith.addi %mul3A_2, %add3A_12 : i32
    %dma_start3A_14 = tpu.memref_slice %arg3[%add3A_13] : memref<320000xi32, #tpu.memory_space<hbm>> -> memref<20000xi32, #tpu.memory_space<hbm>>
    %dma_start3A_15 = tpu.memref_slice %arg3[%add3A_13] : memref<320000xi32, #tpu.memory_space<hbm>> -> memref<20000xi32, #tpu.memory_space<hbm>>
    tpu.enqueue_dma source(%dma_start3A_15 : memref<20000xi32, #tpu.memory_space<hbm>>) target(%arg9 : memref<20000xi32, #tpu.memory_space<vmem>>) target_semaphore(%arg14 : memref<!tpu.dma_semaphore, #tpu.memory_space<semaphore_mem>>)
    %add3A_16 = arith.constant 20000 : i32
    %add3A_17 = arith.addi %mul3A_2, %add3A_16 : i32
    %dma_start3A_18 = tpu.memref_slice %arg4[%add3A_17] : memref<320000xi32, #tpu.memory_space<hbm>> -> memref<20000xi32, #tpu.memory_space<hbm>>
    %dma_start3A_19 = tpu.memref_slice %arg4[%add3A_17] : memref<320000xi32, #tpu.memory_space<hbm>> -> memref<20000xi32, #tpu.memory_space<hbm>>
    tpu.enqueue_dma source(%dma_start3A_19 : memref<20000xi32, #tpu.memory_space<hbm>>) target(%arg10 : memref<20000xi32, #tpu.memory_space<vmem>>) target_semaphore(%arg14 : memref<!tpu.dma_semaphore, #tpu.memory_space<semaphore_mem>>)
    %parallel_loop3A = arith.constant 0 : i32
    %parallel_loop3A_20 = arith.constant 1250 : i32
    %parallel_loop3A_21 = arith.constant 1 : i32
    scf.for %parallel_loop3A_124 = %parallel_loop3A to %parallel_loop3A_20 step %parallel_loop3A_21  : i32 {
      %parallel_loop3A_125 = arith.constant 16 : i32
      %parallel_loop3A_126 = arith.muli %parallel_loop3A_124, %parallel_loop3A_125 : i32
      %parallel_loop3A_127 = tpu.assume_multiple %parallel_loop3A_126, 16 : i32
      %parallel_loop3A_128 = arith.index_cast %parallel_loop3A_127 : i32 to index
      %parallel_loop3A_129 = tpu.vector_load %arg7[%parallel_loop3A_128] {strides = array<i32>} : memref<20000xi32, #tpu.memory_space<vmem>>, vector<16xi32>,
      %parallel_loop3A_130 = arith.index_cast %parallel_loop3A_127 : i32 to index
      %parallel_loop3A_131 = tpu.vector_load %arg8[%parallel_loop3A_130] {strides = array<i32>} : memref<20000xi32, #tpu.memory_space<vmem>>, vector<16xi32>,
      %parallel_loop3A_132 = tpu.vector_load_idx %arg11[%parallel_loop3A_129] : memref<10000xf32, #tpu.memory_space<vmem>>[vector<16xi32>], vector<16xf32>,
      tpu.vector_store_idx %arg12[%parallel_loop3A_131], %parallel_loop3A_132 {add = true} : memref<10000xf32, #tpu.memory_space<vmem>>[vector<16xi32>], vector<16xf32>,
    } {sc.loop_unroll_factor = 5 : i64, sc.parallel_access}
    %dma_wait3A_22 = tpu.memref_slice %arg3[%add3A_13] : memref<320000xi32, #tpu.memory_space<hbm>> -> memref<20000xi32, #tpu.memory_space<hbm>>
    %dma_wait3A_23 = tpu.memref_slice %arg3[%add3A_13] : memref<320000xi32, #tpu.memory_space<hbm>> -> memref<20000xi32, #tpu.memory_space<hbm>>
    tpu.wait_dma2 semaphore(%arg14 : memref<!tpu.dma_semaphore, #tpu.memory_space<semaphore_mem>>) src(%dma_wait3A_23 : memref<20000xi32, #tpu.memory_space<hbm>>) dst(%arg9 : memref<20000xi32, #tpu.memory_space<vmem>>)
    %dma_wait3A_24 = tpu.memref_slice %arg4[%add3A_17] : memref<320000xi32, #tpu.memory_space<hbm>> -> memref<20000xi32, #tpu.memory_space<hbm>>
    %dma_wait3A_25 = tpu.memref_slice %arg4[%add3A_17] : memref<320000xi32, #tpu.memory_space<hbm>> -> memref<20000xi32, #tpu.memory_space<hbm>>
    tpu.wait_dma2 semaphore(%arg14 : memref<!tpu.dma_semaphore, #tpu.memory_space<semaphore_mem>>) src(%dma_wait3A_25 : memref<20000xi32, #tpu.memory_space<hbm>>) dst(%arg10 : memref<20000xi32, #tpu.memory_space<vmem>>)
    %add3A_26 = arith.constant 40000 : i32
    %add3A_27 = arith.addi %mul3A_2, %add3A_26 : i32
    %dma_start3A_28 = tpu.memref_slice %arg3[%add3A_27] : memref<320000xi32, #tpu.memory_space<hbm>> -> memref<20000xi32, #tpu.memory_space<hbm>>
    %dma_start3A_29 = tpu.memref_slice %arg3[%add3A_27] : memref<320000xi32, #tpu.memory_space<hbm>> -> memref<20000xi32, #tpu.memory_space<hbm>>
    tpu.enqueue_dma source(%dma_start3A_29 : memref<20000xi32, #tpu.memory_space<hbm>>) target(%arg7 : memref<20000xi32, #tpu.memory_space<vmem>>) target_semaphore(%arg13 : memref<!tpu.dma_semaphore, #tpu.memory_space<semaphore_mem>>)
    %add3A_30 = arith.constant 40000 : i32
    %add3A_31 = arith.addi %mul3A_2, %add3A_30 : i32
    %dma_start3A_32 = tpu.memref_slice %arg4[%add3A_31] : memref<320000xi32, #tpu.memory_space<hbm>> -> memref<20000xi32, #tpu.memory_space<hbm>>
    %dma_start3A_33 = tpu.memref_slice %arg4[%add3A_31] : memref<320000xi32, #tpu.memory_space<hbm>> -> memref<20000xi32, #tpu.memory_space<hbm>>
    tpu.enqueue_dma source(%dma_start3A_33 : memref<20000xi32, #tpu.memory_space<hbm>>) target(%arg8 : memref<20000xi32, #tpu.memory_space<vmem>>) target_semaphore(%arg13 : memref<!tpu.dma_semaphore, #tpu.memory_space<semaphore_mem>>)
    %parallel_loop3A_34 = arith.constant 0 : i32
    %parallel_loop3A_35 = arith.constant 1250 : i32
    %parallel_loop3A_36 = arith.constant 1 : i32
    scf.for %parallel_loop3A_124 = %parallel_loop3A_34 to %parallel_loop3A_35 step %parallel_loop3A_36  : i32 {
      %parallel_loop3A_125 = arith.constant 16 : i32
      %parallel_loop3A_126 = arith.muli %parallel_loop3A_124, %parallel_loop3A_125 : i32
      %parallel_loop3A_127 = tpu.assume_multiple %parallel_loop3A_126, 16 : i32
      %parallel_loop3A_128 = arith.index_cast %parallel_loop3A_127 : i32 to index
      %parallel_loop3A_129 = tpu.vector_load %arg9[%parallel_loop3A_128] {strides = array<i32>} : memref<20000xi32, #tpu.memory_space<vmem>>, vector<16xi32>,
      %parallel_loop3A_130 = arith.index_cast %parallel_loop3A_127 : i32 to index
      %parallel_loop3A_131 = tpu.vector_load %arg10[%parallel_loop3A_130] {strides = array<i32>} : memref<20000xi32, #tpu.memory_space<vmem>>, vector<16xi32>,
      %parallel_loop3A_132 = tpu.vector_load_idx %arg11[%parallel_loop3A_129] : memref<10000xf32, #tpu.memory_space<vmem>>[vector<16xi32>], vector<16xf32>,
      tpu.vector_store_idx %arg12[%parallel_loop3A_131], %parallel_loop3A_132 {add = true} : memref<10000xf32, #tpu.memory_space<vmem>>[vector<16xi32>], vector<16xf32>,
    } {sc.loop_unroll_factor = 5 : i64, sc.parallel_access}
    %dma_wait3A_37 = tpu.memref_slice %arg3[%add3A_27] : memref<320000xi32, #tpu.memory_space<hbm>> -> memref<20000xi32, #tpu.memory_space<hbm>>
    %dma_wait3A_38 = tpu.memref_slice %arg3[%add3A_27] : memref<320000xi32, #tpu.memory_space<hbm>> -> memref<20000xi32, #tpu.memory_space<hbm>>
    tpu.wait_dma2 semaphore(%arg13 : memref<!tpu.dma_semaphore, #tpu.memory_space<semaphore_mem>>) src(%dma_wait3A_38 : memref<20000xi32, #tpu.memory_space<hbm>>) dst(%arg7 : memref<20000xi32, #tpu.memory_space<vmem>>)
    %dma_wait3A_39 = tpu.memref_slice %arg4[%add3A_31] : memref<320000xi32, #tpu.memory_space<hbm>> -> memref<20000xi32, #tpu.memory_space<hbm>>
    %dma_wait3A_40 = tpu.memref_slice %arg4[%add3A_31] : memref<320000xi32, #tpu.memory_space<hbm>> -> memref<20000xi32, #tpu.memory_space<hbm>>
    tpu.wait_dma2 semaphore(%arg13 : memref<!tpu.dma_semaphore, #tpu.memory_space<semaphore_mem>>) src(%dma_wait3A_40 : memref<20000xi32, #tpu.memory_space<hbm>>) dst(%arg8 : memref<20000xi32, #tpu.memory_space<vmem>>)
    %add3A_41 = arith.constant 60000 : i32
    %add3A_42 = arith.addi %mul3A_2, %add3A_41 : i32
    %dma_start3A_43 = tpu.memref_slice %arg3[%add3A_42] : memref<320000xi32, #tpu.memory_space<hbm>> -> memref<20000xi32, #tpu.memory_space<hbm>>
    %dma_start3A_44 = tpu.memref_slice %arg3[%add3A_42] : memref<320000xi32, #tpu.memory_space<hbm>> -> memref<20000xi32, #tpu.memory_space<hbm>>
    tpu.enqueue_dma source(%dma_start3A_44 : memref<20000xi32, #tpu.memory_space<hbm>>) target(%arg9 : memref<20000xi32, #tpu.memory_space<vmem>>) target_semaphore(%arg14 : memref<!tpu.dma_semaphore, #tpu.memory_space<semaphore_mem>>)
    %add3A_45 = arith.constant 60000 : i32
    %add3A_46 = arith.addi %mul3A_2, %add3A_45 : i32
    %dma_start3A_47 = tpu.memref_slice %arg4[%add3A_46] : memref<320000xi32, #tpu.memory_space<hbm>> -> memref<20000xi32, #tpu.memory_space<hbm>>
    %dma_start3A_48 = tpu.memref_slice %arg4[%add3A_46] : memref<320000xi32, #tpu.memory_space<hbm>> -> memref<20000xi32, #tpu.memory_space<hbm>>
    tpu.enqueue_dma source(%dma_start3A_48 : memref<20000xi32, #tpu.memory_space<hbm>>) target(%arg10 : memref<20000xi32, #tpu.memory_space<vmem>>) target_semaphore(%arg14 : memref<!tpu.dma_semaphore, #tpu.memory_space<semaphore_mem>>)
    %parallel_loop3A_49 = arith.constant 0 : i32
    %parallel_loop3A_50 = arith.constant 1250 : i32
    %parallel_loop3A_51 = arith.constant 1 : i32
    scf.for %parallel_loop3A_124 = %parallel_loop3A_49 to %parallel_loop3A_50 step %parallel_loop3A_51  : i32 {
      %parallel_loop3A_125 = arith.constant 16 : i32
      %parallel_loop3A_126 = arith.muli %parallel_loop3A_124, %parallel_loop3A_125 : i32
      %parallel_loop3A_127 = tpu.assume_multiple %parallel_loop3A_126, 16 : i32
      %parallel_loop3A_128 = arith.index_cast %parallel_loop3A_127 : i32 to index
      %parallel_loop3A_129 = tpu.vector_load %arg7[%parallel_loop3A_128] {strides = array<i32>} : memref<20000xi32, #tpu.memory_space<vmem>>, vector<16xi32>,
      %parallel_loop3A_130 = arith.index_cast %parallel_loop3A_127 : i32 to index
      %parallel_loop3A_131 = tpu.vector_load %arg8[%parallel_loop3A_130] {strides = array<i32>} : memref<20000xi32, #tpu.memory_space<vmem>>, vector<16xi32>,
      %parallel_loop3A_132 = tpu.vector_load_idx %arg11[%parallel_loop3A_129] : memref<10000xf32, #tpu.memory_space<vmem>>[vector<16xi32>], vector<16xf32>,
      tpu.vector_store_idx %arg12[%parallel_loop3A_131], %parallel_loop3A_132 {add = true} : memref<10000xf32, #tpu.memory_space<vmem>>[vector<16xi32>], vector<16xf32>,
    } {sc.loop_unroll_factor = 5 : i64, sc.parallel_access}
    %dma_wait3A_52 = tpu.memref_slice %arg3[%add3A_42] : memref<320000xi32, #tpu.memory_space<hbm>> -> memref<20000xi32, #tpu.memory_space<hbm>>
    %dma_wait3A_53 = tpu.memref_slice %arg3[%add3A_42] : memref<320000xi32, #tpu.memory_space<hbm>> -> memref<20000xi32, #tpu.memory_space<hbm>>
    tpu.wait_dma2 semaphore(%arg14 : memref<!tpu.dma_semaphore, #tpu.memory_space<semaphore_mem>>) src(%dma_wait3A_53 : memref<20000xi32, #tpu.memory_space<hbm>>) dst(%arg9 : memref<20000xi32, #tpu.memory_space<vmem>>)
    %dma_wait3A_54 = tpu.memref_slice %arg4[%add3A_46] : memref<320000xi32, #tpu.memory_space<hbm>> -> memref<20000xi32, #tpu.memory_space<hbm>>
    %dma_wait3A_55 = tpu.memref_slice %arg4[%add3A_46] : memref<320000xi32, #tpu.memory_space<hbm>> -> memref<20000xi32, #tpu.memory_space<hbm>>
    tpu.wait_dma2 semaphore(%arg14 : memref<!tpu.dma_semaphore, #tpu.memory_space<semaphore_mem>>) src(%dma_wait3A_55 : memref<20000xi32, #tpu.memory_space<hbm>>) dst(%arg10 : memref<20000xi32, #tpu.memory_space<vmem>>)
    %add3A_56 = arith.constant 80000 : i32
    %add3A_57 = arith.addi %mul3A_2, %add3A_56 : i32
    %dma_start3A_58 = tpu.memref_slice %arg3[%add3A_57] : memref<320000xi32, #tpu.memory_space<hbm>> -> memref<20000xi32, #tpu.memory_space<hbm>>
    %dma_start3A_59 = tpu.memref_slice %arg3[%add3A_57] : memref<320000xi32, #tpu.memory_space<hbm>> -> memref<20000xi32, #tpu.memory_space<hbm>>
    tpu.enqueue_dma source(%dma_start3A_59 : memref<20000xi32, #tpu.memory_space<hbm>>) target(%arg7 : memref<20000xi32, #tpu.memory_space<vmem>>) target_semaphore(%arg13 : memref<!tpu.dma_semaphore, #tpu.memory_space<semaphore_mem>>)
    %add3A_60 = arith.constant 80000 : i32
    %add3A_61 = arith.addi %mul3A_2, %add3A_60 : i32
    %dma_start3A_62 = tpu.memref_slice %arg4[%add3A_61] : memref<320000xi32, #tpu.memory_space<hbm>> -> memref<20000xi32, #tpu.memory_space<hbm>>
    %dma_start3A_63 = tpu.memref_slice %arg4[%add3A_61] : memref<320000xi32, #tpu.memory_space<hbm>> -> memref<20000xi32, #tpu.memory_space<hbm>>
    tpu.enqueue_dma source(%dma_start3A_63 : memref<20000xi32, #tpu.memory_space<hbm>>) target(%arg8 : memref<20000xi32, #tpu.memory_space<vmem>>) target_semaphore(%arg13 : memref<!tpu.dma_semaphore, #tpu.memory_space<semaphore_mem>>)
    %parallel_loop3A_64 = arith.constant 0 : i32
    %parallel_loop3A_65 = arith.constant 1250 : i32
    %parallel_loop3A_66 = arith.constant 1 : i32
    scf.for %parallel_loop3A_124 = %parallel_loop3A_64 to %parallel_loop3A_65 step %parallel_loop3A_66  : i32 {
      %parallel_loop3A_125 = arith.constant 16 : i32
      %parallel_loop3A_126 = arith.muli %parallel_loop3A_124, %parallel_loop3A_125 : i32
      %parallel_loop3A_127 = tpu.assume_multiple %parallel_loop3A_126, 16 : i32
      %parallel_loop3A_128 = arith.index_cast %parallel_loop3A_127 : i32 to index
      %parallel_loop3A_129 = tpu.vector_load %arg9[%parallel_loop3A_128] {strides = array<i32>} : memref<20000xi32, #tpu.memory_space<vmem>>, vector<16xi32>,
      %parallel_loop3A_130 = arith.index_cast %parallel_loop3A_127 : i32 to index
      %parallel_loop3A_131 = tpu.vector_load %arg10[%parallel_loop3A_130] {strides = array<i32>} : memref<20000xi32, #tpu.memory_space<vmem>>, vector<16xi32>,
      %parallel_loop3A_132 = tpu.vector_load_idx %arg11[%parallel_loop3A_129] : memref<10000xf32, #tpu.memory_space<vmem>>[vector<16xi32>], vector<16xf32>,
      tpu.vector_store_idx %arg12[%parallel_loop3A_131], %parallel_loop3A_132 {add = true} : memref<10000xf32, #tpu.memory_space<vmem>>[vector<16xi32>], vector<16xf32>,
    } {sc.loop_unroll_factor = 5 : i64, sc.parallel_access}
    %dma_wait3A_67 = tpu.memref_slice %arg3[%add3A_57] : memref<320000xi32, #tpu.memory_space<hbm>> -> memref<20000xi32, #tpu.memory_space<hbm>>
    %dma_wait3A_68 = tpu.memref_slice %arg3[%add3A_57] : memref<320000xi32, #tpu.memory_space<hbm>> -> memref<20000xi32, #tpu.memory_space<hbm>>
    tpu.wait_dma2 semaphore(%arg13 : memref<!tpu.dma_semaphore, #tpu.memory_space<semaphore_mem>>) src(%dma_wait3A_68 : memref<20000xi32, #tpu.memory_space<hbm>>) dst(%arg7 : memref<20000xi32, #tpu.memory_space<vmem>>)
    %dma_wait3A_69 = tpu.memref_slice %arg4[%add3A_61] : memref<320000xi32, #tpu.memory_space<hbm>> -> memref<20000xi32, #tpu.memory_space<hbm>>
    %dma_wait3A_70 = tpu.memref_slice %arg4[%add3A_61] : memref<320000xi32, #tpu.memory_space<hbm>> -> memref<20000xi32, #tpu.memory_space<hbm>>
    tpu.wait_dma2 semaphore(%arg13 : memref<!tpu.dma_semaphore, #tpu.memory_space<semaphore_mem>>) src(%dma_wait3A_70 : memref<20000xi32, #tpu.memory_space<hbm>>) dst(%arg8 : memref<20000xi32, #tpu.memory_space<vmem>>)
    %add3A_71 = arith.constant 100000 : i32
    %add3A_72 = arith.addi %mul3A_2, %add3A_71 : i32
    %dma_start3A_73 = tpu.memref_slice %arg3[%add3A_72] : memref<320000xi32, #tpu.memory_space<hbm>> -> memref<20000xi32, #tpu.memory_space<hbm>>
    %dma_start3A_74 = tpu.memref_slice %arg3[%add3A_72] : memref<320000xi32, #tpu.memory_space<hbm>> -> memref<20000xi32, #tpu.memory_space<hbm>>
    tpu.enqueue_dma source(%dma_start3A_74 : memref<20000xi32, #tpu.memory_space<hbm>>) target(%arg9 : memref<20000xi32, #tpu.memory_space<vmem>>) target_semaphore(%arg14 : memref<!tpu.dma_semaphore, #tpu.memory_space<semaphore_mem>>)
    %add3A_75 = arith.constant 100000 : i32
    %add3A_76 = arith.addi %mul3A_2, %add3A_75 : i32
    %dma_start3A_77 = tpu.memref_slice %arg4[%add3A_76] : memref<320000xi32, #tpu.memory_space<hbm>> -> memref<20000xi32, #tpu.memory_space<hbm>>
    %dma_start3A_78 = tpu.memref_slice %arg4[%add3A_76] : memref<320000xi32, #tpu.memory_space<hbm>> -> memref<20000xi32, #tpu.memory_space<hbm>>
    tpu.enqueue_dma source(%dma_start3A_78 : memref<20000xi32, #tpu.memory_space<hbm>>) target(%arg10 : memref<20000xi32, #tpu.memory_space<vmem>>) target_semaphore(%arg14 : memref<!tpu.dma_semaphore, #tpu.memory_space<semaphore_mem>>)
    %parallel_loop3A_79 = arith.constant 0 : i32
    %parallel_loop3A_80 = arith.constant 1250 : i32
    %parallel_loop3A_81 = arith.constant 1 : i32
    scf.for %parallel_loop3A_124 = %parallel_loop3A_79 to %parallel_loop3A_80 step %parallel_loop3A_81  : i32 {
      %parallel_loop3A_125 = arith.constant 16 : i32
      %parallel_loop3A_126 = arith.muli %parallel_loop3A_124, %parallel_loop3A_125 : i32
      %parallel_loop3A_127 = tpu.assume_multiple %parallel_loop3A_126, 16 : i32
      %parallel_loop3A_128 = arith.index_cast %parallel_loop3A_127 : i32 to index
      %parallel_loop3A_129 = tpu.vector_load %arg7[%parallel_loop3A_128] {strides = array<i32>} : memref<20000xi32, #tpu.memory_space<vmem>>, vector<16xi32>,
      %parallel_loop3A_130 = arith.index_cast %parallel_loop3A_127 : i32 to index
      %parallel_loop3A_131 = tpu.vector_load %arg8[%parallel_loop3A_130] {strides = array<i32>} : memref<20000xi32, #tpu.memory_space<vmem>>, vector<16xi32>,
      %parallel_loop3A_132 = tpu.vector_load_idx %arg11[%parallel_loop3A_129] : memref<10000xf32, #tpu.memory_space<vmem>>[vector<16xi32>], vector<16xf32>,
      tpu.vector_store_idx %arg12[%parallel_loop3A_131], %parallel_loop3A_132 {add = true} : memref<10000xf32, #tpu.memory_space<vmem>>[vector<16xi32>], vector<16xf32>,
    } {sc.loop_unroll_factor = 5 : i64, sc.parallel_access}
    %dma_wait3A_82 = tpu.memref_slice %arg3[%add3A_72] : memref<320000xi32, #tpu.memory_space<hbm>> -> memref<20000xi32, #tpu.memory_space<hbm>>
    %dma_wait3A_83 = tpu.memref_slice %arg3[%add3A_72] : memref<320000xi32, #tpu.memory_space<hbm>> -> memref<20000xi32, #tpu.memory_space<hbm>>
    tpu.wait_dma2 semaphore(%arg14 : memref<!tpu.dma_semaphore, #tpu.memory_space<semaphore_mem>>) src(%dma_wait3A_83 : memref<20000xi32, #tpu.memory_space<hbm>>) dst(%arg9 : memref<20000xi32, #tpu.memory_space<vmem>>)
    %dma_wait3A_84 = tpu.memref_slice %arg4[%add3A_76] : memref<320000xi32, #tpu.memory_space<hbm>> -> memref<20000xi32, #tpu.memory_space<hbm>>
    %dma_wait3A_85 = tpu.memref_slice %arg4[%add3A_76] : memref<320000xi32, #tpu.memory_space<hbm>> -> memref<20000xi32, #tpu.memory_space<hbm>>
    tpu.wait_dma2 semaphore(%arg14 : memref<!tpu.dma_semaphore, #tpu.memory_space<semaphore_mem>>) src(%dma_wait3A_85 : memref<20000xi32, #tpu.memory_space<hbm>>) dst(%arg10 : memref<20000xi32, #tpu.memory_space<vmem>>)
    %add3A_86 = arith.constant 120000 : i32
    %add3A_87 = arith.addi %mul3A_2, %add3A_86 : i32
    %dma_start3A_88 = tpu.memref_slice %arg3[%add3A_87] : memref<320000xi32, #tpu.memory_space<hbm>> -> memref<20000xi32, #tpu.memory_space<hbm>>
    %dma_start3A_89 = tpu.memref_slice %arg3[%add3A_87] : memref<320000xi32, #tpu.memory_space<hbm>> -> memref<20000xi32, #tpu.memory_space<hbm>>
    tpu.enqueue_dma source(%dma_start3A_89 : memref<20000xi32, #tpu.memory_space<hbm>>) target(%arg7 : memref<20000xi32, #tpu.memory_space<vmem>>) target_semaphore(%arg13 : memref<!tpu.dma_semaphore, #tpu.memory_space<semaphore_mem>>)
    %add3A_90 = arith.constant 120000 : i32
    %add3A_91 = arith.addi %mul3A_2, %add3A_90 : i32
    %dma_start3A_92 = tpu.memref_slice %arg4[%add3A_91] : memref<320000xi32, #tpu.memory_space<hbm>> -> memref<20000xi32, #tpu.memory_space<hbm>>
    %dma_start3A_93 = tpu.memref_slice %arg4[%add3A_91] : memref<320000xi32, #tpu.memory_space<hbm>> -> memref<20000xi32, #tpu.memory_space<hbm>>
    tpu.enqueue_dma source(%dma_start3A_93 : memref<20000xi32, #tpu.memory_space<hbm>>) target(%arg8 : memref<20000xi32, #tpu.memory_space<vmem>>) target_semaphore(%arg13 : memref<!tpu.dma_semaphore, #tpu.memory_space<semaphore_mem>>)
    %parallel_loop3A_94 = arith.constant 0 : i32
    %parallel_loop3A_95 = arith.constant 1250 : i32
    %parallel_loop3A_96 = arith.constant 1 : i32
    scf.for %parallel_loop3A_124 = %parallel_loop3A_94 to %parallel_loop3A_95 step %parallel_loop3A_96  : i32 {
      %parallel_loop3A_125 = arith.constant 16 : i32
      %parallel_loop3A_126 = arith.muli %parallel_loop3A_124, %parallel_loop3A_125 : i32
      %parallel_loop3A_127 = tpu.assume_multiple %parallel_loop3A_126, 16 : i32
      %parallel_loop3A_128 = arith.index_cast %parallel_loop3A_127 : i32 to index
      %parallel_loop3A_129 = tpu.vector_load %arg9[%parallel_loop3A_128] {strides = array<i32>} : memref<20000xi32, #tpu.memory_space<vmem>>, vector<16xi32>,
      %parallel_loop3A_130 = arith.index_cast %parallel_loop3A_127 : i32 to index
      %parallel_loop3A_131 = tpu.vector_load %arg10[%parallel_loop3A_130] {strides = array<i32>} : memref<20000xi32, #tpu.memory_space<vmem>>, vector<16xi32>,
      %parallel_loop3A_132 = tpu.vector_load_idx %arg11[%parallel_loop3A_129] : memref<10000xf32, #tpu.memory_space<vmem>>[vector<16xi32>], vector<16xf32>,
      tpu.vector_store_idx %arg12[%parallel_loop3A_131], %parallel_loop3A_132 {add = true} : memref<10000xf32, #tpu.memory_space<vmem>>[vector<16xi32>], vector<16xf32>,
    } {sc.loop_unroll_factor = 5 : i64, sc.parallel_access}
    %dma_wait3A_97 = tpu.memref_slice %arg3[%add3A_87] : memref<320000xi32, #tpu.memory_space<hbm>> -> memref<20000xi32, #tpu.memory_space<hbm>>
    %dma_wait3A_98 = tpu.memref_slice %arg3[%add3A_87] : memref<320000xi32, #tpu.memory_space<hbm>> -> memref<20000xi32, #tpu.memory_space<hbm>>
    tpu.wait_dma2 semaphore(%arg13 : memref<!tpu.dma_semaphore, #tpu.memory_space<semaphore_mem>>) src(%dma_wait3A_98 : memref<20000xi32, #tpu.memory_space<hbm>>) dst(%arg7 : memref<20000xi32, #tpu.memory_space<vmem>>)
    %dma_wait3A_99 = tpu.memref_slice %arg4[%add3A_91] : memref<320000xi32, #tpu.memory_space<hbm>> -> memref<20000xi32, #tpu.memory_space<hbm>>
    %dma_wait3A_100 = tpu.memref_slice %arg4[%add3A_91] : memref<320000xi32, #tpu.memory_space<hbm>> -> memref<20000xi32, #tpu.memory_space<hbm>>
    tpu.wait_dma2 semaphore(%arg13 : memref<!tpu.dma_semaphore, #tpu.memory_space<semaphore_mem>>) src(%dma_wait3A_100 : memref<20000xi32, #tpu.memory_space<hbm>>) dst(%arg8 : memref<20000xi32, #tpu.memory_space<vmem>>)
    %add3A_101 = arith.constant 140000 : i32
    %add3A_102 = arith.addi %mul3A_2, %add3A_101 : i32
    %dma_start3A_103 = tpu.memref_slice %arg3[%add3A_102] : memref<320000xi32, #tpu.memory_space<hbm>> -> memref<20000xi32, #tpu.memory_space<hbm>>
    %dma_start3A_104 = tpu.memref_slice %arg3[%add3A_102] : memref<320000xi32, #tpu.memory_space<hbm>> -> memref<20000xi32, #tpu.memory_space<hbm>>
    tpu.enqueue_dma source(%dma_start3A_104 : memref<20000xi32, #tpu.memory_space<hbm>>) target(%arg9 : memref<20000xi32, #tpu.memory_space<vmem>>) target_semaphore(%arg14 : memref<!tpu.dma_semaphore, #tpu.memory_space<semaphore_mem>>)
    %add3A_105 = arith.constant 140000 : i32
    %add3A_106 = arith.addi %mul3A_2, %add3A_105 : i32
    %dma_start3A_107 = tpu.memref_slice %arg4[%add3A_106] : memref<320000xi32, #tpu.memory_space<hbm>> -> memref<20000xi32, #tpu.memory_space<hbm>>
    %dma_start3A_108 = tpu.memref_slice %arg4[%add3A_106] : memref<320000xi32, #tpu.memory_space<hbm>> -> memref<20000xi32, #tpu.memory_space<hbm>>
    tpu.enqueue_dma source(%dma_start3A_108 : memref<20000xi32, #tpu.memory_space<hbm>>) target(%arg10 : memref<20000xi32, #tpu.memory_space<vmem>>) target_semaphore(%arg14 : memref<!tpu.dma_semaphore, #tpu.memory_space<semaphore_mem>>)
    %parallel_loop3A_109 = arith.constant 0 : i32
    %parallel_loop3A_110 = arith.constant 1250 : i32
    %parallel_loop3A_111 = arith.constant 1 : i32
    scf.for %parallel_loop3A_124 = %parallel_loop3A_109 to %parallel_loop3A_110 step %parallel_loop3A_111  : i32 {
      %parallel_loop3A_125 = arith.constant 16 : i32
      %parallel_loop3A_126 = arith.muli %parallel_loop3A_124, %parallel_loop3A_125 : i32
      %parallel_loop3A_127 = tpu.assume_multiple %parallel_loop3A_126, 16 : i32
      %parallel_loop3A_128 = arith.index_cast %parallel_loop3A_127 : i32 to index
      %parallel_loop3A_129 = tpu.vector_load %arg7[%parallel_loop3A_128] {strides = array<i32>} : memref<20000xi32, #tpu.memory_space<vmem>>, vector<16xi32>,
      %parallel_loop3A_130 = arith.index_cast %parallel_loop3A_127 : i32 to index
      %parallel_loop3A_131 = tpu.vector_load %arg8[%parallel_loop3A_130] {strides = array<i32>} : memref<20000xi32, #tpu.memory_space<vmem>>, vector<16xi32>,
      %parallel_loop3A_132 = tpu.vector_load_idx %arg11[%parallel_loop3A_129] : memref<10000xf32, #tpu.memory_space<vmem>>[vector<16xi32>], vector<16xf32>,
      tpu.vector_store_idx %arg12[%parallel_loop3A_131], %parallel_loop3A_132 {add = true} : memref<10000xf32, #tpu.memory_space<vmem>>[vector<16xi32>], vector<16xf32>,
    } {sc.loop_unroll_factor = 5 : i64, sc.parallel_access}
    %dma_wait3A_112 = tpu.memref_slice %arg3[%add3A_102] : memref<320000xi32, #tpu.memory_space<hbm>> -> memref<20000xi32, #tpu.memory_space<hbm>>
    %dma_wait3A_113 = tpu.memref_slice %arg3[%add3A_102] : memref<320000xi32, #tpu.memory_space<hbm>> -> memref<20000xi32, #tpu.memory_space<hbm>>
    tpu.wait_dma2 semaphore(%arg14 : memref<!tpu.dma_semaphore, #tpu.memory_space<semaphore_mem>>) src(%dma_wait3A_113 : memref<20000xi32, #tpu.memory_space<hbm>>) dst(%arg9 : memref<20000xi32, #tpu.memory_space<vmem>>)
    %dma_wait3A_114 = tpu.memref_slice %arg4[%add3A_106] : memref<320000xi32, #tpu.memory_space<hbm>> -> memref<20000xi32, #tpu.memory_space<hbm>>
    %dma_wait3A_115 = tpu.memref_slice %arg4[%add3A_106] : memref<320000xi32, #tpu.memory_space<hbm>> -> memref<20000xi32, #tpu.memory_space<hbm>>
    tpu.wait_dma2 semaphore(%arg14 : memref<!tpu.dma_semaphore, #tpu.memory_space<semaphore_mem>>) src(%dma_wait3A_115 : memref<20000xi32, #tpu.memory_space<hbm>>) dst(%arg10 : memref<20000xi32, #tpu.memory_space<vmem>>)
    %parallel_loop3A_116 = arith.constant 0 : i32
    %parallel_loop3A_117 = arith.constant 1250 : i32
    %parallel_loop3A_118 = arith.constant 1 : i32
    scf.for %parallel_loop3A_124 = %parallel_loop3A_116 to %parallel_loop3A_117 step %parallel_loop3A_118  : i32 {
      %parallel_loop3A_125 = arith.constant 16 : i32
      %parallel_loop3A_126 = arith.muli %parallel_loop3A_124, %parallel_loop3A_125 : i32
      %parallel_loop3A_127 = tpu.assume_multiple %parallel_loop3A_126, 16 : i32
      %parallel_loop3A_128 = arith.index_cast %parallel_loop3A_127 : i32 to index
      %parallel_loop3A_129 = tpu.vector_load %arg9[%parallel_loop3A_128] {strides = array<i32>} : memref<20000xi32, #tpu.memory_space<vmem>>, vector<16xi32>,
      %parallel_loop3A_130 = arith.index_cast %parallel_loop3A_127 : i32 to index
      %parallel_loop3A_131 = tpu.vector_load %arg10[%parallel_loop3A_130] {strides = array<i32>} : memref<20000xi32, #tpu.memory_space<vmem>>, vector<16xi32>,
      %parallel_loop3A_132 = tpu.vector_load_idx %arg11[%parallel_loop3A_129] : memref<10000xf32, #tpu.memory_space<vmem>>[vector<16xi32>], vector<16xf32>,
      tpu.vector_store_idx %arg12[%parallel_loop3A_131], %parallel_loop3A_132 {add = true} : memref<10000xf32, #tpu.memory_space<vmem>>[vector<16xi32>], vector<16xf32>,
    } {sc.loop_unroll_factor = 5 : i64, sc.parallel_access}
    %mul3A_119 = arith.constant 16 : i32
    %mul3A_120 = arith.muli %arg0, %mul3A_119 : i32
    %add3A_121 = arith.addi %mul3A_120, %arg1 : i32
    %mul3A_122 = arith.constant 10000 : i32
    %mul3A_123 = arith.muli %add3A_121, %mul3A_122 : i32
    "tpu.region"() ({
      %run_scoped3A = tpu.sem_alloc : memref<!tpu.dma_semaphore, #tpu.memory_space<semaphore_mem>>
      %dma_start3A_124 = tpu.memref_slice %arg6[%mul3A_123] : memref<320000xf32, #tpu.memory_space<hbm>> -> memref<10000xf32, #tpu.memory_space<hbm>>
      %dma_start3A_125 = tpu.memref_slice %arg6[%mul3A_123] : memref<320000xf32, #tpu.memory_space<hbm>> -> memref<10000xf32, #tpu.memory_space<hbm>>
      tpu.enqueue_dma source(%arg12 : memref<10000xf32, #tpu.memory_space<vmem>>) target(%dma_start3A_125 : memref<10000xf32, #tpu.memory_space<hbm>>) target_semaphore(%run_scoped3A : memref<!tpu.dma_semaphore, #tpu.memory_space<semaphore_mem>>)
      %dma_wait3A_126 = tpu.memref_slice %arg6[%mul3A_123] : memref<320000xf32, #tpu.memory_space<hbm>> -> memref<10000xf32, #tpu.memory_space<hbm>>
      %dma_wait3A_127 = tpu.memref_slice %arg6[%mul3A_123] : memref<320000xf32, #tpu.memory_space<hbm>> -> memref<10000xf32, #tpu.memory_space<hbm>>
      tpu.wait_dma2 semaphore(%run_scoped3A : memref<!tpu.dma_semaphore, #tpu.memory_space<semaphore_mem>>) src(%arg12 : memref<10000xf32, #tpu.memory_space<vmem>>) dst(%dma_wait3A_127 : memref<10000xf32, #tpu.memory_space<hbm>>)
      tpu.yield
    }) : () -> ()
    return
  }
}

#map = affine_map<(d0, d1) -> (0)>
module attributes {stable_mosaic.version = 14 : i64} {
  func.func @_deg_kernel(%arg0: i32, %arg1: i32, %arg2: memref<320000xi32, #tpu.memory_space<hbm>>, %arg3: memref<10240xf32, #tpu.memory_space<hbm>>, %arg4: memref<20480xf32, #tpu.memory_space<hbm>>, %arg5: memref<10000xi32, #tpu.memory_space<vmem>>, %arg6: memref<10240xf32, #tpu.memory_space<vmem>>, %arg7: memref<640xf32, #tpu.memory_space<vmem>>, %arg8: memref<640xf32, #tpu.memory_space<vmem>>, %arg9: memref<16x10240xf32, #tpu.memory_space<vmem_shared>>) attributes {dimension_semantics = [#tpu.dimension_semantics<core_parallel>, #tpu.dimension_semantics<subcore_parallel>], iteration_bounds = array<i64: 2, 16>, scalar_prefetch = 0 : i64, scratch_operands = 5 : i64, tpu.core_type = #tpu.core_type<sc_vector_subcore>, window_params = [{transform_indices = #map}, {transform_indices = #map}, {transform_indices = #map}]} {
    %mul3A = arith.constant 16 : i32
    %mul3A_0 = arith.muli %arg0, %mul3A : i32
    %add3A = arith.addi %mul3A_0, %arg1 : i32
    "tpu.region"() ({
      %run_scoped3A_159 = tpu.sem_alloc : memref<!tpu.dma_semaphore, #tpu.memory_space<semaphore_mem>>
      %dma_start3A = arith.constant 0 : i32
      %dma_start3A_160 = tpu.memref_slice %arg3[%dma_start3A] : memref<10240xf32, #tpu.memory_space<hbm>> -> memref<10240xf32, #tpu.memory_space<hbm>>
      %dma_start3A_161 = arith.constant 0 : i32
      %dma_start3A_162 = tpu.memref_slice %arg3[%dma_start3A_161] : memref<10240xf32, #tpu.memory_space<hbm>> -> memref<10240xf32, #tpu.memory_space<hbm>>
      tpu.enqueue_dma source(%dma_start3A_162 : memref<10240xf32, #tpu.memory_space<hbm>>) target(%arg6 : memref<10240xf32, #tpu.memory_space<vmem>>) target_semaphore(%run_scoped3A_159 : memref<!tpu.dma_semaphore, #tpu.memory_space<semaphore_mem>>)
      %dma_wait3A = arith.constant 0 : i32
      %dma_wait3A_163 = tpu.memref_slice %arg3[%dma_wait3A] : memref<10240xf32, #tpu.memory_space<hbm>> -> memref<10240xf32, #tpu.memory_space<hbm>>
      %dma_wait3A_164 = arith.constant 0 : i32
      %dma_wait3A_165 = tpu.memref_slice %arg3[%dma_wait3A_164] : memref<10240xf32, #tpu.memory_space<hbm>> -> memref<10240xf32, #tpu.memory_space<hbm>>
      tpu.wait_dma2 semaphore(%run_scoped3A_159 : memref<!tpu.dma_semaphore, #tpu.memory_space<semaphore_mem>>) src(%dma_wait3A_165 : memref<10240xf32, #tpu.memory_space<hbm>>) dst(%arg6 : memref<10240xf32, #tpu.memory_space<vmem>>)
      tpu.yield
    }) : () -> ()
    %broadcast_in_dim3A = arith.constant 1.000000e+00 : f32
    %broadcast_in_dim3A_1 = vector.broadcast %broadcast_in_dim3A : f32 to vector<16xf32>
    %scan3A = arith.constant 0 : i32
    %scan3A_2 = arith.constant 0 : i32
    %mul3A_3 = arith.constant 10000 : i32
    %mul3A_4 = arith.muli %add3A, %mul3A_3 : i32
    %mul3A_5 = arith.constant 10000 : i32
    %mul3A_6 = arith.muli %scan3A_2, %mul3A_5 : i32
    %add3A_7 = arith.addi %mul3A_4, %mul3A_6 : i32
    "tpu.region"() ({
      %run_scoped3A_159 = tpu.sem_alloc : memref<!tpu.dma_semaphore, #tpu.memory_space<semaphore_mem>>
      %dma_start3A = tpu.memref_slice %arg2[%add3A_7] : memref<320000xi32, #tpu.memory_space<hbm>> -> memref<10000xi32, #tpu.memory_space<hbm>>
      %dma_start3A_160 = tpu.memref_slice %arg2[%add3A_7] : memref<320000xi32, #tpu.memory_space<hbm>> -> memref<10000xi32, #tpu.memory_space<hbm>>
      tpu.enqueue_dma source(%dma_start3A_160 : memref<10000xi32, #tpu.memory_space<hbm>>) target(%arg5 : memref<10000xi32, #tpu.memory_space<vmem>>) target_semaphore(%run_scoped3A_159 : memref<!tpu.dma_semaphore, #tpu.memory_space<semaphore_mem>>)
      %dma_wait3A = tpu.memref_slice %arg2[%add3A_7] : memref<320000xi32, #tpu.memory_space<hbm>> -> memref<10000xi32, #tpu.memory_space<hbm>>
      %dma_wait3A_161 = tpu.memref_slice %arg2[%add3A_7] : memref<320000xi32, #tpu.memory_space<hbm>> -> memref<10000xi32, #tpu.memory_space<hbm>>
      tpu.wait_dma2 semaphore(%run_scoped3A_159 : memref<!tpu.dma_semaphore, #tpu.memory_space<semaphore_mem>>) src(%dma_wait3A_161 : memref<10000xi32, #tpu.memory_space<hbm>>) dst(%arg5 : memref<10000xi32, #tpu.memory_space<vmem>>)
      tpu.yield
    }) : () -> ()
    %parallel_loop3A = arith.constant 0 : i32
    %parallel_loop3A_8 = arith.constant 625 : i32
    %parallel_loop3A_9 = arith.constant 1 : i32
    scf.for %parallel_loop3A_159 = %parallel_loop3A to %parallel_loop3A_8 step %parallel_loop3A_9  : i32 {
      %parallel_loop3A_160 = arith.constant 16 : i32
      %parallel_loop3A_161 = arith.muli %parallel_loop3A_159, %parallel_loop3A_160 : i32
      %parallel_loop3A_162 = tpu.assume_multiple %parallel_loop3A_161, 16 : i32
      %parallel_loop3A_163 = arith.index_cast %parallel_loop3A_162 : i32 to index
      %parallel_loop3A_164 = tpu.vector_load %arg5[%parallel_loop3A_163] {strides = array<i32>} : memref<10000xi32, #tpu.memory_space<vmem>>, vector<16xi32>,
      tpu.vector_store_idx %arg6[%parallel_loop3A_164], %broadcast_in_dim3A_1 {add = true} : memref<10240xf32, #tpu.memory_space<vmem>>[vector<16xi32>], vector<16xf32>,
    } {sc.loop_unroll_factor = 5 : i64, sc.parallel_access}
    %scan3A_10 = arith.constant 1 : i32
    "tpu.region"() ({
      %run_scoped3A_159 = tpu.sem_alloc : memref<!tpu.dma_semaphore, #tpu.memory_space<semaphore_mem>>
      %dma_start3A = arith.constant 0 : i32
      %dma_start3A_160 = tpu.memref_slice %arg9[%arg1, %dma_start3A] : memref<16x10240xf32, #tpu.memory_space<vmem_shared>> -> memref<1x10240xf32, #tpu.memory_space<vmem_shared>>
      %dma_start3A_161 = tpu.memref_squeeze %dma_start3A_160 : memref<1x10240xf32, #tpu.memory_space<vmem_shared>> -> memref<10240xf32, #tpu.memory_space<vmem_shared>>
      %dma_start3A_162 = arith.constant 0 : i32
      %dma_start3A_163 = tpu.memref_slice %arg9[%arg1, %dma_start3A_162] : memref<16x10240xf32, #tpu.memory_space<vmem_shared>> -> memref<1x10240xf32, #tpu.memory_space<vmem_shared>>
      %dma_start3A_164 = tpu.memref_squeeze %dma_start3A_163 : memref<1x10240xf32, #tpu.memory_space<vmem_shared>> -> memref<10240xf32, #tpu.memory_space<vmem_shared>>
      tpu.enqueue_dma source(%arg6 : memref<10240xf32, #tpu.memory_space<vmem>>) target(%dma_start3A_164 : memref<10240xf32, #tpu.memory_space<vmem_shared>>) target_semaphore(%run_scoped3A_159 : memref<!tpu.dma_semaphore, #tpu.memory_space<semaphore_mem>>)
      %dma_wait3A = arith.constant 0 : i32
      %dma_wait3A_165 = tpu.memref_slice %arg9[%arg1, %dma_wait3A] : memref<16x10240xf32, #tpu.memory_space<vmem_shared>> -> memref<1x10240xf32, #tpu.memory_space<vmem_shared>>
      %dma_wait3A_166 = tpu.memref_squeeze %dma_wait3A_165 : memref<1x10240xf32, #tpu.memory_space<vmem_shared>> -> memref<10240xf32, #tpu.memory_space<vmem_shared>>
      %dma_wait3A_167 = arith.constant 0 : i32
      %dma_wait3A_168 = tpu.memref_slice %arg9[%arg1, %dma_wait3A_167] : memref<16x10240xf32, #tpu.memory_space<vmem_shared>> -> memref<1x10240xf32, #tpu.memory_space<vmem_shared>>
      %dma_wait3A_169 = tpu.memref_squeeze %dma_wait3A_168 : memref<1x10240xf32, #tpu.memory_space<vmem_shared>> -> memref<10240xf32, #tpu.memory_space<vmem_shared>>
      tpu.wait_dma2 semaphore(%run_scoped3A_159 : memref<!tpu.dma_semaphore, #tpu.memory_space<semaphore_mem>>) src(%arg6 : memref<10240xf32, #tpu.memory_space<vmem>>) dst(%dma_wait3A_169 : memref<10240xf32, #tpu.memory_space<vmem_shared>>)
      tpu.yield
    }) : () -> ()
    %barrier3A = arith.constant 0 : index
    tpu.barrier barrier_id(%barrier3A)
    "tpu.region"() ({
      %run_scoped3A_159 = tpu.sem_alloc : memref<!tpu.dma_semaphore, #tpu.memory_space<semaphore_mem>>
      %dma_start3A = arith.constant 0 : i32
      %dma_start3A_160 = tpu.memref_slice %arg3[%dma_start3A] : memref<10240xf32, #tpu.memory_space<hbm>> -> memref<640xf32, #tpu.memory_space<hbm>>
      %dma_start3A_161 = arith.constant 0 : i32
      %dma_start3A_162 = tpu.memref_slice %arg3[%dma_start3A_161] : memref<10240xf32, #tpu.memory_space<hbm>> -> memref<640xf32, #tpu.memory_space<hbm>>
      tpu.enqueue_dma source(%dma_start3A_162 : memref<640xf32, #tpu.memory_space<hbm>>) target(%arg7 : memref<640xf32, #tpu.memory_space<vmem>>) target_semaphore(%run_scoped3A_159 : memref<!tpu.dma_semaphore, #tpu.memory_space<semaphore_mem>>)
      %dma_wait3A = arith.constant 0 : i32
      %dma_wait3A_163 = tpu.memref_slice %arg3[%dma_wait3A] : memref<10240xf32, #tpu.memory_space<hbm>> -> memref<640xf32, #tpu.memory_space<hbm>>
      %dma_wait3A_164 = arith.constant 0 : i32
      %dma_wait3A_165 = tpu.memref_slice %arg3[%dma_wait3A_164] : memref<10240xf32, #tpu.memory_space<hbm>> -> memref<640xf32, #tpu.memory_space<hbm>>
      tpu.wait_dma2 semaphore(%run_scoped3A_159 : memref<!tpu.dma_semaphore, #tpu.memory_space<semaphore_mem>>) src(%dma_wait3A_165 : memref<640xf32, #tpu.memory_space<hbm>>) dst(%arg7 : memref<640xf32, #tpu.memory_space<vmem>>)
      tpu.yield
    }) : () -> ()
    %mul3A_11 = arith.constant 640 : i32
    %mul3A_12 = arith.muli %arg1, %mul3A_11 : i32
    %run_scoped3A = arith.constant 0 : i32
    "tpu.region"() ({
      %run_scoped3A_159 = tpu.sem_alloc : memref<!tpu.dma_semaphore, #tpu.memory_space<semaphore_mem>>
      %dma_start3A = tpu.memref_slice %arg9[%run_scoped3A, %mul3A_12] : memref<16x10240xf32, #tpu.memory_space<vmem_shared>> -> memref<1x640xf32, #tpu.memory_space<vmem_shared>>
      %dma_start3A_160 = tpu.memref_squeeze %dma_start3A : memref<1x640xf32, #tpu.memory_space<vmem_shared>> -> memref<640xf32, #tpu.memory_space<vmem_shared>>
      %dma_start3A_161 = tpu.memref_slice %arg9[%run_scoped3A, %mul3A_12] : memref<16x10240xf32, #tpu.memory_space<vmem_shared>> -> memref<1x640xf32, #tpu.memory_space<vmem_shared>>
      %dma_start3A_162 = tpu.memref_squeeze %dma_start3A_161 : memref<1x640xf32, #tpu.memory_space<vmem_shared>> -> memref<640xf32, #tpu.memory_space<vmem_shared>>
      tpu.enqueue_dma source(%dma_start3A_162 : memref<640xf32, #tpu.memory_space<vmem_shared>>) target(%arg8 : memref<640xf32, #tpu.memory_space<vmem>>) target_semaphore(%run_scoped3A_159 : memref<!tpu.dma_semaphore, #tpu.memory_space<semaphore_mem>>)
      %dma_wait3A = tpu.memref_slice %arg9[%run_scoped3A, %mul3A_12] : memref<16x10240xf32, #tpu.memory_space<vmem_shared>> -> memref<1x640xf32, #tpu.memory_space<vmem_shared>>
      %dma_wait3A_163 = tpu.memref_squeeze %dma_wait3A : memref<1x640xf32, #tpu.memory_space<vmem_shared>> -> memref<640xf32, #tpu.memory_space<vmem_shared>>
      %dma_wait3A_164 = tpu.memref_slice %arg9[%run_scoped3A, %mul3A_12] : memref<16x10240xf32, #tpu.memory_space<vmem_shared>> -> memref<1x640xf32, #tpu.memory_space<vmem_shared>>
      %dma_wait3A_165 = tpu.memref_squeeze %dma_wait3A_164 : memref<1x640xf32, #tpu.memory_space<vmem_shared>> -> memref<640xf32, #tpu.memory_space<vmem_shared>>
      tpu.wait_dma2 semaphore(%run_scoped3A_159 : memref<!tpu.dma_semaphore, #tpu.memory_space<semaphore_mem>>) src(%dma_wait3A_165 : memref<640xf32, #tpu.memory_space<vmem_shared>>) dst(%arg8 : memref<640xf32, #tpu.memory_space<vmem>>)
      tpu.yield
    }) : () -> ()
    %scan3A_13 = arith.constant 0 : i32
    %scan3A_14 = arith.constant 0 : i32
    %scan3A_15 = arith.constant 40 : i32
    %scan3A_16 = arith.addi %scan3A_14, %scan3A_15 : i32
    %scan3A_17 = arith.constant 1 : i32
    scf.for %scan3A_159 = %scan3A_14 to %scan3A_16 step %scan3A_17  : i32 {
      %mul3A_160 = arith.constant 16 : i32
      %mul3A_161 = arith.muli %scan3A_159, %mul3A_160 : i32
      %multiple_of3A = tpu.assume_multiple %mul3A_161, 16 : i32
      %get3A = arith.index_cast %multiple_of3A : i32 to index
      %get3A_162 = tpu.vector_load %arg7[%get3A] {strides = array<i32>} : memref<640xf32, #tpu.memory_space<vmem>>, vector<16xf32>,
      %get3A_163 = arith.index_cast %multiple_of3A : i32 to index
      %get3A_164 = tpu.vector_load %arg8[%get3A_163] {strides = array<i32>} : memref<640xf32, #tpu.memory_space<vmem>>, vector<16xf32>,
      %add3A_165 = arith.addf %get3A_162, %get3A_164 : vector<16xf32>
      %swap3A = arith.index_cast %multiple_of3A : i32 to index
      %swap3A_166 = tpu.vector_load %arg7[%swap3A] {strides = array<i32>} : memref<640xf32, #tpu.memory_space<vmem>>, vector<16xf32>,
      tpu.vector_store %arg7[%swap3A], %add3A_165 {strides = array<i32>} : memref<640xf32, #tpu.memory_space<vmem>>, vector<16xf32>,
    }
    %scan3A_18 = arith.constant 40 : i32
    %mul3A_19 = arith.constant 640 : i32
    %mul3A_20 = arith.muli %arg1, %mul3A_19 : i32
    %run_scoped3A_21 = arith.constant 1 : i32
    "tpu.region"() ({
      %run_scoped3A_159 = tpu.sem_alloc : memref<!tpu.dma_semaphore, #tpu.memory_space<semaphore_mem>>
      %dma_start3A = tpu.memref_slice %arg9[%run_scoped3A_21, %mul3A_20] : memref<16x10240xf32, #tpu.memory_space<vmem_shared>> -> memref<1x640xf32, #tpu.memory_space<vmem_shared>>
      %dma_start3A_160 = tpu.memref_squeeze %dma_start3A : memref<1x640xf32, #tpu.memory_space<vmem_shared>> -> memref<640xf32, #tpu.memory_space<vmem_shared>>
      %dma_start3A_161 = tpu.memref_slice %arg9[%run_scoped3A_21, %mul3A_20] : memref<16x10240xf32, #tpu.memory_space<vmem_shared>> -> memref<1x640xf32, #tpu.memory_space<vmem_shared>>
      %dma_start3A_162 = tpu.memref_squeeze %dma_start3A_161 : memref<1x640xf32, #tpu.memory_space<vmem_shared>> -> memref<640xf32, #tpu.memory_space<vmem_shared>>
      tpu.enqueue_dma source(%dma_start3A_162 : memref<640xf32, #tpu.memory_space<vmem_shared>>) target(%arg8 : memref<640xf32, #tpu.memory_space<vmem>>) target_semaphore(%run_scoped3A_159 : memref<!tpu.dma_semaphore, #tpu.memory_space<semaphore_mem>>)
      %dma_wait3A = tpu.memref_slice %arg9[%run_scoped3A_21, %mul3A_20] : memref<16x10240xf32, #tpu.memory_space<vmem_shared>> -> memref<1x640xf32, #tpu.memory_space<vmem_shared>>
      %dma_wait3A_163 = tpu.memref_squeeze %dma_wait3A : memref<1x640xf32, #tpu.memory_space<vmem_shared>> -> memref<640xf32, #tpu.memory_space<vmem_shared>>
      %dma_wait3A_164 = tpu.memref_slice %arg9[%run_scoped3A_21, %mul3A_20] : memref<16x10240xf32, #tpu.memory_space<vmem_shared>> -> memref<1x640xf32, #tpu.memory_space<vmem_shared>>
      %dma_wait3A_165 = tpu.memref_squeeze %dma_wait3A_164 : memref<1x640xf32, #tpu.memory_space<vmem_shared>> -> memref<640xf32, #tpu.memory_space<vmem_shared>>
      tpu.wait_dma2 semaphore(%run_scoped3A_159 : memref<!tpu.dma_semaphore, #tpu.memory_space<semaphore_mem>>) src(%dma_wait3A_165 : memref<640xf32, #tpu.memory_space<vmem_shared>>) dst(%arg8 : memref<640xf32, #tpu.memory_space<vmem>>)
      tpu.yield
    }) : () -> ()
    %scan3A_22 = arith.constant 0 : i32
    %scan3A_23 = arith.constant 0 : i32
    %scan3A_24 = arith.constant 40 : i32
    %scan3A_25 = arith.addi %scan3A_23, %scan3A_24 : i32
    %scan3A_26 = arith.constant 1 : i32
    scf.for %scan3A_159 = %scan3A_23 to %scan3A_25 step %scan3A_26  : i32 {
      %mul3A_160 = arith.constant 16 : i32
      %mul3A_161 = arith.muli %scan3A_159, %mul3A_160 : i32
      %multiple_of3A = tpu.assume_multiple %mul3A_161, 16 : i32
      %get3A = arith.index_cast %multiple_of3A : i32 to index
      %get3A_162 = tpu.vector_load %arg7[%get3A] {strides = array<i32>} : memref<640xf32, #tpu.memory_space<vmem>>, vector<16xf32>,
      %get3A_163 = arith.index_cast %multiple_of3A : i32 to index
      %get3A_164 = tpu.vector_load %arg8[%get3A_163] {strides = array<i32>} : memref<640xf32, #tpu.memory_space<vmem>>, vector<16xf32>,
      %add3A_165 = arith.addf %get3A_162, %get3A_164 : vector<16xf32>
      %swap3A = arith.index_cast %multiple_of3A : i32 to index
      %swap3A_166 = tpu.vector_load %arg7[%swap3A] {strides = array<i32>} : memref<640xf32, #tpu.memory_space<vmem>>, vector<16xf32>,
      tpu.vector_store %arg7[%swap3A], %add3A_165 {strides = array<i32>} : memref<640xf32, #tpu.memory_space<vmem>>, vector<16xf32>,
    }
    %scan3A_27 = arith.constant 40 : i32
    %mul3A_28 = arith.constant 640 : i32
    %mul3A_29 = arith.muli %arg1, %mul3A_28 : i32
    %run_scoped3A_30 = arith.constant 2 : i32
    "tpu.region"() ({
      %run_scoped3A_159 = tpu.sem_alloc : memref<!tpu.dma_semaphore, #tpu.memory_space<semaphore_mem>>
      %dma_start3A = tpu.memref_slice %arg9[%run_scoped3A_30, %mul3A_29] : memref<16x10240xf32, #tpu.memory_space<vmem_shared>> -> memref<1x640xf32, #tpu.memory_space<vmem_shared>>
      %dma_start3A_160 = tpu.memref_squeeze %dma_start3A : memref<1x640xf32, #tpu.memory_space<vmem_shared>> -> memref<640xf32, #tpu.memory_space<vmem_shared>>
      %dma_start3A_161 = tpu.memref_slice %arg9[%run_scoped3A_30, %mul3A_29] : memref<16x10240xf32, #tpu.memory_space<vmem_shared>> -> memref<1x640xf32, #tpu.memory_space<vmem_shared>>
      %dma_start3A_162 = tpu.memref_squeeze %dma_start3A_161 : memref<1x640xf32, #tpu.memory_space<vmem_shared>> -> memref<640xf32, #tpu.memory_space<vmem_shared>>
      tpu.enqueue_dma source(%dma_start3A_162 : memref<640xf32, #tpu.memory_space<vmem_shared>>) target(%arg8 : memref<640xf32, #tpu.memory_space<vmem>>) target_semaphore(%run_scoped3A_159 : memref<!tpu.dma_semaphore, #tpu.memory_space<semaphore_mem>>)
      %dma_wait3A = tpu.memref_slice %arg9[%run_scoped3A_30, %mul3A_29] : memref<16x10240xf32, #tpu.memory_space<vmem_shared>> -> memref<1x640xf32, #tpu.memory_space<vmem_shared>>
      %dma_wait3A_163 = tpu.memref_squeeze %dma_wait3A : memref<1x640xf32, #tpu.memory_space<vmem_shared>> -> memref<640xf32, #tpu.memory_space<vmem_shared>>
      %dma_wait3A_164 = tpu.memref_slice %arg9[%run_scoped3A_30, %mul3A_29] : memref<16x10240xf32, #tpu.memory_space<vmem_shared>> -> memref<1x640xf32, #tpu.memory_space<vmem_shared>>
      %dma_wait3A_165 = tpu.memref_squeeze %dma_wait3A_164 : memref<1x640xf32, #tpu.memory_space<vmem_shared>> -> memref<640xf32, #tpu.memory_space<vmem_shared>>
      tpu.wait_dma2 semaphore(%run_scoped3A_159 : memref<!tpu.dma_semaphore, #tpu.memory_space<semaphore_mem>>) src(%dma_wait3A_165 : memref<640xf32, #tpu.memory_space<vmem_shared>>) dst(%arg8 : memref<640xf32, #tpu.memory_space<vmem>>)
      tpu.yield
    }) : () -> ()
    %scan3A_31 = arith.constant 0 : i32
    %scan3A_32 = arith.constant 0 : i32
    %scan3A_33 = arith.constant 40 : i32
    %scan3A_34 = arith.addi %scan3A_32, %scan3A_33 : i32
    %scan3A_35 = arith.constant 1 : i32
    scf.for %scan3A_159 = %scan3A_32 to %scan3A_34 step %scan3A_35  : i32 {
      %mul3A_160 = arith.constant 16 : i32
      %mul3A_161 = arith.muli %scan3A_159, %mul3A_160 : i32
      %multiple_of3A = tpu.assume_multiple %mul3A_161, 16 : i32
      %get3A = arith.index_cast %multiple_of3A : i32 to index
      %get3A_162 = tpu.vector_load %arg7[%get3A] {strides = array<i32>} : memref<640xf32, #tpu.memory_space<vmem>>, vector<16xf32>,
      %get3A_163 = arith.index_cast %multiple_of3A : i32 to index
      %get3A_164 = tpu.vector_load %arg8[%get3A_163] {strides = array<i32>} : memref<640xf32, #tpu.memory_space<vmem>>, vector<16xf32>,
      %add3A_165 = arith.addf %get3A_162, %get3A_164 : vector<16xf32>
      %swap3A = arith.index_cast %multiple_of3A : i32 to index
      %swap3A_166 = tpu.vector_load %arg7[%swap3A] {strides = array<i32>} : memref<640xf32, #tpu.memory_space<vmem>>, vector<16xf32>,
      tpu.vector_store %arg7[%swap3A], %add3A_165 {strides = array<i32>} : memref<640xf32, #tpu.memory_space<vmem>>, vector<16xf32>,
    }
    %scan3A_36 = arith.constant 40 : i32
    %mul3A_37 = arith.constant 640 : i32
    %mul3A_38 = arith.muli %arg1, %mul3A_37 : i32
    %run_scoped3A_39 = arith.constant 3 : i32
    "tpu.region"() ({
      %run_scoped3A_159 = tpu.sem_alloc : memref<!tpu.dma_semaphore, #tpu.memory_space<semaphore_mem>>
      %dma_start3A = tpu.memref_slice %arg9[%run_scoped3A_39, %mul3A_38] : memref<16x10240xf32, #tpu.memory_space<vmem_shared>> -> memref<1x640xf32, #tpu.memory_space<vmem_shared>>
      %dma_start3A_160 = tpu.memref_squeeze %dma_start3A : memref<1x640xf32, #tpu.memory_space<vmem_shared>> -> memref<640xf32, #tpu.memory_space<vmem_shared>>
      %dma_start3A_161 = tpu.memref_slice %arg9[%run_scoped3A_39, %mul3A_38] : memref<16x10240xf32, #tpu.memory_space<vmem_shared>> -> memref<1x640xf32, #tpu.memory_space<vmem_shared>>
      %dma_start3A_162 = tpu.memref_squeeze %dma_start3A_161 : memref<1x640xf32, #tpu.memory_space<vmem_shared>> -> memref<640xf32, #tpu.memory_space<vmem_shared>>
      tpu.enqueue_dma source(%dma_start3A_162 : memref<640xf32, #tpu.memory_space<vmem_shared>>) target(%arg8 : memref<640xf32, #tpu.memory_space<vmem>>) target_semaphore(%run_scoped3A_159 : memref<!tpu.dma_semaphore, #tpu.memory_space<semaphore_mem>>)
      %dma_wait3A = tpu.memref_slice %arg9[%run_scoped3A_39, %mul3A_38] : memref<16x10240xf32, #tpu.memory_space<vmem_shared>> -> memref<1x640xf32, #tpu.memory_space<vmem_shared>>
      %dma_wait3A_163 = tpu.memref_squeeze %dma_wait3A : memref<1x640xf32, #tpu.memory_space<vmem_shared>> -> memref<640xf32, #tpu.memory_space<vmem_shared>>
      %dma_wait3A_164 = tpu.memref_slice %arg9[%run_scoped3A_39, %mul3A_38] : memref<16x10240xf32, #tpu.memory_space<vmem_shared>> -> memref<1x640xf32, #tpu.memory_space<vmem_shared>>
      %dma_wait3A_165 = tpu.memref_squeeze %dma_wait3A_164 : memref<1x640xf32, #tpu.memory_space<vmem_shared>> -> memref<640xf32, #tpu.memory_space<vmem_shared>>
      tpu.wait_dma2 semaphore(%run_scoped3A_159 : memref<!tpu.dma_semaphore, #tpu.memory_space<semaphore_mem>>) src(%dma_wait3A_165 : memref<640xf32, #tpu.memory_space<vmem_shared>>) dst(%arg8 : memref<640xf32, #tpu.memory_space<vmem>>)
      tpu.yield
    }) : () -> ()
    %scan3A_40 = arith.constant 0 : i32
    %scan3A_41 = arith.constant 0 : i32
    %scan3A_42 = arith.constant 40 : i32
    %scan3A_43 = arith.addi %scan3A_41, %scan3A_42 : i32
    %scan3A_44 = arith.constant 1 : i32
    scf.for %scan3A_159 = %scan3A_41 to %scan3A_43 step %scan3A_44  : i32 {
      %mul3A_160 = arith.constant 16 : i32
      %mul3A_161 = arith.muli %scan3A_159, %mul3A_160 : i32
      %multiple_of3A = tpu.assume_multiple %mul3A_161, 16 : i32
      %get3A = arith.index_cast %multiple_of3A : i32 to index
      %get3A_162 = tpu.vector_load %arg7[%get3A] {strides = array<i32>} : memref<640xf32, #tpu.memory_space<vmem>>, vector<16xf32>,
      %get3A_163 = arith.index_cast %multiple_of3A : i32 to index
      %get3A_164 = tpu.vector_load %arg8[%get3A_163] {strides = array<i32>} : memref<640xf32, #tpu.memory_space<vmem>>, vector<16xf32>,
      %add3A_165 = arith.addf %get3A_162, %get3A_164 : vector<16xf32>
      %swap3A = arith.index_cast %multiple_of3A : i32 to index
      %swap3A_166 = tpu.vector_load %arg7[%swap3A] {strides = array<i32>} : memref<640xf32, #tpu.memory_space<vmem>>, vector<16xf32>,
      tpu.vector_store %arg7[%swap3A], %add3A_165 {strides = array<i32>} : memref<640xf32, #tpu.memory_space<vmem>>, vector<16xf32>,
    }
    %scan3A_45 = arith.constant 40 : i32
    %mul3A_46 = arith.constant 640 : i32
    %mul3A_47 = arith.muli %arg1, %mul3A_46 : i32
    %run_scoped3A_48 = arith.constant 4 : i32
    "tpu.region"() ({
      %run_scoped3A_159 = tpu.sem_alloc : memref<!tpu.dma_semaphore, #tpu.memory_space<semaphore_mem>>
      %dma_start3A = tpu.memref_slice %arg9[%run_scoped3A_48, %mul3A_47] : memref<16x10240xf32, #tpu.memory_space<vmem_shared>> -> memref<1x640xf32, #tpu.memory_space<vmem_shared>>
      %dma_start3A_160 = tpu.memref_squeeze %dma_start3A : memref<1x640xf32, #tpu.memory_space<vmem_shared>> -> memref<640xf32, #tpu.memory_space<vmem_shared>>
      %dma_start3A_161 = tpu.memref_slice %arg9[%run_scoped3A_48, %mul3A_47] : memref<16x10240xf32, #tpu.memory_space<vmem_shared>> -> memref<1x640xf32, #tpu.memory_space<vmem_shared>>
      %dma_start3A_162 = tpu.memref_squeeze %dma_start3A_161 : memref<1x640xf32, #tpu.memory_space<vmem_shared>> -> memref<640xf32, #tpu.memory_space<vmem_shared>>
      tpu.enqueue_dma source(%dma_start3A_162 : memref<640xf32, #tpu.memory_space<vmem_shared>>) target(%arg8 : memref<640xf32, #tpu.memory_space<vmem>>) target_semaphore(%run_scoped3A_159 : memref<!tpu.dma_semaphore, #tpu.memory_space<semaphore_mem>>)
      %dma_wait3A = tpu.memref_slice %arg9[%run_scoped3A_48, %mul3A_47] : memref<16x10240xf32, #tpu.memory_space<vmem_shared>> -> memref<1x640xf32, #tpu.memory_space<vmem_shared>>
      %dma_wait3A_163 = tpu.memref_squeeze %dma_wait3A : memref<1x640xf32, #tpu.memory_space<vmem_shared>> -> memref<640xf32, #tpu.memory_space<vmem_shared>>
      %dma_wait3A_164 = tpu.memref_slice %arg9[%run_scoped3A_48, %mul3A_47] : memref<16x10240xf32, #tpu.memory_space<vmem_shared>> -> memref<1x640xf32, #tpu.memory_space<vmem_shared>>
      %dma_wait3A_165 = tpu.memref_squeeze %dma_wait3A_164 : memref<1x640xf32, #tpu.memory_space<vmem_shared>> -> memref<640xf32, #tpu.memory_space<vmem_shared>>
      tpu.wait_dma2 semaphore(%run_scoped3A_159 : memref<!tpu.dma_semaphore, #tpu.memory_space<semaphore_mem>>) src(%dma_wait3A_165 : memref<640xf32, #tpu.memory_space<vmem_shared>>) dst(%arg8 : memref<640xf32, #tpu.memory_space<vmem>>)
      tpu.yield
    }) : () -> ()
    %scan3A_49 = arith.constant 0 : i32
    %scan3A_50 = arith.constant 0 : i32
    %scan3A_51 = arith.constant 40 : i32
    %scan3A_52 = arith.addi %scan3A_50, %scan3A_51 : i32
    %scan3A_53 = arith.constant 1 : i32
    scf.for %scan3A_159 = %scan3A_50 to %scan3A_52 step %scan3A_53  : i32 {
      %mul3A_160 = arith.constant 16 : i32
      %mul3A_161 = arith.muli %scan3A_159, %mul3A_160 : i32
      %multiple_of3A = tpu.assume_multiple %mul3A_161, 16 : i32
      %get3A = arith.index_cast %multiple_of3A : i32 to index
      %get3A_162 = tpu.vector_load %arg7[%get3A] {strides = array<i32>} : memref<640xf32, #tpu.memory_space<vmem>>, vector<16xf32>,
      %get3A_163 = arith.index_cast %multiple_of3A : i32 to index
      %get3A_164 = tpu.vector_load %arg8[%get3A_163] {strides = array<i32>} : memref<640xf32, #tpu.memory_space<vmem>>, vector<16xf32>,
      %add3A_165 = arith.addf %get3A_162, %get3A_164 : vector<16xf32>
      %swap3A = arith.index_cast %multiple_of3A : i32 to index
      %swap3A_166 = tpu.vector_load %arg7[%swap3A] {strides = array<i32>} : memref<640xf32, #tpu.memory_space<vmem>>, vector<16xf32>,
      tpu.vector_store %arg7[%swap3A], %add3A_165 {strides = array<i32>} : memref<640xf32, #tpu.memory_space<vmem>>, vector<16xf32>,
    }
    %scan3A_54 = arith.constant 40 : i32
    %mul3A_55 = arith.constant 640 : i32
    %mul3A_56 = arith.muli %arg1, %mul3A_55 : i32
    %run_scoped3A_57 = arith.constant 5 : i32
    "tpu.region"() ({
      %run_scoped3A_159 = tpu.sem_alloc : memref<!tpu.dma_semaphore, #tpu.memory_space<semaphore_mem>>
      %dma_start3A = tpu.memref_slice %arg9[%run_scoped3A_57, %mul3A_56] : memref<16x10240xf32, #tpu.memory_space<vmem_shared>> -> memref<1x640xf32, #tpu.memory_space<vmem_shared>>
      %dma_start3A_160 = tpu.memref_squeeze %dma_start3A : memref<1x640xf32, #tpu.memory_space<vmem_shared>> -> memref<640xf32, #tpu.memory_space<vmem_shared>>
      %dma_start3A_161 = tpu.memref_slice %arg9[%run_scoped3A_57, %mul3A_56] : memref<16x10240xf32, #tpu.memory_space<vmem_shared>> -> memref<1x640xf32, #tpu.memory_space<vmem_shared>>
      %dma_start3A_162 = tpu.memref_squeeze %dma_start3A_161 : memref<1x640xf32, #tpu.memory_space<vmem_shared>> -> memref<640xf32, #tpu.memory_space<vmem_shared>>
      tpu.enqueue_dma source(%dma_start3A_162 : memref<640xf32, #tpu.memory_space<vmem_shared>>) target(%arg8 : memref<640xf32, #tpu.memory_space<vmem>>) target_semaphore(%run_scoped3A_159 : memref<!tpu.dma_semaphore, #tpu.memory_space<semaphore_mem>>)
      %dma_wait3A = tpu.memref_slice %arg9[%run_scoped3A_57, %mul3A_56] : memref<16x10240xf32, #tpu.memory_space<vmem_shared>> -> memref<1x640xf32, #tpu.memory_space<vmem_shared>>
      %dma_wait3A_163 = tpu.memref_squeeze %dma_wait3A : memref<1x640xf32, #tpu.memory_space<vmem_shared>> -> memref<640xf32, #tpu.memory_space<vmem_shared>>
      %dma_wait3A_164 = tpu.memref_slice %arg9[%run_scoped3A_57, %mul3A_56] : memref<16x10240xf32, #tpu.memory_space<vmem_shared>> -> memref<1x640xf32, #tpu.memory_space<vmem_shared>>
      %dma_wait3A_165 = tpu.memref_squeeze %dma_wait3A_164 : memref<1x640xf32, #tpu.memory_space<vmem_shared>> -> memref<640xf32, #tpu.memory_space<vmem_shared>>
      tpu.wait_dma2 semaphore(%run_scoped3A_159 : memref<!tpu.dma_semaphore, #tpu.memory_space<semaphore_mem>>) src(%dma_wait3A_165 : memref<640xf32, #tpu.memory_space<vmem_shared>>) dst(%arg8 : memref<640xf32, #tpu.memory_space<vmem>>)
      tpu.yield
    }) : () -> ()
    %scan3A_58 = arith.constant 0 : i32
    %scan3A_59 = arith.constant 0 : i32
    %scan3A_60 = arith.constant 40 : i32
    %scan3A_61 = arith.addi %scan3A_59, %scan3A_60 : i32
    %scan3A_62 = arith.constant 1 : i32
    scf.for %scan3A_159 = %scan3A_59 to %scan3A_61 step %scan3A_62  : i32 {
      %mul3A_160 = arith.constant 16 : i32
      %mul3A_161 = arith.muli %scan3A_159, %mul3A_160 : i32
      %multiple_of3A = tpu.assume_multiple %mul3A_161, 16 : i32
      %get3A = arith.index_cast %multiple_of3A : i32 to index
      %get3A_162 = tpu.vector_load %arg7[%get3A] {strides = array<i32>} : memref<640xf32, #tpu.memory_space<vmem>>, vector<16xf32>,
      %get3A_163 = arith.index_cast %multiple_of3A : i32 to index
      %get3A_164 = tpu.vector_load %arg8[%get3A_163] {strides = array<i32>} : memref<640xf32, #tpu.memory_space<vmem>>, vector<16xf32>,
      %add3A_165 = arith.addf %get3A_162, %get3A_164 : vector<16xf32>
      %swap3A = arith.index_cast %multiple_of3A : i32 to index
      %swap3A_166 = tpu.vector_load %arg7[%swap3A] {strides = array<i32>} : memref<640xf32, #tpu.memory_space<vmem>>, vector<16xf32>,
      tpu.vector_store %arg7[%swap3A], %add3A_165 {strides = array<i32>} : memref<640xf32, #tpu.memory_space<vmem>>, vector<16xf32>,
    }
    %scan3A_63 = arith.constant 40 : i32
    %mul3A_64 = arith.constant 640 : i32
    %mul3A_65 = arith.muli %arg1, %mul3A_64 : i32
    %run_scoped3A_66 = arith.constant 6 : i32
    "tpu.region"() ({
      %run_scoped3A_159 = tpu.sem_alloc : memref<!tpu.dma_semaphore, #tpu.memory_space<semaphore_mem>>
      %dma_start3A = tpu.memref_slice %arg9[%run_scoped3A_66, %mul3A_65] : memref<16x10240xf32, #tpu.memory_space<vmem_shared>> -> memref<1x640xf32, #tpu.memory_space<vmem_shared>>
      %dma_start3A_160 = tpu.memref_squeeze %dma_start3A : memref<1x640xf32, #tpu.memory_space<vmem_shared>> -> memref<640xf32, #tpu.memory_space<vmem_shared>>
      %dma_start3A_161 = tpu.memref_slice %arg9[%run_scoped3A_66, %mul3A_65] : memref<16x10240xf32, #tpu.memory_space<vmem_shared>> -> memref<1x640xf32, #tpu.memory_space<vmem_shared>>
      %dma_start3A_162 = tpu.memref_squeeze %dma_start3A_161 : memref<1x640xf32, #tpu.memory_space<vmem_shared>> -> memref<640xf32, #tpu.memory_space<vmem_shared>>
      tpu.enqueue_dma source(%dma_start3A_162 : memref<640xf32, #tpu.memory_space<vmem_shared>>) target(%arg8 : memref<640xf32, #tpu.memory_space<vmem>>) target_semaphore(%run_scoped3A_159 : memref<!tpu.dma_semaphore, #tpu.memory_space<semaphore_mem>>)
      %dma_wait3A = tpu.memref_slice %arg9[%run_scoped3A_66, %mul3A_65] : memref<16x10240xf32, #tpu.memory_space<vmem_shared>> -> memref<1x640xf32, #tpu.memory_space<vmem_shared>>
      %dma_wait3A_163 = tpu.memref_squeeze %dma_wait3A : memref<1x640xf32, #tpu.memory_space<vmem_shared>> -> memref<640xf32, #tpu.memory_space<vmem_shared>>
      %dma_wait3A_164 = tpu.memref_slice %arg9[%run_scoped3A_66, %mul3A_65] : memref<16x10240xf32, #tpu.memory_space<vmem_shared>> -> memref<1x640xf32, #tpu.memory_space<vmem_shared>>
      %dma_wait3A_165 = tpu.memref_squeeze %dma_wait3A_164 : memref<1x640xf32, #tpu.memory_space<vmem_shared>> -> memref<640xf32, #tpu.memory_space<vmem_shared>>
      tpu.wait_dma2 semaphore(%run_scoped3A_159 : memref<!tpu.dma_semaphore, #tpu.memory_space<semaphore_mem>>) src(%dma_wait3A_165 : memref<640xf32, #tpu.memory_space<vmem_shared>>) dst(%arg8 : memref<640xf32, #tpu.memory_space<vmem>>)
      tpu.yield
    }) : () -> ()
    %scan3A_67 = arith.constant 0 : i32
    %scan3A_68 = arith.constant 0 : i32
    %scan3A_69 = arith.constant 40 : i32
    %scan3A_70 = arith.addi %scan3A_68, %scan3A_69 : i32
    %scan3A_71 = arith.constant 1 : i32
    scf.for %scan3A_159 = %scan3A_68 to %scan3A_70 step %scan3A_71  : i32 {
      %mul3A_160 = arith.constant 16 : i32
      %mul3A_161 = arith.muli %scan3A_159, %mul3A_160 : i32
      %multiple_of3A = tpu.assume_multiple %mul3A_161, 16 : i32
      %get3A = arith.index_cast %multiple_of3A : i32 to index
      %get3A_162 = tpu.vector_load %arg7[%get3A] {strides = array<i32>} : memref<640xf32, #tpu.memory_space<vmem>>, vector<16xf32>,
      %get3A_163 = arith.index_cast %multiple_of3A : i32 to index
      %get3A_164 = tpu.vector_load %arg8[%get3A_163] {strides = array<i32>} : memref<640xf32, #tpu.memory_space<vmem>>, vector<16xf32>,
      %add3A_165 = arith.addf %get3A_162, %get3A_164 : vector<16xf32>
      %swap3A = arith.index_cast %multiple_of3A : i32 to index
      %swap3A_166 = tpu.vector_load %arg7[%swap3A] {strides = array<i32>} : memref<640xf32, #tpu.memory_space<vmem>>, vector<16xf32>,
      tpu.vector_store %arg7[%swap3A], %add3A_165 {strides = array<i32>} : memref<640xf32, #tpu.memory_space<vmem>>, vector<16xf32>,
    }
    %scan3A_72 = arith.constant 40 : i32
    %mul3A_73 = arith.constant 640 : i32
    %mul3A_74 = arith.muli %arg1, %mul3A_73 : i32
    %run_scoped3A_75 = arith.constant 7 : i32
    "tpu.region"() ({
      %run_scoped3A_159 = tpu.sem_alloc : memref<!tpu.dma_semaphore, #tpu.memory_space<semaphore_mem>>
      %dma_start3A = tpu.memref_slice %arg9[%run_scoped3A_75, %mul3A_74] : memref<16x10240xf32, #tpu.memory_space<vmem_shared>> -> memref<1x640xf32, #tpu.memory_space<vmem_shared>>
      %dma_start3A_160 = tpu.memref_squeeze %dma_start3A : memref<1x640xf32, #tpu.memory_space<vmem_shared>> -> memref<640xf32, #tpu.memory_space<vmem_shared>>
      %dma_start3A_161 = tpu.memref_slice %arg9[%run_scoped3A_75, %mul3A_74] : memref<16x10240xf32, #tpu.memory_space<vmem_shared>> -> memref<1x640xf32, #tpu.memory_space<vmem_shared>>
      %dma_start3A_162 = tpu.memref_squeeze %dma_start3A_161 : memref<1x640xf32, #tpu.memory_space<vmem_shared>> -> memref<640xf32, #tpu.memory_space<vmem_shared>>
      tpu.enqueue_dma source(%dma_start3A_162 : memref<640xf32, #tpu.memory_space<vmem_shared>>) target(%arg8 : memref<640xf32, #tpu.memory_space<vmem>>) target_semaphore(%run_scoped3A_159 : memref<!tpu.dma_semaphore, #tpu.memory_space<semaphore_mem>>)
      %dma_wait3A = tpu.memref_slice %arg9[%run_scoped3A_75, %mul3A_74] : memref<16x10240xf32, #tpu.memory_space<vmem_shared>> -> memref<1x640xf32, #tpu.memory_space<vmem_shared>>
      %dma_wait3A_163 = tpu.memref_squeeze %dma_wait3A : memref<1x640xf32, #tpu.memory_space<vmem_shared>> -> memref<640xf32, #tpu.memory_space<vmem_shared>>
      %dma_wait3A_164 = tpu.memref_slice %arg9[%run_scoped3A_75, %mul3A_74] : memref<16x10240xf32, #tpu.memory_space<vmem_shared>> -> memref<1x640xf32, #tpu.memory_space<vmem_shared>>
      %dma_wait3A_165 = tpu.memref_squeeze %dma_wait3A_164 : memref<1x640xf32, #tpu.memory_space<vmem_shared>> -> memref<640xf32, #tpu.memory_space<vmem_shared>>
      tpu.wait_dma2 semaphore(%run_scoped3A_159 : memref<!tpu.dma_semaphore, #tpu.memory_space<semaphore_mem>>) src(%dma_wait3A_165 : memref<640xf32, #tpu.memory_space<vmem_shared>>) dst(%arg8 : memref<640xf32, #tpu.memory_space<vmem>>)
      tpu.yield
    }) : () -> ()
    %scan3A_76 = arith.constant 0 : i32
    %scan3A_77 = arith.constant 0 : i32
    %scan3A_78 = arith.constant 40 : i32
    %scan3A_79 = arith.addi %scan3A_77, %scan3A_78 : i32
    %scan3A_80 = arith.constant 1 : i32
    scf.for %scan3A_159 = %scan3A_77 to %scan3A_79 step %scan3A_80  : i32 {
      %mul3A_160 = arith.constant 16 : i32
      %mul3A_161 = arith.muli %scan3A_159, %mul3A_160 : i32
      %multiple_of3A = tpu.assume_multiple %mul3A_161, 16 : i32
      %get3A = arith.index_cast %multiple_of3A : i32 to index
      %get3A_162 = tpu.vector_load %arg7[%get3A] {strides = array<i32>} : memref<640xf32, #tpu.memory_space<vmem>>, vector<16xf32>,
      %get3A_163 = arith.index_cast %multiple_of3A : i32 to index
      %get3A_164 = tpu.vector_load %arg8[%get3A_163] {strides = array<i32>} : memref<640xf32, #tpu.memory_space<vmem>>, vector<16xf32>,
      %add3A_165 = arith.addf %get3A_162, %get3A_164 : vector<16xf32>
      %swap3A = arith.index_cast %multiple_of3A : i32 to index
      %swap3A_166 = tpu.vector_load %arg7[%swap3A] {strides = array<i32>} : memref<640xf32, #tpu.memory_space<vmem>>, vector<16xf32>,
      tpu.vector_store %arg7[%swap3A], %add3A_165 {strides = array<i32>} : memref<640xf32, #tpu.memory_space<vmem>>, vector<16xf32>,
    }
    %scan3A_81 = arith.constant 40 : i32
    %mul3A_82 = arith.constant 640 : i32
    %mul3A_83 = arith.muli %arg1, %mul3A_82 : i32
    %run_scoped3A_84 = arith.constant 8 : i32
    "tpu.region"() ({
      %run_scoped3A_159 = tpu.sem_alloc : memref<!tpu.dma_semaphore, #tpu.memory_space<semaphore_mem>>
      %dma_start3A = tpu.memref_slice %arg9[%run_scoped3A_84, %mul3A_83] : memref<16x10240xf32, #tpu.memory_space<vmem_shared>> -> memref<1x640xf32, #tpu.memory_space<vmem_shared>>
      %dma_start3A_160 = tpu.memref_squeeze %dma_start3A : memref<1x640xf32, #tpu.memory_space<vmem_shared>> -> memref<640xf32, #tpu.memory_space<vmem_shared>>
      %dma_start3A_161 = tpu.memref_slice %arg9[%run_scoped3A_84, %mul3A_83] : memref<16x10240xf32, #tpu.memory_space<vmem_shared>> -> memref<1x640xf32, #tpu.memory_space<vmem_shared>>
      %dma_start3A_162 = tpu.memref_squeeze %dma_start3A_161 : memref<1x640xf32, #tpu.memory_space<vmem_shared>> -> memref<640xf32, #tpu.memory_space<vmem_shared>>
      tpu.enqueue_dma source(%dma_start3A_162 : memref<640xf32, #tpu.memory_space<vmem_shared>>) target(%arg8 : memref<640xf32, #tpu.memory_space<vmem>>) target_semaphore(%run_scoped3A_159 : memref<!tpu.dma_semaphore, #tpu.memory_space<semaphore_mem>>)
      %dma_wait3A = tpu.memref_slice %arg9[%run_scoped3A_84, %mul3A_83] : memref<16x10240xf32, #tpu.memory_space<vmem_shared>> -> memref<1x640xf32, #tpu.memory_space<vmem_shared>>
      %dma_wait3A_163 = tpu.memref_squeeze %dma_wait3A : memref<1x640xf32, #tpu.memory_space<vmem_shared>> -> memref<640xf32, #tpu.memory_space<vmem_shared>>
      %dma_wait3A_164 = tpu.memref_slice %arg9[%run_scoped3A_84, %mul3A_83] : memref<16x10240xf32, #tpu.memory_space<vmem_shared>> -> memref<1x640xf32, #tpu.memory_space<vmem_shared>>
      %dma_wait3A_165 = tpu.memref_squeeze %dma_wait3A_164 : memref<1x640xf32, #tpu.memory_space<vmem_shared>> -> memref<640xf32, #tpu.memory_space<vmem_shared>>
      tpu.wait_dma2 semaphore(%run_scoped3A_159 : memref<!tpu.dma_semaphore, #tpu.memory_space<semaphore_mem>>) src(%dma_wait3A_165 : memref<640xf32, #tpu.memory_space<vmem_shared>>) dst(%arg8 : memref<640xf32, #tpu.memory_space<vmem>>)
      tpu.yield
    }) : () -> ()
    %scan3A_85 = arith.constant 0 : i32
    %scan3A_86 = arith.constant 0 : i32
    %scan3A_87 = arith.constant 40 : i32
    %scan3A_88 = arith.addi %scan3A_86, %scan3A_87 : i32
    %scan3A_89 = arith.constant 1 : i32
    scf.for %scan3A_159 = %scan3A_86 to %scan3A_88 step %scan3A_89  : i32 {
      %mul3A_160 = arith.constant 16 : i32
      %mul3A_161 = arith.muli %scan3A_159, %mul3A_160 : i32
      %multiple_of3A = tpu.assume_multiple %mul3A_161, 16 : i32
      %get3A = arith.index_cast %multiple_of3A : i32 to index
      %get3A_162 = tpu.vector_load %arg7[%get3A] {strides = array<i32>} : memref<640xf32, #tpu.memory_space<vmem>>, vector<16xf32>,
      %get3A_163 = arith.index_cast %multiple_of3A : i32 to index
      %get3A_164 = tpu.vector_load %arg8[%get3A_163] {strides = array<i32>} : memref<640xf32, #tpu.memory_space<vmem>>, vector<16xf32>,
      %add3A_165 = arith.addf %get3A_162, %get3A_164 : vector<16xf32>
      %swap3A = arith.index_cast %multiple_of3A : i32 to index
      %swap3A_166 = tpu.vector_load %arg7[%swap3A] {strides = array<i32>} : memref<640xf32, #tpu.memory_space<vmem>>, vector<16xf32>,
      tpu.vector_store %arg7[%swap3A], %add3A_165 {strides = array<i32>} : memref<640xf32, #tpu.memory_space<vmem>>, vector<16xf32>,
    }
    %scan3A_90 = arith.constant 40 : i32
    %mul3A_91 = arith.constant 640 : i32
    %mul3A_92 = arith.muli %arg1, %mul3A_91 : i32
    %run_scoped3A_93 = arith.constant 9 : i32
    "tpu.region"() ({
      %run_scoped3A_159 = tpu.sem_alloc : memref<!tpu.dma_semaphore, #tpu.memory_space<semaphore_mem>>
      %dma_start3A = tpu.memref_slice %arg9[%run_scoped3A_93, %mul3A_92] : memref<16x10240xf32, #tpu.memory_space<vmem_shared>> -> memref<1x640xf32, #tpu.memory_space<vmem_shared>>
      %dma_start3A_160 = tpu.memref_squeeze %dma_start3A : memref<1x640xf32, #tpu.memory_space<vmem_shared>> -> memref<640xf32, #tpu.memory_space<vmem_shared>>
      %dma_start3A_161 = tpu.memref_slice %arg9[%run_scoped3A_93, %mul3A_92] : memref<16x10240xf32, #tpu.memory_space<vmem_shared>> -> memref<1x640xf32, #tpu.memory_space<vmem_shared>>
      %dma_start3A_162 = tpu.memref_squeeze %dma_start3A_161 : memref<1x640xf32, #tpu.memory_space<vmem_shared>> -> memref<640xf32, #tpu.memory_space<vmem_shared>>
      tpu.enqueue_dma source(%dma_start3A_162 : memref<640xf32, #tpu.memory_space<vmem_shared>>) target(%arg8 : memref<640xf32, #tpu.memory_space<vmem>>) target_semaphore(%run_scoped3A_159 : memref<!tpu.dma_semaphore, #tpu.memory_space<semaphore_mem>>)
      %dma_wait3A = tpu.memref_slice %arg9[%run_scoped3A_93, %mul3A_92] : memref<16x10240xf32, #tpu.memory_space<vmem_shared>> -> memref<1x640xf32, #tpu.memory_space<vmem_shared>>
      %dma_wait3A_163 = tpu.memref_squeeze %dma_wait3A : memref<1x640xf32, #tpu.memory_space<vmem_shared>> -> memref<640xf32, #tpu.memory_space<vmem_shared>>
      %dma_wait3A_164 = tpu.memref_slice %arg9[%run_scoped3A_93, %mul3A_92] : memref<16x10240xf32, #tpu.memory_space<vmem_shared>> -> memref<1x640xf32, #tpu.memory_space<vmem_shared>>
      %dma_wait3A_165 = tpu.memref_squeeze %dma_wait3A_164 : memref<1x640xf32, #tpu.memory_space<vmem_shared>> -> memref<640xf32, #tpu.memory_space<vmem_shared>>
      tpu.wait_dma2 semaphore(%run_scoped3A_159 : memref<!tpu.dma_semaphore, #tpu.memory_space<semaphore_mem>>) src(%dma_wait3A_165 : memref<640xf32, #tpu.memory_space<vmem_shared>>) dst(%arg8 : memref<640xf32, #tpu.memory_space<vmem>>)
      tpu.yield
    }) : () -> ()
    %scan3A_94 = arith.constant 0 : i32
    %scan3A_95 = arith.constant 0 : i32
    %scan3A_96 = arith.constant 40 : i32
    %scan3A_97 = arith.addi %scan3A_95, %scan3A_96 : i32
    %scan3A_98 = arith.constant 1 : i32
    scf.for %scan3A_159 = %scan3A_95 to %scan3A_97 step %scan3A_98  : i32 {
      %mul3A_160 = arith.constant 16 : i32
      %mul3A_161 = arith.muli %scan3A_159, %mul3A_160 : i32
      %multiple_of3A = tpu.assume_multiple %mul3A_161, 16 : i32
      %get3A = arith.index_cast %multiple_of3A : i32 to index
      %get3A_162 = tpu.vector_load %arg7[%get3A] {strides = array<i32>} : memref<640xf32, #tpu.memory_space<vmem>>, vector<16xf32>,
      %get3A_163 = arith.index_cast %multiple_of3A : i32 to index
      %get3A_164 = tpu.vector_load %arg8[%get3A_163] {strides = array<i32>} : memref<640xf32, #tpu.memory_space<vmem>>, vector<16xf32>,
      %add3A_165 = arith.addf %get3A_162, %get3A_164 : vector<16xf32>
      %swap3A = arith.index_cast %multiple_of3A : i32 to index
      %swap3A_166 = tpu.vector_load %arg7[%swap3A] {strides = array<i32>} : memref<640xf32, #tpu.memory_space<vmem>>, vector<16xf32>,
      tpu.vector_store %arg7[%swap3A], %add3A_165 {strides = array<i32>} : memref<640xf32, #tpu.memory_space<vmem>>, vector<16xf32>,
    }
    %scan3A_99 = arith.constant 40 : i32
    %mul3A_100 = arith.constant 640 : i32
    %mul3A_101 = arith.muli %arg1, %mul3A_100 : i32
    %run_scoped3A_102 = arith.constant 10 : i32
    "tpu.region"() ({
      %run_scoped3A_159 = tpu.sem_alloc : memref<!tpu.dma_semaphore, #tpu.memory_space<semaphore_mem>>
      %dma_start3A = tpu.memref_slice %arg9[%run_scoped3A_102, %mul3A_101] : memref<16x10240xf32, #tpu.memory_space<vmem_shared>> -> memref<1x640xf32, #tpu.memory_space<vmem_shared>>
      %dma_start3A_160 = tpu.memref_squeeze %dma_start3A : memref<1x640xf32, #tpu.memory_space<vmem_shared>> -> memref<640xf32, #tpu.memory_space<vmem_shared>>
      %dma_start3A_161 = tpu.memref_slice %arg9[%run_scoped3A_102, %mul3A_101] : memref<16x10240xf32, #tpu.memory_space<vmem_shared>> -> memref<1x640xf32, #tpu.memory_space<vmem_shared>>
      %dma_start3A_162 = tpu.memref_squeeze %dma_start3A_161 : memref<1x640xf32, #tpu.memory_space<vmem_shared>> -> memref<640xf32, #tpu.memory_space<vmem_shared>>
      tpu.enqueue_dma source(%dma_start3A_162 : memref<640xf32, #tpu.memory_space<vmem_shared>>) target(%arg8 : memref<640xf32, #tpu.memory_space<vmem>>) target_semaphore(%run_scoped3A_159 : memref<!tpu.dma_semaphore, #tpu.memory_space<semaphore_mem>>)
      %dma_wait3A = tpu.memref_slice %arg9[%run_scoped3A_102, %mul3A_101] : memref<16x10240xf32, #tpu.memory_space<vmem_shared>> -> memref<1x640xf32, #tpu.memory_space<vmem_shared>>
      %dma_wait3A_163 = tpu.memref_squeeze %dma_wait3A : memref<1x640xf32, #tpu.memory_space<vmem_shared>> -> memref<640xf32, #tpu.memory_space<vmem_shared>>
      %dma_wait3A_164 = tpu.memref_slice %arg9[%run_scoped3A_102, %mul3A_101] : memref<16x10240xf32, #tpu.memory_space<vmem_shared>> -> memref<1x640xf32, #tpu.memory_space<vmem_shared>>
      %dma_wait3A_165 = tpu.memref_squeeze %dma_wait3A_164 : memref<1x640xf32, #tpu.memory_space<vmem_shared>> -> memref<640xf32, #tpu.memory_space<vmem_shared>>
      tpu.wait_dma2 semaphore(%run_scoped3A_159 : memref<!tpu.dma_semaphore, #tpu.memory_space<semaphore_mem>>) src(%dma_wait3A_165 : memref<640xf32, #tpu.memory_space<vmem_shared>>) dst(%arg8 : memref<640xf32, #tpu.memory_space<vmem>>)
      tpu.yield
    }) : () -> ()
    %scan3A_103 = arith.constant 0 : i32
    %scan3A_104 = arith.constant 0 : i32
    %scan3A_105 = arith.constant 40 : i32
    %scan3A_106 = arith.addi %scan3A_104, %scan3A_105 : i32
    %scan3A_107 = arith.constant 1 : i32
    scf.for %scan3A_159 = %scan3A_104 to %scan3A_106 step %scan3A_107  : i32 {
      %mul3A_160 = arith.constant 16 : i32
      %mul3A_161 = arith.muli %scan3A_159, %mul3A_160 : i32
      %multiple_of3A = tpu.assume_multiple %mul3A_161, 16 : i32
      %get3A = arith.index_cast %multiple_of3A : i32 to index
      %get3A_162 = tpu.vector_load %arg7[%get3A] {strides = array<i32>} : memref<640xf32, #tpu.memory_space<vmem>>, vector<16xf32>,
      %get3A_163 = arith.index_cast %multiple_of3A : i32 to index
      %get3A_164 = tpu.vector_load %arg8[%get3A_163] {strides = array<i32>} : memref<640xf32, #tpu.memory_space<vmem>>, vector<16xf32>,
      %add3A_165 = arith.addf %get3A_162, %get3A_164 : vector<16xf32>
      %swap3A = arith.index_cast %multiple_of3A : i32 to index
      %swap3A_166 = tpu.vector_load %arg7[%swap3A] {strides = array<i32>} : memref<640xf32, #tpu.memory_space<vmem>>, vector<16xf32>,
      tpu.vector_store %arg7[%swap3A], %add3A_165 {strides = array<i32>} : memref<640xf32, #tpu.memory_space<vmem>>, vector<16xf32>,
    }
    %scan3A_108 = arith.constant 40 : i32
    %mul3A_109 = arith.constant 640 : i32
    %mul3A_110 = arith.muli %arg1, %mul3A_109 : i32
    %run_scoped3A_111 = arith.constant 11 : i32
    "tpu.region"() ({
      %run_scoped3A_159 = tpu.sem_alloc : memref<!tpu.dma_semaphore, #tpu.memory_space<semaphore_mem>>
      %dma_start3A = tpu.memref_slice %arg9[%run_scoped3A_111, %mul3A_110] : memref<16x10240xf32, #tpu.memory_space<vmem_shared>> -> memref<1x640xf32, #tpu.memory_space<vmem_shared>>
      %dma_start3A_160 = tpu.memref_squeeze %dma_start3A : memref<1x640xf32, #tpu.memory_space<vmem_shared>> -> memref<640xf32, #tpu.memory_space<vmem_shared>>
      %dma_start3A_161 = tpu.memref_slice %arg9[%run_scoped3A_111, %mul3A_110] : memref<16x10240xf32, #tpu.memory_space<vmem_shared>> -> memref<1x640xf32, #tpu.memory_space<vmem_shared>>
      %dma_start3A_162 = tpu.memref_squeeze %dma_start3A_161 : memref<1x640xf32, #tpu.memory_space<vmem_shared>> -> memref<640xf32, #tpu.memory_space<vmem_shared>>
      tpu.enqueue_dma source(%dma_start3A_162 : memref<640xf32, #tpu.memory_space<vmem_shared>>) target(%arg8 : memref<640xf32, #tpu.memory_space<vmem>>) target_semaphore(%run_scoped3A_159 : memref<!tpu.dma_semaphore, #tpu.memory_space<semaphore_mem>>)
      %dma_wait3A = tpu.memref_slice %arg9[%run_scoped3A_111, %mul3A_110] : memref<16x10240xf32, #tpu.memory_space<vmem_shared>> -> memref<1x640xf32, #tpu.memory_space<vmem_shared>>
      %dma_wait3A_163 = tpu.memref_squeeze %dma_wait3A : memref<1x640xf32, #tpu.memory_space<vmem_shared>> -> memref<640xf32, #tpu.memory_space<vmem_shared>>
      %dma_wait3A_164 = tpu.memref_slice %arg9[%run_scoped3A_111, %mul3A_110] : memref<16x10240xf32, #tpu.memory_space<vmem_shared>> -> memref<1x640xf32, #tpu.memory_space<vmem_shared>>
      %dma_wait3A_165 = tpu.memref_squeeze %dma_wait3A_164 : memref<1x640xf32, #tpu.memory_space<vmem_shared>> -> memref<640xf32, #tpu.memory_space<vmem_shared>>
      tpu.wait_dma2 semaphore(%run_scoped3A_159 : memref<!tpu.dma_semaphore, #tpu.memory_space<semaphore_mem>>) src(%dma_wait3A_165 : memref<640xf32, #tpu.memory_space<vmem_shared>>) dst(%arg8 : memref<640xf32, #tpu.memory_space<vmem>>)
      tpu.yield
    }) : () -> ()
    %scan3A_112 = arith.constant 0 : i32
    %scan3A_113 = arith.constant 0 : i32
    %scan3A_114 = arith.constant 40 : i32
    %scan3A_115 = arith.addi %scan3A_113, %scan3A_114 : i32
    %scan3A_116 = arith.constant 1 : i32
    scf.for %scan3A_159 = %scan3A_113 to %scan3A_115 step %scan3A_116  : i32 {
      %mul3A_160 = arith.constant 16 : i32
      %mul3A_161 = arith.muli %scan3A_159, %mul3A_160 : i32
      %multiple_of3A = tpu.assume_multiple %mul3A_161, 16 : i32
      %get3A = arith.index_cast %multiple_of3A : i32 to index
      %get3A_162 = tpu.vector_load %arg7[%get3A] {strides = array<i32>} : memref<640xf32, #tpu.memory_space<vmem>>, vector<16xf32>,
      %get3A_163 = arith.index_cast %multiple_of3A : i32 to index
      %get3A_164 = tpu.vector_load %arg8[%get3A_163] {strides = array<i32>} : memref<640xf32, #tpu.memory_space<vmem>>, vector<16xf32>,
      %add3A_165 = arith.addf %get3A_162, %get3A_164 : vector<16xf32>
      %swap3A = arith.index_cast %multiple_of3A : i32 to index
      %swap3A_166 = tpu.vector_load %arg7[%swap3A] {strides = array<i32>} : memref<640xf32, #tpu.memory_space<vmem>>, vector<16xf32>,
      tpu.vector_store %arg7[%swap3A], %add3A_165 {strides = array<i32>} : memref<640xf32, #tpu.memory_space<vmem>>, vector<16xf32>,
    }
    %scan3A_117 = arith.constant 40 : i32
    %mul3A_118 = arith.constant 640 : i32
    %mul3A_119 = arith.muli %arg1, %mul3A_118 : i32
    %run_scoped3A_120 = arith.constant 12 : i32
    "tpu.region"() ({
      %run_scoped3A_159 = tpu.sem_alloc : memref<!tpu.dma_semaphore, #tpu.memory_space<semaphore_mem>>
      %dma_start3A = tpu.memref_slice %arg9[%run_scoped3A_120, %mul3A_119] : memref<16x10240xf32, #tpu.memory_space<vmem_shared>> -> memref<1x640xf32, #tpu.memory_space<vmem_shared>>
      %dma_start3A_160 = tpu.memref_squeeze %dma_start3A : memref<1x640xf32, #tpu.memory_space<vmem_shared>> -> memref<640xf32, #tpu.memory_space<vmem_shared>>
      %dma_start3A_161 = tpu.memref_slice %arg9[%run_scoped3A_120, %mul3A_119] : memref<16x10240xf32, #tpu.memory_space<vmem_shared>> -> memref<1x640xf32, #tpu.memory_space<vmem_shared>>
      %dma_start3A_162 = tpu.memref_squeeze %dma_start3A_161 : memref<1x640xf32, #tpu.memory_space<vmem_shared>> -> memref<640xf32, #tpu.memory_space<vmem_shared>>
      tpu.enqueue_dma source(%dma_start3A_162 : memref<640xf32, #tpu.memory_space<vmem_shared>>) target(%arg8 : memref<640xf32, #tpu.memory_space<vmem>>) target_semaphore(%run_scoped3A_159 : memref<!tpu.dma_semaphore, #tpu.memory_space<semaphore_mem>>)
      %dma_wait3A = tpu.memref_slice %arg9[%run_scoped3A_120, %mul3A_119] : memref<16x10240xf32, #tpu.memory_space<vmem_shared>> -> memref<1x640xf32, #tpu.memory_space<vmem_shared>>
      %dma_wait3A_163 = tpu.memref_squeeze %dma_wait3A : memref<1x640xf32, #tpu.memory_space<vmem_shared>> -> memref<640xf32, #tpu.memory_space<vmem_shared>>
      %dma_wait3A_164 = tpu.memref_slice %arg9[%run_scoped3A_120, %mul3A_119] : memref<16x10240xf32, #tpu.memory_space<vmem_shared>> -> memref<1x640xf32, #tpu.memory_space<vmem_shared>>
      %dma_wait3A_165 = tpu.memref_squeeze %dma_wait3A_164 : memref<1x640xf32, #tpu.memory_space<vmem_shared>> -> memref<640xf32, #tpu.memory_space<vmem_shared>>
      tpu.wait_dma2 semaphore(%run_scoped3A_159 : memref<!tpu.dma_semaphore, #tpu.memory_space<semaphore_mem>>) src(%dma_wait3A_165 : memref<640xf32, #tpu.memory_space<vmem_shared>>) dst(%arg8 : memref<640xf32, #tpu.memory_space<vmem>>)
      tpu.yield
    }) : () -> ()
    %scan3A_121 = arith.constant 0 : i32
    %scan3A_122 = arith.constant 0 : i32
    %scan3A_123 = arith.constant 40 : i32
    %scan3A_124 = arith.addi %scan3A_122, %scan3A_123 : i32
    %scan3A_125 = arith.constant 1 : i32
    scf.for %scan3A_159 = %scan3A_122 to %scan3A_124 step %scan3A_125  : i32 {
      %mul3A_160 = arith.constant 16 : i32
      %mul3A_161 = arith.muli %scan3A_159, %mul3A_160 : i32
      %multiple_of3A = tpu.assume_multiple %mul3A_161, 16 : i32
      %get3A = arith.index_cast %multiple_of3A : i32 to index
      %get3A_162 = tpu.vector_load %arg7[%get3A] {strides = array<i32>} : memref<640xf32, #tpu.memory_space<vmem>>, vector<16xf32>,
      %get3A_163 = arith.index_cast %multiple_of3A : i32 to index
      %get3A_164 = tpu.vector_load %arg8[%get3A_163] {strides = array<i32>} : memref<640xf32, #tpu.memory_space<vmem>>, vector<16xf32>,
      %add3A_165 = arith.addf %get3A_162, %get3A_164 : vector<16xf32>
      %swap3A = arith.index_cast %multiple_of3A : i32 to index
      %swap3A_166 = tpu.vector_load %arg7[%swap3A] {strides = array<i32>} : memref<640xf32, #tpu.memory_space<vmem>>, vector<16xf32>,
      tpu.vector_store %arg7[%swap3A], %add3A_165 {strides = array<i32>} : memref<640xf32, #tpu.memory_space<vmem>>, vector<16xf32>,
    }
    %scan3A_126 = arith.constant 40 : i32
    %mul3A_127 = arith.constant 640 : i32
    %mul3A_128 = arith.muli %arg1, %mul3A_127 : i32
    %run_scoped3A_129 = arith.constant 13 : i32
    "tpu.region"() ({
      %run_scoped3A_159 = tpu.sem_alloc : memref<!tpu.dma_semaphore, #tpu.memory_space<semaphore_mem>>
      %dma_start3A = tpu.memref_slice %arg9[%run_scoped3A_129, %mul3A_128] : memref<16x10240xf32, #tpu.memory_space<vmem_shared>> -> memref<1x640xf32, #tpu.memory_space<vmem_shared>>
      %dma_start3A_160 = tpu.memref_squeeze %dma_start3A : memref<1x640xf32, #tpu.memory_space<vmem_shared>> -> memref<640xf32, #tpu.memory_space<vmem_shared>>
      %dma_start3A_161 = tpu.memref_slice %arg9[%run_scoped3A_129, %mul3A_128] : memref<16x10240xf32, #tpu.memory_space<vmem_shared>> -> memref<1x640xf32, #tpu.memory_space<vmem_shared>>
      %dma_start3A_162 = tpu.memref_squeeze %dma_start3A_161 : memref<1x640xf32, #tpu.memory_space<vmem_shared>> -> memref<640xf32, #tpu.memory_space<vmem_shared>>
      tpu.enqueue_dma source(%dma_start3A_162 : memref<640xf32, #tpu.memory_space<vmem_shared>>) target(%arg8 : memref<640xf32, #tpu.memory_space<vmem>>) target_semaphore(%run_scoped3A_159 : memref<!tpu.dma_semaphore, #tpu.memory_space<semaphore_mem>>)
      %dma_wait3A = tpu.memref_slice %arg9[%run_scoped3A_129, %mul3A_128] : memref<16x10240xf32, #tpu.memory_space<vmem_shared>> -> memref<1x640xf32, #tpu.memory_space<vmem_shared>>
      %dma_wait3A_163 = tpu.memref_squeeze %dma_wait3A : memref<1x640xf32, #tpu.memory_space<vmem_shared>> -> memref<640xf32, #tpu.memory_space<vmem_shared>>
      %dma_wait3A_164 = tpu.memref_slice %arg9[%run_scoped3A_129, %mul3A_128] : memref<16x10240xf32, #tpu.memory_space<vmem_shared>> -> memref<1x640xf32, #tpu.memory_space<vmem_shared>>
      %dma_wait3A_165 = tpu.memref_squeeze %dma_wait3A_164 : memref<1x640xf32, #tpu.memory_space<vmem_shared>> -> memref<640xf32, #tpu.memory_space<vmem_shared>>
      tpu.wait_dma2 semaphore(%run_scoped3A_159 : memref<!tpu.dma_semaphore, #tpu.memory_space<semaphore_mem>>) src(%dma_wait3A_165 : memref<640xf32, #tpu.memory_space<vmem_shared>>) dst(%arg8 : memref<640xf32, #tpu.memory_space<vmem>>)
      tpu.yield
    }) : () -> ()
    %scan3A_130 = arith.constant 0 : i32
    %scan3A_131 = arith.constant 0 : i32
    %scan3A_132 = arith.constant 40 : i32
    %scan3A_133 = arith.addi %scan3A_131, %scan3A_132 : i32
    %scan3A_134 = arith.constant 1 : i32
    scf.for %scan3A_159 = %scan3A_131 to %scan3A_133 step %scan3A_134  : i32 {
      %mul3A_160 = arith.constant 16 : i32
      %mul3A_161 = arith.muli %scan3A_159, %mul3A_160 : i32
      %multiple_of3A = tpu.assume_multiple %mul3A_161, 16 : i32
      %get3A = arith.index_cast %multiple_of3A : i32 to index
      %get3A_162 = tpu.vector_load %arg7[%get3A] {strides = array<i32>} : memref<640xf32, #tpu.memory_space<vmem>>, vector<16xf32>,
      %get3A_163 = arith.index_cast %multiple_of3A : i32 to index
      %get3A_164 = tpu.vector_load %arg8[%get3A_163] {strides = array<i32>} : memref<640xf32, #tpu.memory_space<vmem>>, vector<16xf32>,
      %add3A_165 = arith.addf %get3A_162, %get3A_164 : vector<16xf32>
      %swap3A = arith.index_cast %multiple_of3A : i32 to index
      %swap3A_166 = tpu.vector_load %arg7[%swap3A] {strides = array<i32>} : memref<640xf32, #tpu.memory_space<vmem>>, vector<16xf32>,
      tpu.vector_store %arg7[%swap3A], %add3A_165 {strides = array<i32>} : memref<640xf32, #tpu.memory_space<vmem>>, vector<16xf32>,
    }
    %scan3A_135 = arith.constant 40 : i32
    %mul3A_136 = arith.constant 640 : i32
    %mul3A_137 = arith.muli %arg1, %mul3A_136 : i32
    %run_scoped3A_138 = arith.constant 14 : i32
    "tpu.region"() ({
      %run_scoped3A_159 = tpu.sem_alloc : memref<!tpu.dma_semaphore, #tpu.memory_space<semaphore_mem>>
      %dma_start3A = tpu.memref_slice %arg9[%run_scoped3A_138, %mul3A_137] : memref<16x10240xf32, #tpu.memory_space<vmem_shared>> -> memref<1x640xf32, #tpu.memory_space<vmem_shared>>
      %dma_start3A_160 = tpu.memref_squeeze %dma_start3A : memref<1x640xf32, #tpu.memory_space<vmem_shared>> -> memref<640xf32, #tpu.memory_space<vmem_shared>>
      %dma_start3A_161 = tpu.memref_slice %arg9[%run_scoped3A_138, %mul3A_137] : memref<16x10240xf32, #tpu.memory_space<vmem_shared>> -> memref<1x640xf32, #tpu.memory_space<vmem_shared>>
      %dma_start3A_162 = tpu.memref_squeeze %dma_start3A_161 : memref<1x640xf32, #tpu.memory_space<vmem_shared>> -> memref<640xf32, #tpu.memory_space<vmem_shared>>
      tpu.enqueue_dma source(%dma_start3A_162 : memref<640xf32, #tpu.memory_space<vmem_shared>>) target(%arg8 : memref<640xf32, #tpu.memory_space<vmem>>) target_semaphore(%run_scoped3A_159 : memref<!tpu.dma_semaphore, #tpu.memory_space<semaphore_mem>>)
      %dma_wait3A = tpu.memref_slice %arg9[%run_scoped3A_138, %mul3A_137] : memref<16x10240xf32, #tpu.memory_space<vmem_shared>> -> memref<1x640xf32, #tpu.memory_space<vmem_shared>>
      %dma_wait3A_163 = tpu.memref_squeeze %dma_wait3A : memref<1x640xf32, #tpu.memory_space<vmem_shared>> -> memref<640xf32, #tpu.memory_space<vmem_shared>>
      %dma_wait3A_164 = tpu.memref_slice %arg9[%run_scoped3A_138, %mul3A_137] : memref<16x10240xf32, #tpu.memory_space<vmem_shared>> -> memref<1x640xf32, #tpu.memory_space<vmem_shared>>
      %dma_wait3A_165 = tpu.memref_squeeze %dma_wait3A_164 : memref<1x640xf32, #tpu.memory_space<vmem_shared>> -> memref<640xf32, #tpu.memory_space<vmem_shared>>
      tpu.wait_dma2 semaphore(%run_scoped3A_159 : memref<!tpu.dma_semaphore, #tpu.memory_space<semaphore_mem>>) src(%dma_wait3A_165 : memref<640xf32, #tpu.memory_space<vmem_shared>>) dst(%arg8 : memref<640xf32, #tpu.memory_space<vmem>>)
      tpu.yield
    }) : () -> ()
    %scan3A_139 = arith.constant 0 : i32
    %scan3A_140 = arith.constant 0 : i32
    %scan3A_141 = arith.constant 40 : i32
    %scan3A_142 = arith.addi %scan3A_140, %scan3A_141 : i32
    %scan3A_143 = arith.constant 1 : i32
    scf.for %scan3A_159 = %scan3A_140 to %scan3A_142 step %scan3A_143  : i32 {
      %mul3A_160 = arith.constant 16 : i32
      %mul3A_161 = arith.muli %scan3A_159, %mul3A_160 : i32
      %multiple_of3A = tpu.assume_multiple %mul3A_161, 16 : i32
      %get3A = arith.index_cast %multiple_of3A : i32 to index
      %get3A_162 = tpu.vector_load %arg7[%get3A] {strides = array<i32>} : memref<640xf32, #tpu.memory_space<vmem>>, vector<16xf32>,
      %get3A_163 = arith.index_cast %multiple_of3A : i32 to index
      %get3A_164 = tpu.vector_load %arg8[%get3A_163] {strides = array<i32>} : memref<640xf32, #tpu.memory_space<vmem>>, vector<16xf32>,
      %add3A_165 = arith.addf %get3A_162, %get3A_164 : vector<16xf32>
      %swap3A = arith.index_cast %multiple_of3A : i32 to index
      %swap3A_166 = tpu.vector_load %arg7[%swap3A] {strides = array<i32>} : memref<640xf32, #tpu.memory_space<vmem>>, vector<16xf32>,
      tpu.vector_store %arg7[%swap3A], %add3A_165 {strides = array<i32>} : memref<640xf32, #tpu.memory_space<vmem>>, vector<16xf32>,
    }
    %scan3A_144 = arith.constant 40 : i32
    %mul3A_145 = arith.constant 640 : i32
    %mul3A_146 = arith.muli %arg1, %mul3A_145 : i32
    %run_scoped3A_147 = arith.constant 15 : i32
    "tpu.region"() ({
      %run_scoped3A_159 = tpu.sem_alloc : memref<!tpu.dma_semaphore, #tpu.memory_space<semaphore_mem>>
      %dma_start3A = tpu.memref_slice %arg9[%run_scoped3A_147, %mul3A_146] : memref<16x10240xf32, #tpu.memory_space<vmem_shared>> -> memref<1x640xf32, #tpu.memory_space<vmem_shared>>
      %dma_start3A_160 = tpu.memref_squeeze %dma_start3A : memref<1x640xf32, #tpu.memory_space<vmem_shared>> -> memref<640xf32, #tpu.memory_space<vmem_shared>>
      %dma_start3A_161 = tpu.memref_slice %arg9[%run_scoped3A_147, %mul3A_146] : memref<16x10240xf32, #tpu.memory_space<vmem_shared>> -> memref<1x640xf32, #tpu.memory_space<vmem_shared>>
      %dma_start3A_162 = tpu.memref_squeeze %dma_start3A_161 : memref<1x640xf32, #tpu.memory_space<vmem_shared>> -> memref<640xf32, #tpu.memory_space<vmem_shared>>
      tpu.enqueue_dma source(%dma_start3A_162 : memref<640xf32, #tpu.memory_space<vmem_shared>>) target(%arg8 : memref<640xf32, #tpu.memory_space<vmem>>) target_semaphore(%run_scoped3A_159 : memref<!tpu.dma_semaphore, #tpu.memory_space<semaphore_mem>>)
      %dma_wait3A = tpu.memref_slice %arg9[%run_scoped3A_147, %mul3A_146] : memref<16x10240xf32, #tpu.memory_space<vmem_shared>> -> memref<1x640xf32, #tpu.memory_space<vmem_shared>>
      %dma_wait3A_163 = tpu.memref_squeeze %dma_wait3A : memref<1x640xf32, #tpu.memory_space<vmem_shared>> -> memref<640xf32, #tpu.memory_space<vmem_shared>>
      %dma_wait3A_164 = tpu.memref_slice %arg9[%run_scoped3A_147, %mul3A_146] : memref<16x10240xf32, #tpu.memory_space<vmem_shared>> -> memref<1x640xf32, #tpu.memory_space<vmem_shared>>
      %dma_wait3A_165 = tpu.memref_squeeze %dma_wait3A_164 : memref<1x640xf32, #tpu.memory_space<vmem_shared>> -> memref<640xf32, #tpu.memory_space<vmem_shared>>
      tpu.wait_dma2 semaphore(%run_scoped3A_159 : memref<!tpu.dma_semaphore, #tpu.memory_space<semaphore_mem>>) src(%dma_wait3A_165 : memref<640xf32, #tpu.memory_space<vmem_shared>>) dst(%arg8 : memref<640xf32, #tpu.memory_space<vmem>>)
      tpu.yield
    }) : () -> ()
    %scan3A_148 = arith.constant 0 : i32
    %scan3A_149 = arith.constant 0 : i32
    %scan3A_150 = arith.constant 40 : i32
    %scan3A_151 = arith.addi %scan3A_149, %scan3A_150 : i32
    %scan3A_152 = arith.constant 1 : i32
    scf.for %scan3A_159 = %scan3A_149 to %scan3A_151 step %scan3A_152  : i32 {
      %mul3A_160 = arith.constant 16 : i32
      %mul3A_161 = arith.muli %scan3A_159, %mul3A_160 : i32
      %multiple_of3A = tpu.assume_multiple %mul3A_161, 16 : i32
      %get3A = arith.index_cast %multiple_of3A : i32 to index
      %get3A_162 = tpu.vector_load %arg7[%get3A] {strides = array<i32>} : memref<640xf32, #tpu.memory_space<vmem>>, vector<16xf32>,
      %get3A_163 = arith.index_cast %multiple_of3A : i32 to index
      %get3A_164 = tpu.vector_load %arg8[%get3A_163] {strides = array<i32>} : memref<640xf32, #tpu.memory_space<vmem>>, vector<16xf32>,
      %add3A_165 = arith.addf %get3A_162, %get3A_164 : vector<16xf32>
      %swap3A = arith.index_cast %multiple_of3A : i32 to index
      %swap3A_166 = tpu.vector_load %arg7[%swap3A] {strides = array<i32>} : memref<640xf32, #tpu.memory_space<vmem>>, vector<16xf32>,
      tpu.vector_store %arg7[%swap3A], %add3A_165 {strides = array<i32>} : memref<640xf32, #tpu.memory_space<vmem>>, vector<16xf32>,
    }
    %scan3A_153 = arith.constant 40 : i32
    %mul3A_154 = arith.constant 10240 : i32
    %mul3A_155 = arith.muli %arg0, %mul3A_154 : i32
    %mul3A_156 = arith.constant 640 : i32
    %mul3A_157 = arith.muli %arg1, %mul3A_156 : i32
    %add3A_158 = arith.addi %mul3A_155, %mul3A_157 : i32
    "tpu.region"() ({
      %run_scoped3A_159 = tpu.sem_alloc : memref<!tpu.dma_semaphore, #tpu.memory_space<semaphore_mem>>
      %dma_start3A = tpu.memref_slice %arg4[%add3A_158] : memref<20480xf32, #tpu.memory_space<hbm>> -> memref<640xf32, #tpu.memory_space<hbm>>
      %dma_start3A_160 = tpu.memref_slice %arg4[%add3A_158] : memref<20480xf32, #tpu.memory_space<hbm>> -> memref<640xf32, #tpu.memory_space<hbm>>
      tpu.enqueue_dma source(%arg7 : memref<640xf32, #tpu.memory_space<vmem>>) target(%dma_start3A_160 : memref<640xf32, #tpu.memory_space<hbm>>) target_semaphore(%run_scoped3A_159 : memref<!tpu.dma_semaphore, #tpu.memory_space<semaphore_mem>>)
      %dma_wait3A = tpu.memref_slice %arg4[%add3A_158] : memref<20480xf32, #tpu.memory_space<hbm>> -> memref<640xf32, #tpu.memory_space<hbm>>
      %dma_wait3A_161 = tpu.memref_slice %arg4[%add3A_158] : memref<20480xf32, #tpu.memory_space<hbm>> -> memref<640xf32, #tpu.memory_space<hbm>>
      tpu.wait_dma2 semaphore(%run_scoped3A_159 : memref<!tpu.dma_semaphore, #tpu.memory_space<semaphore_mem>>) src(%arg7 : memref<640xf32, #tpu.memory_space<vmem>>) dst(%dma_wait3A_161 : memref<640xf32, #tpu.memory_space<hbm>>)
      tpu.yield
    }) : () -> ()
    return
  }
}

#map = affine_map<(d0, d1) -> (0)>
module attributes {stable_mosaic.version = 14 : i64} {
  func.func @_agg2_kernel(%arg0: i32, %arg1: i32, %arg2: memref<160000xf32, #tpu.memory_space<hbm>>, %arg3: memref<320000xf32, #tpu.memory_space<hbm>>, %arg4: memref<10000xf32, #tpu.memory_space<hbm>>, %arg5: memref<16xf32, #tpu.memory_space<hbm>>, %arg6: memref<320000xi32, #tpu.memory_space<hbm>>, %arg7: memref<320000xi32, #tpu.memory_space<hbm>>, %arg8: memref<10240xf32, #tpu.memory_space<hbm>>, %arg9: memref<320000xf32, #tpu.memory_space<hbm>>, %arg10: memref<16000xi32, #tpu.memory_space<vmem>>, %arg11: memref<16000xi32, #tpu.memory_space<vmem>>, %arg12: memref<16000xi32, #tpu.memory_space<vmem>>, %arg13: memref<16000xi32, #tpu.memory_space<vmem>>, %arg14: memref<10000xf32, #tpu.memory_space<vmem>>, %arg15: memref<10000xf32, #tpu.memory_space<vmem>>, %arg16: memref<10000xf32, #tpu.memory_space<vmem>>, %arg17: memref<10000xf32, #tpu.memory_space<vmem>>, %arg18: memref<16xf32, #tpu.memory_space<vmem>>, %arg19: memref<!tpu.dma_semaphore, #tpu.memory_space<semaphore_mem>>, %arg20: memref<!tpu.dma_semaphore, #tpu.memory_space<semaphore_mem>>) attributes {dimension_semantics = [#tpu.dimension_semantics<core_parallel>, #tpu.dimension_semantics<subcore_parallel>], iteration_bounds = array<i64: 2, 16>, scalar_prefetch = 0 : i64, scratch_operands = 11 : i64, tpu.core_type = #tpu.core_type<sc_vector_subcore>, window_params = [{transform_indices = #map}, {transform_indices = #map}, {transform_indices = #map}, {transform_indices = #map}, {transform_indices = #map}, {transform_indices = #map}, {transform_indices = #map}, {transform_indices = #map}]} {
    %mul3A = arith.constant 10000 : i32
    %mul3A_0 = arith.muli %arg1, %mul3A : i32
    "tpu.region"() ({
      %run_scoped3A = tpu.sem_alloc : memref<!tpu.dma_semaphore, #tpu.memory_space<semaphore_mem>>
      %dma_start3A_166 = tpu.memref_slice %arg2[%mul3A_0] : memref<160000xf32, #tpu.memory_space<hbm>> -> memref<10000xf32, #tpu.memory_space<hbm>>
      %dma_start3A_167 = tpu.memref_slice %arg2[%mul3A_0] : memref<160000xf32, #tpu.memory_space<hbm>> -> memref<10000xf32, #tpu.memory_space<hbm>>
      tpu.enqueue_dma source(%dma_start3A_167 : memref<10000xf32, #tpu.memory_space<hbm>>) target(%arg14 : memref<10000xf32, #tpu.memory_space<vmem>>) target_semaphore(%run_scoped3A : memref<!tpu.dma_semaphore, #tpu.memory_space<semaphore_mem>>)
      %dma_wait3A_168 = tpu.memref_slice %arg2[%mul3A_0] : memref<160000xf32, #tpu.memory_space<hbm>> -> memref<10000xf32, #tpu.memory_space<hbm>>
      %dma_wait3A_169 = tpu.memref_slice %arg2[%mul3A_0] : memref<160000xf32, #tpu.memory_space<hbm>> -> memref<10000xf32, #tpu.memory_space<hbm>>
      tpu.wait_dma2 semaphore(%run_scoped3A : memref<!tpu.dma_semaphore, #tpu.memory_space<semaphore_mem>>) src(%dma_wait3A_169 : memref<10000xf32, #tpu.memory_space<hbm>>) dst(%arg14 : memref<10000xf32, #tpu.memory_space<vmem>>)
      tpu.yield
    }) : () -> ()
    %mul3A_1 = arith.constant 10000 : i32
    %mul3A_2 = arith.muli %arg1, %mul3A_1 : i32
    "tpu.region"() ({
      %run_scoped3A = tpu.sem_alloc : memref<!tpu.dma_semaphore, #tpu.memory_space<semaphore_mem>>
      %dma_start3A_166 = tpu.memref_slice %arg3[%mul3A_2] : memref<320000xf32, #tpu.memory_space<hbm>> -> memref<10000xf32, #tpu.memory_space<hbm>>
      %dma_start3A_167 = tpu.memref_slice %arg3[%mul3A_2] : memref<320000xf32, #tpu.memory_space<hbm>> -> memref<10000xf32, #tpu.memory_space<hbm>>
      tpu.enqueue_dma source(%dma_start3A_167 : memref<10000xf32, #tpu.memory_space<hbm>>) target(%arg16 : memref<10000xf32, #tpu.memory_space<vmem>>) target_semaphore(%run_scoped3A : memref<!tpu.dma_semaphore, #tpu.memory_space<semaphore_mem>>)
      %dma_wait3A_168 = tpu.memref_slice %arg3[%mul3A_2] : memref<320000xf32, #tpu.memory_space<hbm>> -> memref<10000xf32, #tpu.memory_space<hbm>>
      %dma_wait3A_169 = tpu.memref_slice %arg3[%mul3A_2] : memref<320000xf32, #tpu.memory_space<hbm>> -> memref<10000xf32, #tpu.memory_space<hbm>>
      tpu.wait_dma2 semaphore(%run_scoped3A : memref<!tpu.dma_semaphore, #tpu.memory_space<semaphore_mem>>) src(%dma_wait3A_169 : memref<10000xf32, #tpu.memory_space<hbm>>) dst(%arg16 : memref<10000xf32, #tpu.memory_space<vmem>>)
      tpu.yield
    }) : () -> ()
    "tpu.region"() ({
      %run_scoped3A = tpu.sem_alloc : memref<!tpu.dma_semaphore, #tpu.memory_space<semaphore_mem>>
      tpu.enqueue_dma source(%arg4 : memref<10000xf32, #tpu.memory_space<hbm>>) target(%arg17 : memref<10000xf32, #tpu.memory_space<vmem>>) target_semaphore(%run_scoped3A : memref<!tpu.dma_semaphore, #tpu.memory_space<semaphore_mem>>)
      tpu.wait_dma2 semaphore(%run_scoped3A : memref<!tpu.dma_semaphore, #tpu.memory_space<semaphore_mem>>) src(%arg4 : memref<10000xf32, #tpu.memory_space<hbm>>) dst(%arg17 : memref<10000xf32, #tpu.memory_space<vmem>>)
      tpu.yield
    }) : () -> ()
    "tpu.region"() ({
      %run_scoped3A = tpu.sem_alloc : memref<!tpu.dma_semaphore, #tpu.memory_space<semaphore_mem>>
      tpu.enqueue_dma source(%arg5 : memref<16xf32, #tpu.memory_space<hbm>>) target(%arg18 : memref<16xf32, #tpu.memory_space<vmem>>) target_semaphore(%run_scoped3A : memref<!tpu.dma_semaphore, #tpu.memory_space<semaphore_mem>>)
      tpu.wait_dma2 semaphore(%run_scoped3A : memref<!tpu.dma_semaphore, #tpu.memory_space<semaphore_mem>>) src(%arg5 : memref<16xf32, #tpu.memory_space<hbm>>) dst(%arg18 : memref<16xf32, #tpu.memory_space<vmem>>)
      tpu.yield
    }) : () -> ()
    "tpu.region"() ({
      %run_scoped3A = tpu.sem_alloc : memref<!tpu.dma_semaphore, #tpu.memory_space<semaphore_mem>>
      %dma_start3A_166 = arith.constant 0 : i32
      %dma_start3A_167 = tpu.memref_slice %arg8[%dma_start3A_166] : memref<10240xf32, #tpu.memory_space<hbm>> -> memref<10000xf32, #tpu.memory_space<hbm>>
      %dma_start3A_168 = arith.constant 0 : i32
      %dma_start3A_169 = tpu.memref_slice %arg8[%dma_start3A_168] : memref<10240xf32, #tpu.memory_space<hbm>> -> memref<10000xf32, #tpu.memory_space<hbm>>
      tpu.enqueue_dma source(%dma_start3A_169 : memref<10000xf32, #tpu.memory_space<hbm>>) target(%arg15 : memref<10000xf32, #tpu.memory_space<vmem>>) target_semaphore(%run_scoped3A : memref<!tpu.dma_semaphore, #tpu.memory_space<semaphore_mem>>)
      %dma_wait3A_170 = arith.constant 0 : i32
      %dma_wait3A_171 = tpu.memref_slice %arg8[%dma_wait3A_170] : memref<10240xf32, #tpu.memory_space<hbm>> -> memref<10000xf32, #tpu.memory_space<hbm>>
      %dma_wait3A_172 = arith.constant 0 : i32
      %dma_wait3A_173 = tpu.memref_slice %arg8[%dma_wait3A_172] : memref<10240xf32, #tpu.memory_space<hbm>> -> memref<10000xf32, #tpu.memory_space<hbm>>
      tpu.wait_dma2 semaphore(%run_scoped3A : memref<!tpu.dma_semaphore, #tpu.memory_space<semaphore_mem>>) src(%dma_wait3A_173 : memref<10000xf32, #tpu.memory_space<hbm>>) dst(%arg15 : memref<10000xf32, #tpu.memory_space<vmem>>)
      tpu.yield
    }) : () -> ()
    %broadcast_in_dim3A = vector.broadcast %arg1 : i32 to vector<16xi32>
    %gather3A = tpu.vector_load_idx %arg18[%broadcast_in_dim3A] : memref<16xf32, #tpu.memory_space<vmem>>[vector<16xi32>], vector<16xf32>,
    %parallel_loop3A = arith.constant 0 : i32
    %parallel_loop3A_3 = arith.constant 625 : i32
    %parallel_loop3A_4 = arith.constant 1 : i32
    scf.for %parallel_loop3A_166 = %parallel_loop3A to %parallel_loop3A_3 step %parallel_loop3A_4  : i32 {
      %parallel_loop3A_167 = arith.constant 16 : i32
      %parallel_loop3A_168 = arith.muli %parallel_loop3A_166, %parallel_loop3A_167 : i32
      %parallel_loop3A_169 = tpu.assume_multiple %parallel_loop3A_168, 16 : i32
      %parallel_loop3A_170 = arith.index_cast %parallel_loop3A_169 : i32 to index
      %parallel_loop3A_171 = tpu.vector_load %arg14[%parallel_loop3A_170] {strides = array<i32>} : memref<10000xf32, #tpu.memory_space<vmem>>, vector<16xf32>,
      %parallel_loop3A_172 = arith.index_cast %parallel_loop3A_169 : i32 to index
      %parallel_loop3A_173 = tpu.vector_load %arg16[%parallel_loop3A_172] {strides = array<i32>} : memref<10000xf32, #tpu.memory_space<vmem>>, vector<16xf32>,
      %parallel_loop3A_174 = arith.addf %parallel_loop3A_171, %parallel_loop3A_173 : vector<16xf32>
      %parallel_loop3A_175 = arith.index_cast %parallel_loop3A_169 : i32 to index
      %parallel_loop3A_176 = tpu.vector_load %arg14[%parallel_loop3A_175] {strides = array<i32>} : memref<10000xf32, #tpu.memory_space<vmem>>, vector<16xf32>,
      tpu.vector_store %arg14[%parallel_loop3A_175], %parallel_loop3A_174 {strides = array<i32>} : memref<10000xf32, #tpu.memory_space<vmem>>, vector<16xf32>,
    } {sc.loop_unroll_factor = 5 : i64, sc.parallel_access}
    %add3A = arith.constant 16 : i32
    %add3A_5 = arith.addi %add3A, %arg1 : i32
    %mul3A_6 = arith.constant 10000 : i32
    %mul3A_7 = arith.muli %add3A_5, %mul3A_6 : i32
    "tpu.region"() ({
      %run_scoped3A = tpu.sem_alloc : memref<!tpu.dma_semaphore, #tpu.memory_space<semaphore_mem>>
      %dma_start3A_166 = tpu.memref_slice %arg3[%mul3A_7] : memref<320000xf32, #tpu.memory_space<hbm>> -> memref<10000xf32, #tpu.memory_space<hbm>>
      %dma_start3A_167 = tpu.memref_slice %arg3[%mul3A_7] : memref<320000xf32, #tpu.memory_space<hbm>> -> memref<10000xf32, #tpu.memory_space<hbm>>
      tpu.enqueue_dma source(%dma_start3A_167 : memref<10000xf32, #tpu.memory_space<hbm>>) target(%arg16 : memref<10000xf32, #tpu.memory_space<vmem>>) target_semaphore(%run_scoped3A : memref<!tpu.dma_semaphore, #tpu.memory_space<semaphore_mem>>)
      %dma_wait3A_168 = tpu.memref_slice %arg3[%mul3A_7] : memref<320000xf32, #tpu.memory_space<hbm>> -> memref<10000xf32, #tpu.memory_space<hbm>>
      %dma_wait3A_169 = tpu.memref_slice %arg3[%mul3A_7] : memref<320000xf32, #tpu.memory_space<hbm>> -> memref<10000xf32, #tpu.memory_space<hbm>>
      tpu.wait_dma2 semaphore(%run_scoped3A : memref<!tpu.dma_semaphore, #tpu.memory_space<semaphore_mem>>) src(%dma_wait3A_169 : memref<10000xf32, #tpu.memory_space<hbm>>) dst(%arg16 : memref<10000xf32, #tpu.memory_space<vmem>>)
      tpu.yield
    }) : () -> ()
    %parallel_loop3A_8 = arith.constant 0 : i32
    %parallel_loop3A_9 = arith.constant 625 : i32
    %parallel_loop3A_10 = arith.constant 1 : i32
    scf.for %parallel_loop3A_166 = %parallel_loop3A_8 to %parallel_loop3A_9 step %parallel_loop3A_10  : i32 {
      %parallel_loop3A_167 = arith.constant 16 : i32
      %parallel_loop3A_168 = arith.muli %parallel_loop3A_166, %parallel_loop3A_167 : i32
      %parallel_loop3A_169 = tpu.assume_multiple %parallel_loop3A_168, 16 : i32
      %parallel_loop3A_170 = arith.index_cast %parallel_loop3A_169 : i32 to index
      %parallel_loop3A_171 = tpu.vector_load %arg17[%parallel_loop3A_170] {strides = array<i32>} : memref<10000xf32, #tpu.memory_space<vmem>>, vector<16xf32>,
      %parallel_loop3A_172 = arith.index_cast %parallel_loop3A_169 : i32 to index
      %parallel_loop3A_173 = tpu.vector_load %arg14[%parallel_loop3A_172] {strides = array<i32>} : memref<10000xf32, #tpu.memory_space<vmem>>, vector<16xf32>,
      %parallel_loop3A_174 = arith.index_cast %parallel_loop3A_169 : i32 to index
      %parallel_loop3A_175 = tpu.vector_load %arg16[%parallel_loop3A_174] {strides = array<i32>} : memref<10000xf32, #tpu.memory_space<vmem>>, vector<16xf32>,
      %parallel_loop3A_176 = arith.addf %parallel_loop3A_173, %parallel_loop3A_175 : vector<16xf32>
      %parallel_loop3A_177 = arith.mulf %parallel_loop3A_176, %parallel_loop3A_171 : vector<16xf32>
      %parallel_loop3A_178 = arith.addf %parallel_loop3A_177, %gather3A : vector<16xf32>
      %parallel_loop3A_179 = arith.constant 0.000000e+00 : f32
      %parallel_loop3A_180 = vector.broadcast %parallel_loop3A_179 : f32 to vector<16xf32>
      %parallel_loop3A_181 = arith.maximumf %parallel_loop3A_178, %parallel_loop3A_180 : vector<16xf32>
      %parallel_loop3A_182 = arith.mulf %parallel_loop3A_181, %parallel_loop3A_171 : vector<16xf32>
      %parallel_loop3A_183 = arith.index_cast %parallel_loop3A_169 : i32 to index
      %parallel_loop3A_184 = tpu.vector_load %arg14[%parallel_loop3A_183] {strides = array<i32>} : memref<10000xf32, #tpu.memory_space<vmem>>, vector<16xf32>,
      tpu.vector_store %arg14[%parallel_loop3A_183], %parallel_loop3A_182 {strides = array<i32>} : memref<10000xf32, #tpu.memory_space<vmem>>, vector<16xf32>,
    } {sc.loop_unroll_factor = 5 : i64, sc.parallel_access}
    %mul3A_11 = arith.constant 160000 : i32
    %mul3A_12 = arith.muli %arg0, %mul3A_11 : i32
    %add3A_13 = arith.constant 0 : i32
    %add3A_14 = arith.addi %mul3A_12, %add3A_13 : i32
    %dma_start3A = tpu.memref_slice %arg6[%add3A_14] : memref<320000xi32, #tpu.memory_space<hbm>> -> memref<16000xi32, #tpu.memory_space<hbm>>
    %dma_start3A_15 = tpu.memref_slice %arg6[%add3A_14] : memref<320000xi32, #tpu.memory_space<hbm>> -> memref<16000xi32, #tpu.memory_space<hbm>>
    tpu.enqueue_dma source(%dma_start3A_15 : memref<16000xi32, #tpu.memory_space<hbm>>) target(%arg10 : memref<16000xi32, #tpu.memory_space<vmem>>) target_semaphore(%arg19 : memref<!tpu.dma_semaphore, #tpu.memory_space<semaphore_mem>>)
    %add3A_16 = arith.constant 0 : i32
    %add3A_17 = arith.addi %mul3A_12, %add3A_16 : i32
    %dma_start3A_18 = tpu.memref_slice %arg7[%add3A_17] : memref<320000xi32, #tpu.memory_space<hbm>> -> memref<16000xi32, #tpu.memory_space<hbm>>
    %dma_start3A_19 = tpu.memref_slice %arg7[%add3A_17] : memref<320000xi32, #tpu.memory_space<hbm>> -> memref<16000xi32, #tpu.memory_space<hbm>>
    tpu.enqueue_dma source(%dma_start3A_19 : memref<16000xi32, #tpu.memory_space<hbm>>) target(%arg11 : memref<16000xi32, #tpu.memory_space<vmem>>) target_semaphore(%arg19 : memref<!tpu.dma_semaphore, #tpu.memory_space<semaphore_mem>>)
    %dma_wait3A = tpu.memref_slice %arg6[%add3A_14] : memref<320000xi32, #tpu.memory_space<hbm>> -> memref<16000xi32, #tpu.memory_space<hbm>>
    %dma_wait3A_20 = tpu.memref_slice %arg6[%add3A_14] : memref<320000xi32, #tpu.memory_space<hbm>> -> memref<16000xi32, #tpu.memory_space<hbm>>
    tpu.wait_dma2 semaphore(%arg19 : memref<!tpu.dma_semaphore, #tpu.memory_space<semaphore_mem>>) src(%dma_wait3A_20 : memref<16000xi32, #tpu.memory_space<hbm>>) dst(%arg10 : memref<16000xi32, #tpu.memory_space<vmem>>)
    %dma_wait3A_21 = tpu.memref_slice %arg7[%add3A_17] : memref<320000xi32, #tpu.memory_space<hbm>> -> memref<16000xi32, #tpu.memory_space<hbm>>
    %dma_wait3A_22 = tpu.memref_slice %arg7[%add3A_17] : memref<320000xi32, #tpu.memory_space<hbm>> -> memref<16000xi32, #tpu.memory_space<hbm>>
    tpu.wait_dma2 semaphore(%arg19 : memref<!tpu.dma_semaphore, #tpu.memory_space<semaphore_mem>>) src(%dma_wait3A_22 : memref<16000xi32, #tpu.memory_space<hbm>>) dst(%arg11 : memref<16000xi32, #tpu.memory_space<vmem>>)
    %add3A_23 = arith.constant 16000 : i32
    %add3A_24 = arith.addi %mul3A_12, %add3A_23 : i32
    %dma_start3A_25 = tpu.memref_slice %arg6[%add3A_24] : memref<320000xi32, #tpu.memory_space<hbm>> -> memref<16000xi32, #tpu.memory_space<hbm>>
    %dma_start3A_26 = tpu.memref_slice %arg6[%add3A_24] : memref<320000xi32, #tpu.memory_space<hbm>> -> memref<16000xi32, #tpu.memory_space<hbm>>
    tpu.enqueue_dma source(%dma_start3A_26 : memref<16000xi32, #tpu.memory_space<hbm>>) target(%arg12 : memref<16000xi32, #tpu.memory_space<vmem>>) target_semaphore(%arg20 : memref<!tpu.dma_semaphore, #tpu.memory_space<semaphore_mem>>)
    %add3A_27 = arith.constant 16000 : i32
    %add3A_28 = arith.addi %mul3A_12, %add3A_27 : i32
    %dma_start3A_29 = tpu.memref_slice %arg7[%add3A_28] : memref<320000xi32, #tpu.memory_space<hbm>> -> memref<16000xi32, #tpu.memory_space<hbm>>
    %dma_start3A_30 = tpu.memref_slice %arg7[%add3A_28] : memref<320000xi32, #tpu.memory_space<hbm>> -> memref<16000xi32, #tpu.memory_space<hbm>>
    tpu.enqueue_dma source(%dma_start3A_30 : memref<16000xi32, #tpu.memory_space<hbm>>) target(%arg13 : memref<16000xi32, #tpu.memory_space<vmem>>) target_semaphore(%arg20 : memref<!tpu.dma_semaphore, #tpu.memory_space<semaphore_mem>>)
    %parallel_loop3A_31 = arith.constant 0 : i32
    %parallel_loop3A_32 = arith.constant 1000 : i32
    %parallel_loop3A_33 = arith.constant 1 : i32
    scf.for %parallel_loop3A_166 = %parallel_loop3A_31 to %parallel_loop3A_32 step %parallel_loop3A_33  : i32 {
      %parallel_loop3A_167 = arith.constant 16 : i32
      %parallel_loop3A_168 = arith.muli %parallel_loop3A_166, %parallel_loop3A_167 : i32
      %parallel_loop3A_169 = tpu.assume_multiple %parallel_loop3A_168, 16 : i32
      %parallel_loop3A_170 = arith.index_cast %parallel_loop3A_169 : i32 to index
      %parallel_loop3A_171 = tpu.vector_load %arg10[%parallel_loop3A_170] {strides = array<i32>} : memref<16000xi32, #tpu.memory_space<vmem>>, vector<16xi32>,
      %parallel_loop3A_172 = arith.index_cast %parallel_loop3A_169 : i32 to index
      %parallel_loop3A_173 = tpu.vector_load %arg11[%parallel_loop3A_172] {strides = array<i32>} : memref<16000xi32, #tpu.memory_space<vmem>>, vector<16xi32>,
      %parallel_loop3A_174 = tpu.vector_load_idx %arg14[%parallel_loop3A_171] : memref<10000xf32, #tpu.memory_space<vmem>>[vector<16xi32>], vector<16xf32>,
      tpu.vector_store_idx %arg15[%parallel_loop3A_173], %parallel_loop3A_174 {add = true} : memref<10000xf32, #tpu.memory_space<vmem>>[vector<16xi32>], vector<16xf32>,
    } {sc.loop_unroll_factor = 5 : i64, sc.parallel_access}
    %dma_wait3A_34 = tpu.memref_slice %arg6[%add3A_24] : memref<320000xi32, #tpu.memory_space<hbm>> -> memref<16000xi32, #tpu.memory_space<hbm>>
    %dma_wait3A_35 = tpu.memref_slice %arg6[%add3A_24] : memref<320000xi32, #tpu.memory_space<hbm>> -> memref<16000xi32, #tpu.memory_space<hbm>>
    tpu.wait_dma2 semaphore(%arg20 : memref<!tpu.dma_semaphore, #tpu.memory_space<semaphore_mem>>) src(%dma_wait3A_35 : memref<16000xi32, #tpu.memory_space<hbm>>) dst(%arg12 : memref<16000xi32, #tpu.memory_space<vmem>>)
    %dma_wait3A_36 = tpu.memref_slice %arg7[%add3A_28] : memref<320000xi32, #tpu.memory_space<hbm>> -> memref<16000xi32, #tpu.memory_space<hbm>>
    %dma_wait3A_37 = tpu.memref_slice %arg7[%add3A_28] : memref<320000xi32, #tpu.memory_space<hbm>> -> memref<16000xi32, #tpu.memory_space<hbm>>
    tpu.wait_dma2 semaphore(%arg20 : memref<!tpu.dma_semaphore, #tpu.memory_space<semaphore_mem>>) src(%dma_wait3A_37 : memref<16000xi32, #tpu.memory_space<hbm>>) dst(%arg13 : memref<16000xi32, #tpu.memory_space<vmem>>)
    %add3A_38 = arith.constant 32000 : i32
    %add3A_39 = arith.addi %mul3A_12, %add3A_38 : i32
    %dma_start3A_40 = tpu.memref_slice %arg6[%add3A_39] : memref<320000xi32, #tpu.memory_space<hbm>> -> memref<16000xi32, #tpu.memory_space<hbm>>
    %dma_start3A_41 = tpu.memref_slice %arg6[%add3A_39] : memref<320000xi32, #tpu.memory_space<hbm>> -> memref<16000xi32, #tpu.memory_space<hbm>>
    tpu.enqueue_dma source(%dma_start3A_41 : memref<16000xi32, #tpu.memory_space<hbm>>) target(%arg10 : memref<16000xi32, #tpu.memory_space<vmem>>) target_semaphore(%arg19 : memref<!tpu.dma_semaphore, #tpu.memory_space<semaphore_mem>>)
    %add3A_42 = arith.constant 32000 : i32
    %add3A_43 = arith.addi %mul3A_12, %add3A_42 : i32
    %dma_start3A_44 = tpu.memref_slice %arg7[%add3A_43] : memref<320000xi32, #tpu.memory_space<hbm>> -> memref<16000xi32, #tpu.memory_space<hbm>>
    %dma_start3A_45 = tpu.memref_slice %arg7[%add3A_43] : memref<320000xi32, #tpu.memory_space<hbm>> -> memref<16000xi32, #tpu.memory_space<hbm>>
    tpu.enqueue_dma source(%dma_start3A_45 : memref<16000xi32, #tpu.memory_space<hbm>>) target(%arg11 : memref<16000xi32, #tpu.memory_space<vmem>>) target_semaphore(%arg19 : memref<!tpu.dma_semaphore, #tpu.memory_space<semaphore_mem>>)
    %parallel_loop3A_46 = arith.constant 0 : i32
    %parallel_loop3A_47 = arith.constant 1000 : i32
    %parallel_loop3A_48 = arith.constant 1 : i32
    scf.for %parallel_loop3A_166 = %parallel_loop3A_46 to %parallel_loop3A_47 step %parallel_loop3A_48  : i32 {
      %parallel_loop3A_167 = arith.constant 16 : i32
      %parallel_loop3A_168 = arith.muli %parallel_loop3A_166, %parallel_loop3A_167 : i32
      %parallel_loop3A_169 = tpu.assume_multiple %parallel_loop3A_168, 16 : i32
      %parallel_loop3A_170 = arith.index_cast %parallel_loop3A_169 : i32 to index
      %parallel_loop3A_171 = tpu.vector_load %arg12[%parallel_loop3A_170] {strides = array<i32>} : memref<16000xi32, #tpu.memory_space<vmem>>, vector<16xi32>,
      %parallel_loop3A_172 = arith.index_cast %parallel_loop3A_169 : i32 to index
      %parallel_loop3A_173 = tpu.vector_load %arg13[%parallel_loop3A_172] {strides = array<i32>} : memref<16000xi32, #tpu.memory_space<vmem>>, vector<16xi32>,
      %parallel_loop3A_174 = tpu.vector_load_idx %arg14[%parallel_loop3A_171] : memref<10000xf32, #tpu.memory_space<vmem>>[vector<16xi32>], vector<16xf32>,
      tpu.vector_store_idx %arg15[%parallel_loop3A_173], %parallel_loop3A_174 {add = true} : memref<10000xf32, #tpu.memory_space<vmem>>[vector<16xi32>], vector<16xf32>,
    } {sc.loop_unroll_factor = 5 : i64, sc.parallel_access}
    %dma_wait3A_49 = tpu.memref_slice %arg6[%add3A_39] : memref<320000xi32, #tpu.memory_space<hbm>> -> memref<16000xi32, #tpu.memory_space<hbm>>
    %dma_wait3A_50 = tpu.memref_slice %arg6[%add3A_39] : memref<320000xi32, #tpu.memory_space<hbm>> -> memref<16000xi32, #tpu.memory_space<hbm>>
    tpu.wait_dma2 semaphore(%arg19 : memref<!tpu.dma_semaphore, #tpu.memory_space<semaphore_mem>>) src(%dma_wait3A_50 : memref<16000xi32, #tpu.memory_space<hbm>>) dst(%arg10 : memref<16000xi32, #tpu.memory_space<vmem>>)
    %dma_wait3A_51 = tpu.memref_slice %arg7[%add3A_43] : memref<320000xi32, #tpu.memory_space<hbm>> -> memref<16000xi32, #tpu.memory_space<hbm>>
    %dma_wait3A_52 = tpu.memref_slice %arg7[%add3A_43] : memref<320000xi32, #tpu.memory_space<hbm>> -> memref<16000xi32, #tpu.memory_space<hbm>>
    tpu.wait_dma2 semaphore(%arg19 : memref<!tpu.dma_semaphore, #tpu.memory_space<semaphore_mem>>) src(%dma_wait3A_52 : memref<16000xi32, #tpu.memory_space<hbm>>) dst(%arg11 : memref<16000xi32, #tpu.memory_space<vmem>>)
    %add3A_53 = arith.constant 48000 : i32
    %add3A_54 = arith.addi %mul3A_12, %add3A_53 : i32
    %dma_start3A_55 = tpu.memref_slice %arg6[%add3A_54] : memref<320000xi32, #tpu.memory_space<hbm>> -> memref<16000xi32, #tpu.memory_space<hbm>>
    %dma_start3A_56 = tpu.memref_slice %arg6[%add3A_54] : memref<320000xi32, #tpu.memory_space<hbm>> -> memref<16000xi32, #tpu.memory_space<hbm>>
    tpu.enqueue_dma source(%dma_start3A_56 : memref<16000xi32, #tpu.memory_space<hbm>>) target(%arg12 : memref<16000xi32, #tpu.memory_space<vmem>>) target_semaphore(%arg20 : memref<!tpu.dma_semaphore, #tpu.memory_space<semaphore_mem>>)
    %add3A_57 = arith.constant 48000 : i32
    %add3A_58 = arith.addi %mul3A_12, %add3A_57 : i32
    %dma_start3A_59 = tpu.memref_slice %arg7[%add3A_58] : memref<320000xi32, #tpu.memory_space<hbm>> -> memref<16000xi32, #tpu.memory_space<hbm>>
    %dma_start3A_60 = tpu.memref_slice %arg7[%add3A_58] : memref<320000xi32, #tpu.memory_space<hbm>> -> memref<16000xi32, #tpu.memory_space<hbm>>
    tpu.enqueue_dma source(%dma_start3A_60 : memref<16000xi32, #tpu.memory_space<hbm>>) target(%arg13 : memref<16000xi32, #tpu.memory_space<vmem>>) target_semaphore(%arg20 : memref<!tpu.dma_semaphore, #tpu.memory_space<semaphore_mem>>)
    %parallel_loop3A_61 = arith.constant 0 : i32
    %parallel_loop3A_62 = arith.constant 1000 : i32
    %parallel_loop3A_63 = arith.constant 1 : i32
    scf.for %parallel_loop3A_166 = %parallel_loop3A_61 to %parallel_loop3A_62 step %parallel_loop3A_63  : i32 {
      %parallel_loop3A_167 = arith.constant 16 : i32
      %parallel_loop3A_168 = arith.muli %parallel_loop3A_166, %parallel_loop3A_167 : i32
      %parallel_loop3A_169 = tpu.assume_multiple %parallel_loop3A_168, 16 : i32
      %parallel_loop3A_170 = arith.index_cast %parallel_loop3A_169 : i32 to index
      %parallel_loop3A_171 = tpu.vector_load %arg10[%parallel_loop3A_170] {strides = array<i32>} : memref<16000xi32, #tpu.memory_space<vmem>>, vector<16xi32>,
      %parallel_loop3A_172 = arith.index_cast %parallel_loop3A_169 : i32 to index
      %parallel_loop3A_173 = tpu.vector_load %arg11[%parallel_loop3A_172] {strides = array<i32>} : memref<16000xi32, #tpu.memory_space<vmem>>, vector<16xi32>,
      %parallel_loop3A_174 = tpu.vector_load_idx %arg14[%parallel_loop3A_171] : memref<10000xf32, #tpu.memory_space<vmem>>[vector<16xi32>], vector<16xf32>,
      tpu.vector_store_idx %arg15[%parallel_loop3A_173], %parallel_loop3A_174 {add = true} : memref<10000xf32, #tpu.memory_space<vmem>>[vector<16xi32>], vector<16xf32>,
    } {sc.loop_unroll_factor = 5 : i64, sc.parallel_access}
    %dma_wait3A_64 = tpu.memref_slice %arg6[%add3A_54] : memref<320000xi32, #tpu.memory_space<hbm>> -> memref<16000xi32, #tpu.memory_space<hbm>>
    %dma_wait3A_65 = tpu.memref_slice %arg6[%add3A_54] : memref<320000xi32, #tpu.memory_space<hbm>> -> memref<16000xi32, #tpu.memory_space<hbm>>
    tpu.wait_dma2 semaphore(%arg20 : memref<!tpu.dma_semaphore, #tpu.memory_space<semaphore_mem>>) src(%dma_wait3A_65 : memref<16000xi32, #tpu.memory_space<hbm>>) dst(%arg12 : memref<16000xi32, #tpu.memory_space<vmem>>)
    %dma_wait3A_66 = tpu.memref_slice %arg7[%add3A_58] : memref<320000xi32, #tpu.memory_space<hbm>> -> memref<16000xi32, #tpu.memory_space<hbm>>
    %dma_wait3A_67 = tpu.memref_slice %arg7[%add3A_58] : memref<320000xi32, #tpu.memory_space<hbm>> -> memref<16000xi32, #tpu.memory_space<hbm>>
    tpu.wait_dma2 semaphore(%arg20 : memref<!tpu.dma_semaphore, #tpu.memory_space<semaphore_mem>>) src(%dma_wait3A_67 : memref<16000xi32, #tpu.memory_space<hbm>>) dst(%arg13 : memref<16000xi32, #tpu.memory_space<vmem>>)
    %add3A_68 = arith.constant 64000 : i32
    %add3A_69 = arith.addi %mul3A_12, %add3A_68 : i32
    %dma_start3A_70 = tpu.memref_slice %arg6[%add3A_69] : memref<320000xi32, #tpu.memory_space<hbm>> -> memref<16000xi32, #tpu.memory_space<hbm>>
    %dma_start3A_71 = tpu.memref_slice %arg6[%add3A_69] : memref<320000xi32, #tpu.memory_space<hbm>> -> memref<16000xi32, #tpu.memory_space<hbm>>
    tpu.enqueue_dma source(%dma_start3A_71 : memref<16000xi32, #tpu.memory_space<hbm>>) target(%arg10 : memref<16000xi32, #tpu.memory_space<vmem>>) target_semaphore(%arg19 : memref<!tpu.dma_semaphore, #tpu.memory_space<semaphore_mem>>)
    %add3A_72 = arith.constant 64000 : i32
    %add3A_73 = arith.addi %mul3A_12, %add3A_72 : i32
    %dma_start3A_74 = tpu.memref_slice %arg7[%add3A_73] : memref<320000xi32, #tpu.memory_space<hbm>> -> memref<16000xi32, #tpu.memory_space<hbm>>
    %dma_start3A_75 = tpu.memref_slice %arg7[%add3A_73] : memref<320000xi32, #tpu.memory_space<hbm>> -> memref<16000xi32, #tpu.memory_space<hbm>>
    tpu.enqueue_dma source(%dma_start3A_75 : memref<16000xi32, #tpu.memory_space<hbm>>) target(%arg11 : memref<16000xi32, #tpu.memory_space<vmem>>) target_semaphore(%arg19 : memref<!tpu.dma_semaphore, #tpu.memory_space<semaphore_mem>>)
    %parallel_loop3A_76 = arith.constant 0 : i32
    %parallel_loop3A_77 = arith.constant 1000 : i32
    %parallel_loop3A_78 = arith.constant 1 : i32
    scf.for %parallel_loop3A_166 = %parallel_loop3A_76 to %parallel_loop3A_77 step %parallel_loop3A_78  : i32 {
      %parallel_loop3A_167 = arith.constant 16 : i32
      %parallel_loop3A_168 = arith.muli %parallel_loop3A_166, %parallel_loop3A_167 : i32
      %parallel_loop3A_169 = tpu.assume_multiple %parallel_loop3A_168, 16 : i32
      %parallel_loop3A_170 = arith.index_cast %parallel_loop3A_169 : i32 to index
      %parallel_loop3A_171 = tpu.vector_load %arg12[%parallel_loop3A_170] {strides = array<i32>} : memref<16000xi32, #tpu.memory_space<vmem>>, vector<16xi32>,
      %parallel_loop3A_172 = arith.index_cast %parallel_loop3A_169 : i32 to index
      %parallel_loop3A_173 = tpu.vector_load %arg13[%parallel_loop3A_172] {strides = array<i32>} : memref<16000xi32, #tpu.memory_space<vmem>>, vector<16xi32>,
      %parallel_loop3A_174 = tpu.vector_load_idx %arg14[%parallel_loop3A_171] : memref<10000xf32, #tpu.memory_space<vmem>>[vector<16xi32>], vector<16xf32>,
      tpu.vector_store_idx %arg15[%parallel_loop3A_173], %parallel_loop3A_174 {add = true} : memref<10000xf32, #tpu.memory_space<vmem>>[vector<16xi32>], vector<16xf32>,
    } {sc.loop_unroll_factor = 5 : i64, sc.parallel_access}
    %dma_wait3A_79 = tpu.memref_slice %arg6[%add3A_69] : memref<320000xi32, #tpu.memory_space<hbm>> -> memref<16000xi32, #tpu.memory_space<hbm>>
    %dma_wait3A_80 = tpu.memref_slice %arg6[%add3A_69] : memref<320000xi32, #tpu.memory_space<hbm>> -> memref<16000xi32, #tpu.memory_space<hbm>>
    tpu.wait_dma2 semaphore(%arg19 : memref<!tpu.dma_semaphore, #tpu.memory_space<semaphore_mem>>) src(%dma_wait3A_80 : memref<16000xi32, #tpu.memory_space<hbm>>) dst(%arg10 : memref<16000xi32, #tpu.memory_space<vmem>>)
    %dma_wait3A_81 = tpu.memref_slice %arg7[%add3A_73] : memref<320000xi32, #tpu.memory_space<hbm>> -> memref<16000xi32, #tpu.memory_space<hbm>>
    %dma_wait3A_82 = tpu.memref_slice %arg7[%add3A_73] : memref<320000xi32, #tpu.memory_space<hbm>> -> memref<16000xi32, #tpu.memory_space<hbm>>
    tpu.wait_dma2 semaphore(%arg19 : memref<!tpu.dma_semaphore, #tpu.memory_space<semaphore_mem>>) src(%dma_wait3A_82 : memref<16000xi32, #tpu.memory_space<hbm>>) dst(%arg11 : memref<16000xi32, #tpu.memory_space<vmem>>)
    %add3A_83 = arith.constant 80000 : i32
    %add3A_84 = arith.addi %mul3A_12, %add3A_83 : i32
    %dma_start3A_85 = tpu.memref_slice %arg6[%add3A_84] : memref<320000xi32, #tpu.memory_space<hbm>> -> memref<16000xi32, #tpu.memory_space<hbm>>
    %dma_start3A_86 = tpu.memref_slice %arg6[%add3A_84] : memref<320000xi32, #tpu.memory_space<hbm>> -> memref<16000xi32, #tpu.memory_space<hbm>>
    tpu.enqueue_dma source(%dma_start3A_86 : memref<16000xi32, #tpu.memory_space<hbm>>) target(%arg12 : memref<16000xi32, #tpu.memory_space<vmem>>) target_semaphore(%arg20 : memref<!tpu.dma_semaphore, #tpu.memory_space<semaphore_mem>>)
    %add3A_87 = arith.constant 80000 : i32
    %add3A_88 = arith.addi %mul3A_12, %add3A_87 : i32
    %dma_start3A_89 = tpu.memref_slice %arg7[%add3A_88] : memref<320000xi32, #tpu.memory_space<hbm>> -> memref<16000xi32, #tpu.memory_space<hbm>>
    %dma_start3A_90 = tpu.memref_slice %arg7[%add3A_88] : memref<320000xi32, #tpu.memory_space<hbm>> -> memref<16000xi32, #tpu.memory_space<hbm>>
    tpu.enqueue_dma source(%dma_start3A_90 : memref<16000xi32, #tpu.memory_space<hbm>>) target(%arg13 : memref<16000xi32, #tpu.memory_space<vmem>>) target_semaphore(%arg20 : memref<!tpu.dma_semaphore, #tpu.memory_space<semaphore_mem>>)
    %parallel_loop3A_91 = arith.constant 0 : i32
    %parallel_loop3A_92 = arith.constant 1000 : i32
    %parallel_loop3A_93 = arith.constant 1 : i32
    scf.for %parallel_loop3A_166 = %parallel_loop3A_91 to %parallel_loop3A_92 step %parallel_loop3A_93  : i32 {
      %parallel_loop3A_167 = arith.constant 16 : i32
      %parallel_loop3A_168 = arith.muli %parallel_loop3A_166, %parallel_loop3A_167 : i32
      %parallel_loop3A_169 = tpu.assume_multiple %parallel_loop3A_168, 16 : i32
      %parallel_loop3A_170 = arith.index_cast %parallel_loop3A_169 : i32 to index
      %parallel_loop3A_171 = tpu.vector_load %arg10[%parallel_loop3A_170] {strides = array<i32>} : memref<16000xi32, #tpu.memory_space<vmem>>, vector<16xi32>,
      %parallel_loop3A_172 = arith.index_cast %parallel_loop3A_169 : i32 to index
      %parallel_loop3A_173 = tpu.vector_load %arg11[%parallel_loop3A_172] {strides = array<i32>} : memref<16000xi32, #tpu.memory_space<vmem>>, vector<16xi32>,
      %parallel_loop3A_174 = tpu.vector_load_idx %arg14[%parallel_loop3A_171] : memref<10000xf32, #tpu.memory_space<vmem>>[vector<16xi32>], vector<16xf32>,
      tpu.vector_store_idx %arg15[%parallel_loop3A_173], %parallel_loop3A_174 {add = true} : memref<10000xf32, #tpu.memory_space<vmem>>[vector<16xi32>], vector<16xf32>,
    } {sc.loop_unroll_factor = 5 : i64, sc.parallel_access}
    %dma_wait3A_94 = tpu.memref_slice %arg6[%add3A_84] : memref<320000xi32, #tpu.memory_space<hbm>> -> memref<16000xi32, #tpu.memory_space<hbm>>
    %dma_wait3A_95 = tpu.memref_slice %arg6[%add3A_84] : memref<320000xi32, #tpu.memory_space<hbm>> -> memref<16000xi32, #tpu.memory_space<hbm>>
    tpu.wait_dma2 semaphore(%arg20 : memref<!tpu.dma_semaphore, #tpu.memory_space<semaphore_mem>>) src(%dma_wait3A_95 : memref<16000xi32, #tpu.memory_space<hbm>>) dst(%arg12 : memref<16000xi32, #tpu.memory_space<vmem>>)
    %dma_wait3A_96 = tpu.memref_slice %arg7[%add3A_88] : memref<320000xi32, #tpu.memory_space<hbm>> -> memref<16000xi32, #tpu.memory_space<hbm>>
    %dma_wait3A_97 = tpu.memref_slice %arg7[%add3A_88] : memref<320000xi32, #tpu.memory_space<hbm>> -> memref<16000xi32, #tpu.memory_space<hbm>>
    tpu.wait_dma2 semaphore(%arg20 : memref<!tpu.dma_semaphore, #tpu.memory_space<semaphore_mem>>) src(%dma_wait3A_97 : memref<16000xi32, #tpu.memory_space<hbm>>) dst(%arg13 : memref<16000xi32, #tpu.memory_space<vmem>>)
    %add3A_98 = arith.constant 96000 : i32
    %add3A_99 = arith.addi %mul3A_12, %add3A_98 : i32
    %dma_start3A_100 = tpu.memref_slice %arg6[%add3A_99] : memref<320000xi32, #tpu.memory_space<hbm>> -> memref<16000xi32, #tpu.memory_space<hbm>>
    %dma_start3A_101 = tpu.memref_slice %arg6[%add3A_99] : memref<320000xi32, #tpu.memory_space<hbm>> -> memref<16000xi32, #tpu.memory_space<hbm>>
    tpu.enqueue_dma source(%dma_start3A_101 : memref<16000xi32, #tpu.memory_space<hbm>>) target(%arg10 : memref<16000xi32, #tpu.memory_space<vmem>>) target_semaphore(%arg19 : memref<!tpu.dma_semaphore, #tpu.memory_space<semaphore_mem>>)
    %add3A_102 = arith.constant 96000 : i32
    %add3A_103 = arith.addi %mul3A_12, %add3A_102 : i32
    %dma_start3A_104 = tpu.memref_slice %arg7[%add3A_103] : memref<320000xi32, #tpu.memory_space<hbm>> -> memref<16000xi32, #tpu.memory_space<hbm>>
    %dma_start3A_105 = tpu.memref_slice %arg7[%add3A_103] : memref<320000xi32, #tpu.memory_space<hbm>> -> memref<16000xi32, #tpu.memory_space<hbm>>
    tpu.enqueue_dma source(%dma_start3A_105 : memref<16000xi32, #tpu.memory_space<hbm>>) target(%arg11 : memref<16000xi32, #tpu.memory_space<vmem>>) target_semaphore(%arg19 : memref<!tpu.dma_semaphore, #tpu.memory_space<semaphore_mem>>)
    %parallel_loop3A_106 = arith.constant 0 : i32
    %parallel_loop3A_107 = arith.constant 1000 : i32
    %parallel_loop3A_108 = arith.constant 1 : i32
    scf.for %parallel_loop3A_166 = %parallel_loop3A_106 to %parallel_loop3A_107 step %parallel_loop3A_108  : i32 {
      %parallel_loop3A_167 = arith.constant 16 : i32
      %parallel_loop3A_168 = arith.muli %parallel_loop3A_166, %parallel_loop3A_167 : i32
      %parallel_loop3A_169 = tpu.assume_multiple %parallel_loop3A_168, 16 : i32
      %parallel_loop3A_170 = arith.index_cast %parallel_loop3A_169 : i32 to index
      %parallel_loop3A_171 = tpu.vector_load %arg12[%parallel_loop3A_170] {strides = array<i32>} : memref<16000xi32, #tpu.memory_space<vmem>>, vector<16xi32>,
      %parallel_loop3A_172 = arith.index_cast %parallel_loop3A_169 : i32 to index
      %parallel_loop3A_173 = tpu.vector_load %arg13[%parallel_loop3A_172] {strides = array<i32>} : memref<16000xi32, #tpu.memory_space<vmem>>, vector<16xi32>,
      %parallel_loop3A_174 = tpu.vector_load_idx %arg14[%parallel_loop3A_171] : memref<10000xf32, #tpu.memory_space<vmem>>[vector<16xi32>], vector<16xf32>,
      tpu.vector_store_idx %arg15[%parallel_loop3A_173], %parallel_loop3A_174 {add = true} : memref<10000xf32, #tpu.memory_space<vmem>>[vector<16xi32>], vector<16xf32>,
    } {sc.loop_unroll_factor = 5 : i64, sc.parallel_access}
    %dma_wait3A_109 = tpu.memref_slice %arg6[%add3A_99] : memref<320000xi32, #tpu.memory_space<hbm>> -> memref<16000xi32, #tpu.memory_space<hbm>>
    %dma_wait3A_110 = tpu.memref_slice %arg6[%add3A_99] : memref<320000xi32, #tpu.memory_space<hbm>> -> memref<16000xi32, #tpu.memory_space<hbm>>
    tpu.wait_dma2 semaphore(%arg19 : memref<!tpu.dma_semaphore, #tpu.memory_space<semaphore_mem>>) src(%dma_wait3A_110 : memref<16000xi32, #tpu.memory_space<hbm>>) dst(%arg10 : memref<16000xi32, #tpu.memory_space<vmem>>)
    %dma_wait3A_111 = tpu.memref_slice %arg7[%add3A_103] : memref<320000xi32, #tpu.memory_space<hbm>> -> memref<16000xi32, #tpu.memory_space<hbm>>
    %dma_wait3A_112 = tpu.memref_slice %arg7[%add3A_103] : memref<320000xi32, #tpu.memory_space<hbm>> -> memref<16000xi32, #tpu.memory_space<hbm>>
    tpu.wait_dma2 semaphore(%arg19 : memref<!tpu.dma_semaphore, #tpu.memory_space<semaphore_mem>>) src(%dma_wait3A_112 : memref<16000xi32, #tpu.memory_space<hbm>>) dst(%arg11 : memref<16000xi32, #tpu.memory_space<vmem>>)
    %add3A_113 = arith.constant 112000 : i32
    %add3A_114 = arith.addi %mul3A_12, %add3A_113 : i32
    %dma_start3A_115 = tpu.memref_slice %arg6[%add3A_114] : memref<320000xi32, #tpu.memory_space<hbm>> -> memref<16000xi32, #tpu.memory_space<hbm>>
    %dma_start3A_116 = tpu.memref_slice %arg6[%add3A_114] : memref<320000xi32, #tpu.memory_space<hbm>> -> memref<16000xi32, #tpu.memory_space<hbm>>
    tpu.enqueue_dma source(%dma_start3A_116 : memref<16000xi32, #tpu.memory_space<hbm>>) target(%arg12 : memref<16000xi32, #tpu.memory_space<vmem>>) target_semaphore(%arg20 : memref<!tpu.dma_semaphore, #tpu.memory_space<semaphore_mem>>)
    %add3A_117 = arith.constant 112000 : i32
    %add3A_118 = arith.addi %mul3A_12, %add3A_117 : i32
    %dma_start3A_119 = tpu.memref_slice %arg7[%add3A_118] : memref<320000xi32, #tpu.memory_space<hbm>> -> memref<16000xi32, #tpu.memory_space<hbm>>
    %dma_start3A_120 = tpu.memref_slice %arg7[%add3A_118] : memref<320000xi32, #tpu.memory_space<hbm>> -> memref<16000xi32, #tpu.memory_space<hbm>>
    tpu.enqueue_dma source(%dma_start3A_120 : memref<16000xi32, #tpu.memory_space<hbm>>) target(%arg13 : memref<16000xi32, #tpu.memory_space<vmem>>) target_semaphore(%arg20 : memref<!tpu.dma_semaphore, #tpu.memory_space<semaphore_mem>>)
    %parallel_loop3A_121 = arith.constant 0 : i32
    %parallel_loop3A_122 = arith.constant 1000 : i32
    %parallel_loop3A_123 = arith.constant 1 : i32
    scf.for %parallel_loop3A_166 = %parallel_loop3A_121 to %parallel_loop3A_122 step %parallel_loop3A_123  : i32 {
      %parallel_loop3A_167 = arith.constant 16 : i32
      %parallel_loop3A_168 = arith.muli %parallel_loop3A_166, %parallel_loop3A_167 : i32
      %parallel_loop3A_169 = tpu.assume_multiple %parallel_loop3A_168, 16 : i32
      %parallel_loop3A_170 = arith.index_cast %parallel_loop3A_169 : i32 to index
      %parallel_loop3A_171 = tpu.vector_load %arg10[%parallel_loop3A_170] {strides = array<i32>} : memref<16000xi32, #tpu.memory_space<vmem>>, vector<16xi32>,
      %parallel_loop3A_172 = arith.index_cast %parallel_loop3A_169 : i32 to index
      %parallel_loop3A_173 = tpu.vector_load %arg11[%parallel_loop3A_172] {strides = array<i32>} : memref<16000xi32, #tpu.memory_space<vmem>>, vector<16xi32>,
      %parallel_loop3A_174 = tpu.vector_load_idx %arg14[%parallel_loop3A_171] : memref<10000xf32, #tpu.memory_space<vmem>>[vector<16xi32>], vector<16xf32>,
      tpu.vector_store_idx %arg15[%parallel_loop3A_173], %parallel_loop3A_174 {add = true} : memref<10000xf32, #tpu.memory_space<vmem>>[vector<16xi32>], vector<16xf32>,
    } {sc.loop_unroll_factor = 5 : i64, sc.parallel_access}
    %dma_wait3A_124 = tpu.memref_slice %arg6[%add3A_114] : memref<320000xi32, #tpu.memory_space<hbm>> -> memref<16000xi32, #tpu.memory_space<hbm>>
    %dma_wait3A_125 = tpu.memref_slice %arg6[%add3A_114] : memref<320000xi32, #tpu.memory_space<hbm>> -> memref<16000xi32, #tpu.memory_space<hbm>>
    tpu.wait_dma2 semaphore(%arg20 : memref<!tpu.dma_semaphore, #tpu.memory_space<semaphore_mem>>) src(%dma_wait3A_125 : memref<16000xi32, #tpu.memory_space<hbm>>) dst(%arg12 : memref<16000xi32, #tpu.memory_space<vmem>>)
    %dma_wait3A_126 = tpu.memref_slice %arg7[%add3A_118] : memref<320000xi32, #tpu.memory_space<hbm>> -> memref<16000xi32, #tpu.memory_space<hbm>>
    %dma_wait3A_127 = tpu.memref_slice %arg7[%add3A_118] : memref<320000xi32, #tpu.memory_space<hbm>> -> memref<16000xi32, #tpu.memory_space<hbm>>
    tpu.wait_dma2 semaphore(%arg20 : memref<!tpu.dma_semaphore, #tpu.memory_space<semaphore_mem>>) src(%dma_wait3A_127 : memref<16000xi32, #tpu.memory_space<hbm>>) dst(%arg13 : memref<16000xi32, #tpu.memory_space<vmem>>)
    %add3A_128 = arith.constant 128000 : i32
    %add3A_129 = arith.addi %mul3A_12, %add3A_128 : i32
    %dma_start3A_130 = tpu.memref_slice %arg6[%add3A_129] : memref<320000xi32, #tpu.memory_space<hbm>> -> memref<16000xi32, #tpu.memory_space<hbm>>
    %dma_start3A_131 = tpu.memref_slice %arg6[%add3A_129] : memref<320000xi32, #tpu.memory_space<hbm>> -> memref<16000xi32, #tpu.memory_space<hbm>>
    tpu.enqueue_dma source(%dma_start3A_131 : memref<16000xi32, #tpu.memory_space<hbm>>) target(%arg10 : memref<16000xi32, #tpu.memory_space<vmem>>) target_semaphore(%arg19 : memref<!tpu.dma_semaphore, #tpu.memory_space<semaphore_mem>>)
    %add3A_132 = arith.constant 128000 : i32
    %add3A_133 = arith.addi %mul3A_12, %add3A_132 : i32
    %dma_start3A_134 = tpu.memref_slice %arg7[%add3A_133] : memref<320000xi32, #tpu.memory_space<hbm>> -> memref<16000xi32, #tpu.memory_space<hbm>>
    %dma_start3A_135 = tpu.memref_slice %arg7[%add3A_133] : memref<320000xi32, #tpu.memory_space<hbm>> -> memref<16000xi32, #tpu.memory_space<hbm>>
    tpu.enqueue_dma source(%dma_start3A_135 : memref<16000xi32, #tpu.memory_space<hbm>>) target(%arg11 : memref<16000xi32, #tpu.memory_space<vmem>>) target_semaphore(%arg19 : memref<!tpu.dma_semaphore, #tpu.memory_space<semaphore_mem>>)
    %parallel_loop3A_136 = arith.constant 0 : i32
    %parallel_loop3A_137 = arith.constant 1000 : i32
    %parallel_loop3A_138 = arith.constant 1 : i32
    scf.for %parallel_loop3A_166 = %parallel_loop3A_136 to %parallel_loop3A_137 step %parallel_loop3A_138  : i32 {
      %parallel_loop3A_167 = arith.constant 16 : i32
      %parallel_loop3A_168 = arith.muli %parallel_loop3A_166, %parallel_loop3A_167 : i32
      %parallel_loop3A_169 = tpu.assume_multiple %parallel_loop3A_168, 16 : i32
      %parallel_loop3A_170 = arith.index_cast %parallel_loop3A_169 : i32 to index
      %parallel_loop3A_171 = tpu.vector_load %arg12[%parallel_loop3A_170] {strides = array<i32>} : memref<16000xi32, #tpu.memory_space<vmem>>, vector<16xi32>,
      %parallel_loop3A_172 = arith.index_cast %parallel_loop3A_169 : i32 to index
      %parallel_loop3A_173 = tpu.vector_load %arg13[%parallel_loop3A_172] {strides = array<i32>} : memref<16000xi32, #tpu.memory_space<vmem>>, vector<16xi32>,
      %parallel_loop3A_174 = tpu.vector_load_idx %arg14[%parallel_loop3A_171] : memref<10000xf32, #tpu.memory_space<vmem>>[vector<16xi32>], vector<16xf32>,
      tpu.vector_store_idx %arg15[%parallel_loop3A_173], %parallel_loop3A_174 {add = true} : memref<10000xf32, #tpu.memory_space<vmem>>[vector<16xi32>], vector<16xf32>,
    } {sc.loop_unroll_factor = 5 : i64, sc.parallel_access}
    %dma_wait3A_139 = tpu.memref_slice %arg6[%add3A_129] : memref<320000xi32, #tpu.memory_space<hbm>> -> memref<16000xi32, #tpu.memory_space<hbm>>
    %dma_wait3A_140 = tpu.memref_slice %arg6[%add3A_129] : memref<320000xi32, #tpu.memory_space<hbm>> -> memref<16000xi32, #tpu.memory_space<hbm>>
    tpu.wait_dma2 semaphore(%arg19 : memref<!tpu.dma_semaphore, #tpu.memory_space<semaphore_mem>>) src(%dma_wait3A_140 : memref<16000xi32, #tpu.memory_space<hbm>>) dst(%arg10 : memref<16000xi32, #tpu.memory_space<vmem>>)
    %dma_wait3A_141 = tpu.memref_slice %arg7[%add3A_133] : memref<320000xi32, #tpu.memory_space<hbm>> -> memref<16000xi32, #tpu.memory_space<hbm>>
    %dma_wait3A_142 = tpu.memref_slice %arg7[%add3A_133] : memref<320000xi32, #tpu.memory_space<hbm>> -> memref<16000xi32, #tpu.memory_space<hbm>>
    tpu.wait_dma2 semaphore(%arg19 : memref<!tpu.dma_semaphore, #tpu.memory_space<semaphore_mem>>) src(%dma_wait3A_142 : memref<16000xi32, #tpu.memory_space<hbm>>) dst(%arg11 : memref<16000xi32, #tpu.memory_space<vmem>>)
    %add3A_143 = arith.constant 144000 : i32
    %add3A_144 = arith.addi %mul3A_12, %add3A_143 : i32
    %dma_start3A_145 = tpu.memref_slice %arg6[%add3A_144] : memref<320000xi32, #tpu.memory_space<hbm>> -> memref<16000xi32, #tpu.memory_space<hbm>>
    %dma_start3A_146 = tpu.memref_slice %arg6[%add3A_144] : memref<320000xi32, #tpu.memory_space<hbm>> -> memref<16000xi32, #tpu.memory_space<hbm>>
    tpu.enqueue_dma source(%dma_start3A_146 : memref<16000xi32, #tpu.memory_space<hbm>>) target(%arg12 : memref<16000xi32, #tpu.memory_space<vmem>>) target_semaphore(%arg20 : memref<!tpu.dma_semaphore, #tpu.memory_space<semaphore_mem>>)
    %add3A_147 = arith.constant 144000 : i32
    %add3A_148 = arith.addi %mul3A_12, %add3A_147 : i32
    %dma_start3A_149 = tpu.memref_slice %arg7[%add3A_148] : memref<320000xi32, #tpu.memory_space<hbm>> -> memref<16000xi32, #tpu.memory_space<hbm>>
    %dma_start3A_150 = tpu.memref_slice %arg7[%add3A_148] : memref<320000xi32, #tpu.memory_space<hbm>> -> memref<16000xi32, #tpu.memory_space<hbm>>
    tpu.enqueue_dma source(%dma_start3A_150 : memref<16000xi32, #tpu.memory_space<hbm>>) target(%arg13 : memref<16000xi32, #tpu.memory_space<vmem>>) target_semaphore(%arg20 : memref<!tpu.dma_semaphore, #tpu.memory_space<semaphore_mem>>)
    %parallel_loop3A_151 = arith.constant 0 : i32
    %parallel_loop3A_152 = arith.constant 1000 : i32
    %parallel_loop3A_153 = arith.constant 1 : i32
    scf.for %parallel_loop3A_166 = %parallel_loop3A_151 to %parallel_loop3A_152 step %parallel_loop3A_153  : i32 {
      %parallel_loop3A_167 = arith.constant 16 : i32
      %parallel_loop3A_168 = arith.muli %parallel_loop3A_166, %parallel_loop3A_167 : i32
      %parallel_loop3A_169 = tpu.assume_multiple %parallel_loop3A_168, 16 : i32
      %parallel_loop3A_170 = arith.index_cast %parallel_loop3A_169 : i32 to index
      %parallel_loop3A_171 = tpu.vector_load %arg10[%parallel_loop3A_170] {strides = array<i32>} : memref<16000xi32, #tpu.memory_space<vmem>>, vector<16xi32>,
      %parallel_loop3A_172 = arith.index_cast %parallel_loop3A_169 : i32 to index
      %parallel_loop3A_173 = tpu.vector_load %arg11[%parallel_loop3A_172] {strides = array<i32>} : memref<16000xi32, #tpu.memory_space<vmem>>, vector<16xi32>,
      %parallel_loop3A_174 = tpu.vector_load_idx %arg14[%parallel_loop3A_171] : memref<10000xf32, #tpu.memory_space<vmem>>[vector<16xi32>], vector<16xf32>,
      tpu.vector_store_idx %arg15[%parallel_loop3A_173], %parallel_loop3A_174 {add = true} : memref<10000xf32, #tpu.memory_space<vmem>>[vector<16xi32>], vector<16xf32>,
    } {sc.loop_unroll_factor = 5 : i64, sc.parallel_access}
    %dma_wait3A_154 = tpu.memref_slice %arg6[%add3A_144] : memref<320000xi32, #tpu.memory_space<hbm>> -> memref<16000xi32, #tpu.memory_space<hbm>>
    %dma_wait3A_155 = tpu.memref_slice %arg6[%add3A_144] : memref<320000xi32, #tpu.memory_space<hbm>> -> memref<16000xi32, #tpu.memory_space<hbm>>
    tpu.wait_dma2 semaphore(%arg20 : memref<!tpu.dma_semaphore, #tpu.memory_space<semaphore_mem>>) src(%dma_wait3A_155 : memref<16000xi32, #tpu.memory_space<hbm>>) dst(%arg12 : memref<16000xi32, #tpu.memory_space<vmem>>)
    %dma_wait3A_156 = tpu.memref_slice %arg7[%add3A_148] : memref<320000xi32, #tpu.memory_space<hbm>> -> memref<16000xi32, #tpu.memory_space<hbm>>
    %dma_wait3A_157 = tpu.memref_slice %arg7[%add3A_148] : memref<320000xi32, #tpu.memory_space<hbm>> -> memref<16000xi32, #tpu.memory_space<hbm>>
    tpu.wait_dma2 semaphore(%arg20 : memref<!tpu.dma_semaphore, #tpu.memory_space<semaphore_mem>>) src(%dma_wait3A_157 : memref<16000xi32, #tpu.memory_space<hbm>>) dst(%arg13 : memref<16000xi32, #tpu.memory_space<vmem>>)
    %parallel_loop3A_158 = arith.constant 0 : i32
    %parallel_loop3A_159 = arith.constant 1000 : i32
    %parallel_loop3A_160 = arith.constant 1 : i32
    scf.for %parallel_loop3A_166 = %parallel_loop3A_158 to %parallel_loop3A_159 step %parallel_loop3A_160  : i32 {
      %parallel_loop3A_167 = arith.constant 16 : i32
      %parallel_loop3A_168 = arith.muli %parallel_loop3A_166, %parallel_loop3A_167 : i32
      %parallel_loop3A_169 = tpu.assume_multiple %parallel_loop3A_168, 16 : i32
      %parallel_loop3A_170 = arith.index_cast %parallel_loop3A_169 : i32 to index
      %parallel_loop3A_171 = tpu.vector_load %arg12[%parallel_loop3A_170] {strides = array<i32>} : memref<16000xi32, #tpu.memory_space<vmem>>, vector<16xi32>,
      %parallel_loop3A_172 = arith.index_cast %parallel_loop3A_169 : i32 to index
      %parallel_loop3A_173 = tpu.vector_load %arg13[%parallel_loop3A_172] {strides = array<i32>} : memref<16000xi32, #tpu.memory_space<vmem>>, vector<16xi32>,
      %parallel_loop3A_174 = tpu.vector_load_idx %arg14[%parallel_loop3A_171] : memref<10000xf32, #tpu.memory_space<vmem>>[vector<16xi32>], vector<16xf32>,
      tpu.vector_store_idx %arg15[%parallel_loop3A_173], %parallel_loop3A_174 {add = true} : memref<10000xf32, #tpu.memory_space<vmem>>[vector<16xi32>], vector<16xf32>,
    } {sc.loop_unroll_factor = 5 : i64, sc.parallel_access}
    %mul3A_161 = arith.constant 16 : i32
    %mul3A_162 = arith.muli %arg0, %mul3A_161 : i32
    %add3A_163 = arith.addi %mul3A_162, %arg1 : i32
    %mul3A_164 = arith.constant 10000 : i32
    %mul3A_165 = arith.muli %add3A_163, %mul3A_164 : i32
    "tpu.region"() ({
      %run_scoped3A = tpu.sem_alloc : memref<!tpu.dma_semaphore, #tpu.memory_space<semaphore_mem>>
      %dma_start3A_166 = tpu.memref_slice %arg9[%mul3A_165] : memref<320000xf32, #tpu.memory_space<hbm>> -> memref<10000xf32, #tpu.memory_space<hbm>>
      %dma_start3A_167 = tpu.memref_slice %arg9[%mul3A_165] : memref<320000xf32, #tpu.memory_space<hbm>> -> memref<10000xf32, #tpu.memory_space<hbm>>
      tpu.enqueue_dma source(%arg15 : memref<10000xf32, #tpu.memory_space<vmem>>) target(%dma_start3A_167 : memref<10000xf32, #tpu.memory_space<hbm>>) target_semaphore(%run_scoped3A : memref<!tpu.dma_semaphore, #tpu.memory_space<semaphore_mem>>)
      %dma_wait3A_168 = tpu.memref_slice %arg9[%mul3A_165] : memref<320000xf32, #tpu.memory_space<hbm>> -> memref<10000xf32, #tpu.memory_space<hbm>>
      %dma_wait3A_169 = tpu.memref_slice %arg9[%mul3A_165] : memref<320000xf32, #tpu.memory_space<hbm>> -> memref<10000xf32, #tpu.memory_space<hbm>>
      tpu.wait_dma2 semaphore(%run_scoped3A : memref<!tpu.dma_semaphore, #tpu.memory_space<semaphore_mem>>) src(%arg15 : memref<10000xf32, #tpu.memory_space<vmem>>) dst(%dma_wait3A_169 : memref<10000xf32, #tpu.memory_space<hbm>>)
      tpu.yield
    }) : () -> ()
    return
  }
}

module attributes {stable_mosaic.version = 14 : i64} {
  func.func @_tc1_body(%arg0: memref<10000x128xf32, #tpu.memory_space<vmem>>, %arg1: memref<128x16xf32, #tpu.memory_space<vmem>>, %arg2: memref<2x10240xf32, #tpu.memory_space<vmem>>, %arg3: memref<16x10000xf32, #tpu.memory_space<vmem>>, %arg4: memref<1x10000xf32, #tpu.memory_space<vmem>>, %arg5: memref<10000xf32, #tpu.memory_space<vmem>>) attributes {dimension_semantics = [], scalar_prefetch = 0 : i64, scratch_operands = 0 : i64, tpu.core_type = #tpu.core_type<tc>} {
    %get3A = arith.constant 0 : index
    %get3A_0 = arith.constant 0 : index
    %get3A_1 = vector.load %arg2[%get3A, %get3A_0] : memref<2x10240xf32, #tpu.memory_space<vmem>>, vector<1x10000xf32>
    %get3A_2 = arith.constant 1 : index
    %get3A_3 = arith.constant 0 : index
    %get3A_4 = vector.load %arg2[%get3A_2, %get3A_3] : memref<2x10240xf32, #tpu.memory_space<vmem>>, vector<1x10000xf32>
    %add3A = arith.addf %get3A_1, %get3A_4 : vector<1x10000xf32>
    %add3A_5 = arith.constant 1.000000e+00 : f32
    %add3A_6 = vector.broadcast %add3A_5 : f32 to vector<1x10000xf32>
    %add3A_7 = arith.addf %add3A, %add3A_6 : vector<1x10000xf32>
    %rsqrt3A = math.rsqrt %add3A_7 : vector<1x10000xf32>
    %get3A_8 = arith.constant 0 : index
    %get3A_9 = arith.constant 0 : index
    %get3A_10 = vector.load %arg1[%get3A_8, %get3A_9] : memref<128x16xf32, #tpu.memory_space<vmem>>, vector<128x16xf32>
    %get3A_11 = arith.constant 0 : index
    %get3A_12 = arith.constant 0 : index
    %get3A_13 = vector.load %arg0[%get3A_11, %get3A_12] : memref<10000x128xf32, #tpu.memory_space<vmem>>, vector<10000x128xf32>
    %dot_general3A = arith.constant dense<0.000000e+00> : vector<16x10000xf32>
    %dot_general3A_14 = tpu.matmul %get3A_10, %get3A_13, %dot_general3A {dimension_numbers = #tpu.dot_dimension_numbers<[0], [1], [1], [0], [0, 1, 1, 0], [], []>, transpose_lhs_hint = false} : vector<128x16xf32>, vector<10000x128xf32>, vector<16x10000xf32> -> vector<16x10000xf32>
    %mul3A = vector.broadcast %rsqrt3A : vector<1x10000xf32> to vector<16x10000xf32>
    %mul3A_15 = arith.mulf %dot_general3A_14, %mul3A : vector<16x10000xf32>
    %swap3A = arith.constant 0 : index
    %swap3A_16 = arith.constant 0 : index
    %swap3A_17 = vector.load %arg3[%swap3A, %swap3A_16] : memref<16x10000xf32, #tpu.memory_space<vmem>>, vector<16x10000xf32>
    tpu.vector_store %arg3[%swap3A, %swap3A_16], %mul3A_15 {strides = array<i32>} : memref<16x10000xf32, #tpu.memory_space<vmem>>, vector<16x10000xf32>,
    %swap3A_18 = arith.constant 0 : index
    %swap3A_19 = arith.constant 0 : index
    %swap3A_20 = vector.load %arg4[%swap3A_18, %swap3A_19] : memref<1x10000xf32, #tpu.memory_space<vmem>>, vector<1x10000xf32>
    tpu.vector_store %arg4[%swap3A_18, %swap3A_19], %rsqrt3A {strides = array<i32>} : memref<1x10000xf32, #tpu.memory_space<vmem>>, vector<1x10000xf32>,
    %reshape3A = vector.shape_cast %rsqrt3A : vector<1x10000xf32> to vector<10000xf32>
    %swap3A_21 = arith.constant 0 : index
    %swap3A_22 = vector.load %arg5[%swap3A_21] : memref<10000xf32, #tpu.memory_space<vmem>>, vector<10000xf32>
    tpu.vector_store %arg5[%swap3A_21], %reshape3A {strides = array<i32>} : memref<10000xf32, #tpu.memory_space<vmem>>, vector<10000xf32>,
    return
  }
}

module attributes {stable_mosaic.version = 14 : i64} {
  func.func @_tc3_body(%arg0: memref<32x10000xf32, #tpu.memory_space<vmem>>, %arg1: memref<32x10000xf32, #tpu.memory_space<vmem>>, %arg2: memref<16x10000xf32, #tpu.memory_space<vmem>>, %arg3: memref<1x10000xf32, #tpu.memory_space<vmem>>, %arg4: memref<16x1xf32, #tpu.memory_space<vmem>>, %arg5: memref<16x128xf32, #tpu.memory_space<vmem>>, %arg6: memref<1x128xf32, #tpu.memory_space<vmem>>, %arg7: memref<10000x128xf32, #tpu.memory_space<vmem>>) attributes {dimension_semantics = [], scalar_prefetch = 0 : i64, scratch_operands = 0 : i64, tpu.core_type = #tpu.core_type<tc>} {
    %get3A = arith.constant 0 : index
    %get3A_0 = arith.constant 0 : index
    %get3A_1 = vector.load %arg3[%get3A, %get3A_0] : memref<1x10000xf32, #tpu.memory_space<vmem>>, vector<1x10000xf32>
    %get3A_2 = arith.constant 0 : index
    %get3A_3 = arith.constant 0 : index
    %get3A_4 = vector.load %arg1[%get3A_2, %get3A_3] : memref<32x10000xf32, #tpu.memory_space<vmem>>, vector<16x10000xf32>
    %get3A_5 = arith.constant 16 : index
    %get3A_6 = arith.constant 0 : index
    %get3A_7 = vector.load %arg1[%get3A_5, %get3A_6] : memref<32x10000xf32, #tpu.memory_space<vmem>>, vector<16x10000xf32>
    %add3A = arith.addf %get3A_4, %get3A_7 : vector<16x10000xf32>
    %get3A_8 = arith.constant 0 : index
    %get3A_9 = arith.constant 0 : index
    %get3A_10 = vector.load %arg2[%get3A_8, %get3A_9] : memref<16x10000xf32, #tpu.memory_space<vmem>>, vector<16x10000xf32>
    %add3A_11 = arith.addf %add3A, %get3A_10 : vector<16x10000xf32>
    %mul3A = vector.broadcast %get3A_1 : vector<1x10000xf32> to vector<16x10000xf32>
    %mul3A_12 = arith.mulf %add3A_11, %mul3A : vector<16x10000xf32>
    %get3A_13 = arith.constant 0 : index
    %get3A_14 = arith.constant 0 : index
    %get3A_15 = vector.load %arg4[%get3A_13, %get3A_14] : memref<16x1xf32, #tpu.memory_space<vmem>>, vector<16x1xf32>
    %add3A_16 = vector.broadcast %get3A_15 : vector<16x1xf32> to vector<16x10000xf32>
    %add3A_17 = arith.addf %mul3A_12, %add3A_16 : vector<16x10000xf32>
    %max3A = arith.constant 0.000000e+00 : f32
    %max3A_18 = vector.broadcast %max3A : f32 to vector<16x10000xf32>
    %max3A_19 = arith.maximumf %add3A_17, %max3A_18 : vector<16x10000xf32>
    %mul3A_20 = vector.broadcast %get3A_1 : vector<1x10000xf32> to vector<16x10000xf32>
    %mul3A_21 = arith.mulf %max3A_19, %mul3A_20 : vector<16x10000xf32>
    %get3A_22 = arith.constant 0 : index
    %get3A_23 = arith.constant 0 : index
    %get3A_24 = vector.load %arg0[%get3A_22, %get3A_23] : memref<32x10000xf32, #tpu.memory_space<vmem>>, vector<16x10000xf32>
    %get3A_25 = arith.constant 16 : index
    %get3A_26 = arith.constant 0 : index
    %get3A_27 = vector.load %arg0[%get3A_25, %get3A_26] : memref<32x10000xf32, #tpu.memory_space<vmem>>, vector<16x10000xf32>
    %add3A_28 = arith.addf %get3A_24, %get3A_27 : vector<16x10000xf32>
    %add3A_29 = arith.addf %add3A_28, %mul3A_21 : vector<16x10000xf32>
    %mul3A_30 = vector.broadcast %get3A_1 : vector<1x10000xf32> to vector<16x10000xf32>
    %mul3A_31 = arith.mulf %add3A_29, %mul3A_30 : vector<16x10000xf32>
    %get3A_32 = arith.constant 0 : index
    %get3A_33 = arith.constant 0 : index
    %get3A_34 = vector.load %arg5[%get3A_32, %get3A_33] : memref<16x128xf32, #tpu.memory_space<vmem>>, vector<16x128xf32>
    %dot_general3A = arith.constant dense<0.000000e+00> : vector<10000x128xf32>
    %dot_general3A_35 = tpu.matmul %mul3A_31, %get3A_34, %dot_general3A {dimension_numbers = #tpu.dot_dimension_numbers<[0], [0], [1], [1], [0, 1, 1, 1], [], []>, transpose_lhs_hint = false} : vector<16x10000xf32>, vector<16x128xf32>, vector<10000x128xf32> -> vector<10000x128xf32>
    %get3A_36 = arith.constant 0 : index
    %get3A_37 = arith.constant 0 : index
    %get3A_38 = vector.load %arg6[%get3A_36, %get3A_37] : memref<1x128xf32, #tpu.memory_space<vmem>>, vector<1x128xf32>
    %add3A_39 = vector.broadcast %get3A_38 : vector<1x128xf32> to vector<10000x128xf32>
    %add3A_40 = arith.addf %dot_general3A_35, %add3A_39 : vector<10000x128xf32>
    %swap3A = arith.constant 0 : index
    %swap3A_41 = arith.constant 0 : index
    %swap3A_42 = vector.load %arg7[%swap3A, %swap3A_41] : memref<10000x128xf32, #tpu.memory_space<vmem>>, vector<10000x128xf32>
    tpu.vector_store %arg7[%swap3A, %swap3A_41], %add3A_40 {strides = array<i32>} : memref<10000x128xf32, #tpu.memory_space<vmem>>, vector<10000x128xf32>,
    return
  }
}

</mosaic_0001>

<sc_bundles>
// kernel: kernel.10.cloned.1.call-start
scs
__scs_entry_jumppad:
0x0: {  	(pc) =	sbr.rel $0x88, $3  }
0x1: {  	(tag) =	ssettag $0x0;
	lr =	simm.s32 $0x1  }
0x2: {  	[smem:$0x3F9B] =	sst lr;
	_ =	strace $0xD0000000  }
0x3: {  	_ = 	snop  }
0x4: {  	_ = 	snop  }
0x5: {  	_ = 	snop  }
0x6: {  	_ = 	snop  }
0x7: {  	_ = 	snop  }
__scs_overlays_trampoline_lowered:
0x8: {  	[smem:$0x3FAA] =	sst s0  }
0x9: {  	[smem:$0x3FAB] =	sst s1  }
0xa: {  	[smem:$0x3FAC] =	sst s2  }
0xb: {  	[smem:$0x3FAD] =	sst s3  }
0xc: {  	[smem:$0x3FAE] =	sst s4  }
0xd: {  	[smem:$0x3FAF] =	sst s5  }
0xe: {  	[smem:$0x3FB0] =	sst s6  }
0xf: {  	[smem:$0x3FB1] =	sst s7  }
0x10: {  	[smem:$0x3FB2] =	sst s8  }
0x11: {  	[smem:$0x3FB3] =	sst s9;
	s0 =	simm.s32 @!p0 $0x0  }
0x12: {  	s1 =	sld [smem:$0x3F99];
	s0 =	simm.s32 @p0 $0x1  }
0x13: {  	[smem:$0x3FB4] =	sst s0;
	s0 =	simm.s32 @!p1 $0x0  }
0x14: {  	s2 =	sld [smem:$0x3F98];
	s0 =	simm.s32 @p1 $0x1  }
0x15: {  	[smem:$0x3FB5] =	sst s0;
	s0 =	simm.s32 @!p2 $0x0  }
0x16: {  	s3 =	sld [smem:$0x3FDB];
	s0 =	simm.s32 @p2 $0x1  }
0x17: {  	s4 =	simm.s32 $0x1BF5;
	[smem:$0x3FB7] =	sst s0  }
0x18: {  	s0 =	sld [smem:$0x3F9A];
	_ =	swait.ge [sflag:s4], $0x0  }
0x19: {  	s7 =	sld [smem:$0x3F9B]  }
0x1a: {  	s8 =	sadd.s32 $0xFFFFE003, lr  }
0x1b: {  	s9 =	sadd.s32 $0xFFFFFEF7, lr;
	s5 =	simm.s32 $0xFFFFFFFF;
	p2 =	slt.u32 s8, $0xFFFFF086  }
0x1c: {  	p1 =	slt.u32 s9, $0xF7A;
	s5 =	simm.s32 @!p2 $0x0  }
0x1d: {  	s5 =	simm.s32 @p1 $0x1;
	p0 =	seq.s32 s7, s2  }
0x1e: {  	s7 =	smul.u32 @!p0 $0xF7A, s2;
	p2 =	seq.s32 @!p0 s5, $0x0  }
0x1f: {  	s9 =	smul.u32 $0xF7A, s1;
	s8 =	simm.s32 @!p0 $0x1BF5;
	p2 =	por !p2, p0  }
0x20: {  	[sflag:s8] =	ssyncset.s32 @!p0 $0xFFFFF086;
	s6 =	sadd.s32 @!p0 s3, s7;
	s7 =	simm.s32 @!p0 $0x108  }
0x21: {  	s3 =	sadd.s32 s3, s9;
	s6 =	sadd.s32 @!p0 $0x88, s6;
	s7 =	simm.s32 @p2 $0x1082  }
0x22: {  	[simem:s7], [sflag:s8] =	dma.local @!p0 [hbm:s6], $0xF7A  }
0x23: {  	s9 =	sor.u32 $0xD0000000, s2;
	s6 =	simm.s32 $0x108;
	_ =	swait.ge @!p0 [sflag:s8], $0x0  }
0x24: {  	s3 =	sadd.s32 $0x88, s3;
	s6 =	simm.s32 @!p1 $0x1082;
	[sflag:s4] =	ssyncset.s32 $0xFFFFF086  }
0x25: {  	[simem:s6], [sflag:s4] =	dma.local [hbm:s3], $0xF7A  }
0x26: {  	[smem:$0x3F9B] =	sst s1;
	(tag) =	ssettag s2;
	_ =	strace s9  }
0x27: {  	s1 =	sld [smem:$0x3FAB]  }
0x28: {  	s2 =	sld [smem:$0x3FAC]  }
0x29: {  	s4 =	sld [smem:$0x3FAE]  }
0x2a: {  	p0 =	seq.s32 s5, $0x0;
	s5 =	sld [smem:$0x3FAF]  }
0x2b: {  	s6 =	sld [smem:$0x3FB0]  }
0x2c: {  	s7 =	sld [smem:$0x3FB1]  }
0x2d: {  	s3 =	simm.s32 $0x108;
	s8 =	sld [smem:$0x3FB2]  }
0x2e: {  	s3 =	simm.s32 @!p0 $0x1082;
	s9 =	sld [smem:$0x3FB3]  }
0x2f: {  	lr =	sadd.s32 s0, s3;
	s0 =	sld [smem:$0x3FAA]  }
0x30: {  	s3 =	sld [smem:$0x3FAD]  }
0x31: {  	[smem:$0x3FB6] =	sst s10  }
0x32: {  	s10 =	sld [smem:$0x3FB4];
	_ =	sdelay $0x3  }
0x33: {  	p0 =	seq.s32 s10, $0x1;
	s10 =	sld [smem:$0x3FB6];
	_ =	sdelay $0x3  }
0x34: {  	[smem:$0x3FB6] =	sst s10  }
0x35: {  	s10 =	sld [smem:$0x3FB5];
	_ =	sdelay $0x3  }
0x36: {  	p1 =	seq.s32 s10, $0x1;
	s10 =	sld [smem:$0x3FB6];
	_ =	sdelay $0x3  }
0x37: {  	[smem:$0x3FB6] =	sst s10  }
0x38: {  	s10 =	sld [smem:$0x3FB7]  }
0x39: {  	_ = 	snop;
	(pc) =	sbr.ind lr, $3  }
0x3a: {  	_ = 	snop  }
0x3b: {  	_ = 	snop  }
0x3c: {  	p2 =	seq.s32 s10, $0x1;
	s10 =	sld [smem:$0x3FB6]  }
0x3d: {  	_ =	shalt  }
0x3e: {  	_ =	shalt  }
0x3f: {  	_ =	shalt  }
0x40: {  	_ =	shalt  }
0x41: {  	_ =	shalt  }
0x42: {  	_ =	shalt  }
0x43: {  	_ =	shalt  }
0x44: {  	_ =	shalt  }
0x45: {  	_ =	shalt  }
0x46: {  	_ =	shalt  }
0x47: {  	_ =	shalt  }
0x48: {  	_ =	shalt  }
0x49: {  	_ =	shalt  }
0x4a: {  	_ =	shalt  }
0x4b: {  	_ =	shalt  }
0x4c: {  	_ =	shalt  }
0x4d: {  	_ =	shalt  }
0x4e: {  	_ =	shalt  }
0x4f: {  	_ =	shalt  }
0x50: {  	_ =	shalt  }
0x51: {  	_ =	shalt  }
0x52: {  	_ =	shalt  }
0x53: {  	_ =	shalt  }
0x54: {  	_ =	shalt  }
0x55: {  	_ =	shalt  }
0x56: {  	_ =	shalt  }
0x57: {  	_ =	shalt  }
0x58: {  	_ =	shalt  }
0x59: {  	_ =	shalt  }
0x5a: {  	_ =	shalt  }
0x5b: {  	_ =	shalt  }
0x5c: {  	_ =	shalt  }
0x5d: {  	_ =	shalt  }
0x5e: {  	_ =	shalt  }
0x5f: {  	_ =	shalt  }
0x60: {  	_ =	shalt  }
0x61: {  	_ =	shalt  }
0x62: {  	_ =	shalt  }
0x63: {  	_ =	shalt  }
0x64: {  	_ =	shalt  }
0x65: {  	_ =	shalt  }
0x66: {  	_ =	shalt  }
0x67: {  	_ =	shalt  }
0x68: {  	_ =	shalt  }
0x69: {  	_ =	shalt  }
0x6a: {  	_ =	shalt  }
0x6b: {  	_ =	shalt  }
0x6c: {  	_ =	shalt  }
0x6d: {  	_ =	shalt  }
0x6e: {  	_ =	shalt  }
0x6f: {  	_ =	shalt  }
0x70: {  	_ =	shalt  }
0x71: {  	_ =	shalt  }
0x72: {  	_ =	shalt  }
0x73: {  	_ =	shalt  }
0x74: {  	_ =	shalt  }
0x75: {  	_ =	shalt  }
0x76: {  	_ =	shalt  }
0x77: {  	_ =	shalt  }
0x78: {  	_ =	shalt  }
0x79: {  	_ =	shalt  }
0x7a: {  	_ =	shalt  }
0x7b: {  	_ =	shalt  }
0x7c: {  	_ =	shalt  }
0x7d: {  	_ =	shalt  }
0x7e: {  	_ =	shalt  }
0x7f: {  	_ =	shalt  }
0x80: {  	_ =	shalt  }
0x81: {  	_ =	shalt  }
0x82: {  	_ =	shalt  }
0x83: {  	_ =	shalt  }
0x84: {  	_ =	shalt  }
0x85: {  	_ =	shalt  }
0x86: {  	_ =	shalt  }
0x87: {  	_ =	shalt  }
.Lfunc_end0:
.L_simem_size_0:
called_computation.1_lowered:
.L_overlay_start_0:
0x88: {  	s2 =	sld [smem:$0x3FD9]  }
0x89: {  	s3 =	sld [smem:$0x3FFE];
	_ =	sdelay $0x1  }
0x8a: {  	s1 =	srdreg.scid  }
0x8b: {  	s0 =	sand.u32 $0x1, s1  }
0x8c: {  	s17 =	sshll.u32 s0, $0xA;
	s2 =	sadd.s32 s3, s2  }
0x8d: {  	s2 =	sadd.s32 s2, s17  }
0x8e: {  	[smem:$0x3FC2] =	sst s2  }
0x8f: {  	_ = 	snop  }
0x90: {  	s2 =	sld [smem:$0x3FD0];
	(tm) =	ssettm $0x1  }
0x91: {  	s18 =	sld [smem:$0x3FFB];
	_ =	sdelay $0x3  }
0x92: {  	_ =	strace s18  }
0x93: {  	s3 =	sld [smem:$0x3FFC];
	_ =	sdelay $0x3  }
0x94: {  	_ =	strace s3  }
0x95: {  	s3 =	sld [smem:$0x3FFD];
	_ =	sdelay $0x3  }
0x96: {  	_ =	strace s3  }
0x97: {  	_ =	strace $0x8FFFFFFF  }
0x98: {  	s19 =	sld [smem:$0x3FDB];
	_ =	sdelay $0x1  }
0x99: {  	s4 =	simm.s32 $_scs_section_size  }
0x9a: {  	s5 =	simm.s32 $_size__tile_overlayer_lowered;
	s6 =	simm.s32 $_tile_overlayer_lowered  }
0x9b: {  	s22 =	simm.s32 $0x1BFF;
	s21 =	sshll.u32 s6, $0x1;
	s3 =	sadd.s32 s4, s19  }
0x9c: {  	s7 =	simm.s32 $0x0;
	s20 =	sshll.u32 s5, $0x1;
	s5 =	sadd.s32 s21, s3  }
0x9d: {  	[timem:s7], [sflag:s22] =	dma.local [hbm:s5], s20  }
0x9e: {  	_ =	swait.ge [sflag:s22], s20  }
0x9f: {  	s4 =	ssub.s32 $0x0, s20;
	[sflag:s22] =	ssyncset.done $0x0  }
0xa0: {  	[sflag:s22] =	ssyncadd.s32 s4;
	_ =	sdelay $0x1  }
0xa1: {  	s23 =	simm.s32 $0x1B8B  }
0xa2: {  	_ =	swait.ge [sflag:s23], $0x1  }
0xa3: {  	[sflag:s23] =	ssyncset.done $0x0  }
0xa4: {  	s25 =	simm.s32 $0x1B8E;
	s24 =	sld [smem:$0x3FFE];
	[sflag:s23] =	ssyncadd.s32 $0xFFFFFFFF  }
0xa5: {  	s26 =	simm.s32 $execute0_lowered;
	[smem:$0x3FD2] =	sst s25  }
0xa6: {  	s5 =	sshll.u32 s26, $0x1;
	_ =	strace $0x80000049;
	[dreg:$0x1] =	wrdreg $0xFFFFFFFF  }
0xa7: {  	s28 =	simm.s32 $_size_execute0_lowered;
	s3 =	sadd.s32 s3, s5;
	[dreg:$0x0] =	wrdreg $0x0  }
0xa8: {  	s5 =	sshll.u32 s28, $0x1;
	[dreg:$0x2] =	wrdreg s3  }
0xa9: {  	[dreg:$0x3] =	wrdreg s5  }
0xaa: {  	[dreg:$0x4] =	wrdreg $0xC0  }
0xab: {  	_ =	task [dreg:s7], $0x5FFFF  }
0xac: {  	[dreg:$0x1] =	wrdreg $0xFFFFFFFF  }
0xad: {  	[dreg:$0x0] =	wrdreg $0x60  }
0xae: {  	[dreg:$0x2] =	wrdreg s24  }
0xaf: {  	[dreg:$0x3] =	wrdreg s2  }
0xb0: {  	[dreg:$0x4] =	wrdreg $0x9  }
0xb1: {  	_ =	task.clear_ibuf [dreg:s7], $0x5FFFF;
	_ =	strace $0x90000049  }
0xb2: {  	s29 =	simm.s32 $0x9;
	_ =	strace $0x8000004B  }
0xb3: {  	_ =	swait.ge [sflag:s29], $0x1  }
0xb4: {  	[sflag:s29] =	ssyncadd.s32 $0xFFFFFFFF  }
0xb5: {  	_ =	strace $0x9000004B  }
0xb6: {  	_ =	sfence  }
0xb7: {  	s30 =	sld [smem:$0x0];
	_ =	sdelay $0x2  }
0xb8: {  	s31 =	sshll.u32 s1, $0xD;
	s1 =	sshrl.u32 s1, $0x2  }
0xb9: {  	s3 =	sand.u32 $0x4000, s31;
	s1 =	sadd.s32 s1, s30  }
0xba: {  	s0 =	sor.u32 s3, s0;
	s1 =	sshll.u32 s1, $0x11  }
0xbb: {  	s0 =	sor.u32 s1, s0  }
0xbc: {  	s0 =	sadd.s32 $0x8F2B, s0  }
0xbd: {  	[sflag:s0] =	ssyncadd.remote.s32 $0x1  }
0xbe: {  	_ =	sfence.sel $0xFFFF  }
0xbf: {  	[dreg:$0x0] =	wrdreg $0xFFFFFFFF;
	(pc) =	sbr.abs _section_cstart, $3  }
0xc0: {  	[dreg:$0x1] =	wrdreg $0xFFFFFFFF  }
0xc1: {  	_ =	task.clear_ibuf [dreg:s7], $0x2FFFF;
	_ =	strace $0x9FFFFFFF  }
0xc2: {  	(tm) =	ssettm $0x7FFFFFFF  }
0xc3: {  	_ =	shalt  }
tec
execute0_lowered:
.L_overlay_start_1:
0x0: {  	(tag) =	ssettag $0x1  }
0x1: {  	s0 =	rddreg [dreg:$0x0];
	s1 =	srdreg.scid  }
0x2: {  	s3 =	rddreg [dreg:$0x1];
	s6 =	stileid.u32  }
0x3: {  	s2 =	simm.s32 $0x0;
	s28 =	simm.s32 $0x1;
	s29 =	simm.s32 $0x9D00  }
0x4: {  	s30 =	simm.s32 $0xEB80;
	s31 =	simm.s32 $0x2;
	s1 =	sand.u32 $0x1, s1  }
0x5: {  	s5 =	smul.u32 $0x4E2, s6;
	[smem:$0x7FF] =	sst s2;
	s20 =	sadd.s32 $0x1A00, s0  }
0x6: {  	s7 =	sadd.s32 $0xB800, s0;
	s4 =	sshll.u32 s1, $0x4;
	_ =	strace $0x8000004A  }
0x7: {  	s19 =	smul.u32 $0x27100, s1;
	[dreg:$0x3] =	wrdreg s7;
	s1 =	ssub.s32 $0x2, s1  }
0x8: {  	s4 =	sor.u32 s6, s4;
	s5 =	sadd.s32 s5, s0;
	s21 =	sshrl.u32 s1, $0x1  }
0x9: {  	s4 =	smul.u32 $0x4E2, s4;
	s17 =	sshrl.u32 s19, $0x3;
	s22 =	sadd.s32 $0xC400, s5  }
0xa: {  	s1 =	ssub.s32 s1, s21;
	[dreg:$0x4] =	wrdreg s22;
	s23 =	sadd.s32 $0x9C4, s17  }
0xb: {  	s5 =	sadd.s32 s3, s17;
	s6 =	sadd.s32 s20, s17;
	s24 =	sadd.s32 $0x1388, s17  }
0xc: {  	s12 =	sadd.s32 $0x1D4C, s17;
	s25 =	sadd.s32 $0x2710, s17;
	s16 =	sadd.s32 $0x30D4, s17  }
0xd: {  	s26 =	sadd.s32 $0x3A98, s17;
	s21 =	sadd.s32 $0x445C, s17;
	s22 =	smax.u32 s1, $0x1  }
0xe: {  	s0 =	sadd.s32 s4, s0;
	s7 =	sadd.s32 s3, s23;
	s8 =	sadd.s32 s20, s23  }
0xf: {  	s9 =	sadd.s32 s3, s24;
	s10 =	sadd.s32 s20, s24;
	s11 =	sadd.s32 s3, s12  }
0x10: {  	s12 =	sadd.s32 s20, s12;
	s13 =	sadd.s32 s3, s25;
	s14 =	sadd.s32 s20, s25  }
0x11: {  	s15 =	sadd.s32 s3, s16;
	s16 =	sadd.s32 s20, s16;
	s17 =	sadd.s32 s3, s26  }
0x12: {  	s18 =	sadd.s32 s20, s26;
	s19 =	sadd.s32 s3, s21;
	s20 =	sadd.s32 s20, s21  }
0x13: {  	s23 =	simm.s32 $0x13A00;
	s24 =	simm.s32 $0x3;
	s25 =	simm.s32 $0x16180  }
0x14: {  	s26 =	simm.s32 $0x4E80;
	s21 =	sadd.s32 $0x11400, s0;
	s0 =	simm.s32 $0x0  }
.LBB2_1:
0x15: {  	s1 =	rddreg [dreg:$0x4]  }
0x16: {  	[tilespmem:s23], [sflag:$0x3] =	stream.linear.gather [hbm4b:s1+s2], $0x2710, $0x38;
	[tilespmem:$0x18900] =	vst v63  }
0x17: {  	_ =	swait.ge [sflag:s24], $0x2710  }
0x18: {  	[sflag:s24] =	ssyncset.done $0x0  }
0x19: {  	s3 =	rddreg [dreg:$0x3];
	[sflag:s24] =	ssyncadd.s32 $0xFFFFD8F0  }
0x1a: {  	[tilespmem:s25], [sflag:$0x3] =	stream.linear.gather [hbm4b:s3+s2], $0x2710, $0x38;
	[tilespmem:$0x18900] =	vst v63  }
0x1b: {  	_ =	swait.ge [sflag:s24], $0x2710  }
0x1c: {  	[sflag:s24] =	ssyncset.done $0x0  }
0x1d: {  	[sflag:s24] =	ssyncadd.s32 $0xFFFFD8F0  }
0x1e: {  	[tilespmem:s2], [sflag:$0x1] =	stream.linear.gather [hbm4b:s5+s2], $0x4E20, $0x38;
	[tilespmem:$0x18900] =	vst v63  }
0x1f: {  	_ = 	snop  }
0x20: {  	[tilespmem:s26], [sflag:$0x1] =	stream.linear.gather [hbm4b:s6+s2], $0x4E20, $0x38;
	[tilespmem:$0x18900] =	vst v63  }
0x21: {  	_ =	swait.ge [sflag:s28], $0x4E20  }
0x22: {  	[sflag:s28] =	ssyncset.done $0x0  }
0x23: {  	[sflag:s28] =	ssyncadd.s32 $0xFFFFB1E0  }
0x24: {  	_ =	swait.ge [sflag:s28], $0x4E20  }
0x25: {  	[sflag:s28] =	ssyncset.done $0x0  }
0x26: {  	[sflag:s28] =	ssyncadd.s32 $0xFFFFB1E0  }
0x27: {  	[tilespmem:s29], [sflag:$0x2] =	stream.linear.gather [hbm4b:s7+s2], $0x4E20, $0x38;
	[tilespmem:$0x18900] =	vst v63  }
0x28: {  	s4 =	simm.s32 $0x20  }
0x29: {  	[tilespmem:s30], [sflag:$0x2] =	stream.linear.gather [hbm4b:s8+s2], $0x4E20, $0x38;
	[tilespmem:$0x18900] =	vst v63  }
0x2a: {  	v0 =	vld [tilespmem:s4+$0x20]  }
0x2b: {  	v1 =	vld [tilespmem:s4+$0xFFFFFFF0]  }
0x2c: {  	v3 =	vld [tilespmem:s4+$0x0]  }
0x2d: {  	v4 =	vld [tilespmem:s4+$0x10]  }
0x2e: {  	v5 =	vld [tilespmem:s4+$0xFFFFFFE0]  }
0x2f: {  	s1 =	simm.s32 $0x4EA0  }
0x30: {  	v6 =	vld [tilespmem:s1+$0x20]  }
0x31: {  	v7 =	vld [tilespmem:s1+$0xFFFFFFE0]  }
0x32: {  	v8 =	vld.idx.msk [tilespmem:v0+s23+$0x0], $0xffff  }
0x33: {  	v2 =	vld.idx.msk [tilespmem:v1+s23+$0x0], $0xffff  }
0x34: {  	v0 =	vld.idx.msk [tilespmem:v3+s23+$0x0], $0xffff  }
0x35: {  	v1 =	vld.idx.msk [tilespmem:v4+s23+$0x0], $0xffff  }
0x36: {  	v9 =	vld.idx.msk [tilespmem:v5+s23+$0x0], $0xffff  }
0x37: {  	v5 =	vld [tilespmem:s1+$0x0]  }
0x38: {  	v4 =	vld [tilespmem:s1+$0x10]  }
0x39: {  	v3 =	vld [tilespmem:s1+$0xFFFFFFF0]  }
0x3a: {  	[tilespmem:v6+s25+$0x0] =	vst.idx.add.f32.msk $0xffff, v8  }
0x3b: {  	s3 =	simm.s32 $0x0;
	s4 =	simm.s32 $0x70;
	[tilespmem:v7+s25+$0x0] =	vst.idx.add.f32.msk $0xffff, v9  }
.LBB2_2:
0x3c: {  	v6 =	vld [tilespmem:s4+$0x20];
	s3 =	sadd.s32 $0x5, s3;
	v7 =	vmov v5  }
0x3d: {  	v5 =	vld [tilespmem:s4+$0xFFFFFFF0];
	p0 =	slt.u32 s3, $0x4DD;
	v8 =	vmov v4  }
0x3e: {  	v4 =	vld [tilespmem:s4+$0x0]  }
0x3f: {  	v9 =	vld [tilespmem:s4+$0x10]  }
0x40: {  	v10 =	vld [tilespmem:s4+$0xFFFFFFE0]  }
0x41: {  	s1 =	sadd.s32 $0x50, s1;
	[tilespmem:v3+s25+$0x0] =	vst.idx.add.f32.msk $0xffff, v2  }
0x42: {  	v11 =	vld [tilespmem:s1+$0x20]  }
0x43: {  	v12 =	vld [tilespmem:s1+$0xFFFFFFE0]  }
0x44: {  	v6 =	vld.idx.msk [tilespmem:v6+s23+$0x0], $0xffff  }
0x45: {  	v2 =	vld.idx.msk [tilespmem:v5+s23+$0x0], $0xffff  }
0x46: {  	v13 =	vld.idx.msk [tilespmem:v4+s23+$0x0], $0xffff  }
0x47: {  	v9 =	vld.idx.msk [tilespmem:v9+s23+$0x0], $0xffff  }
0x48: {  	v10 =	vld.idx.msk [tilespmem:v10+s23+$0x0], $0xffff  }
0x49: {  	v3 =	vld [tilespmem:s1+$0xFFFFFFF0]  }
0x4a: {  	[tilespmem:v11+s25+$0x0] =	vst.idx.add.f32.msk $0xffff, v6  }
.Ltmp0:
0x4b: {  	v5 =	vld [tilespmem:s1+$0x0];
	(pc) =	sbr.rel @p0 .LBB2_2-.Ltmp0, $4  }
0x4c: {  	v4 =	vld [tilespmem:s1+$0x10]  }
0x4d: {  	[tilespmem:v7+s25+$0x0] =	vst.idx.add.f32.msk $0xffff, v0;
	v0 =	vmov v13  }
0x4e: {  	[tilespmem:v12+s25+$0x0] =	vst.idx.add.f32.msk $0xffff, v10  }
0x4f: {  	s4 =	sadd.s32 $0x50, s4;
	[tilespmem:v8+s25+$0x0] =	vst.idx.add.f32.msk $0xffff, v1;
	v1 =	vmov v9  }
0x50: {  	_ =	sdelay $0x3  }
0x51: {  	[tilespmem:v3+s25+$0x0] =	vst.idx.add.f32.msk $0xffff, v2  }
0x52: {  	[tilespmem:v5+s25+$0x0] =	vst.idx.add.f32.msk $0xffff, v0  }
0x53: {  	[tilespmem:v4+s25+$0x0] =	vst.idx.add.f32.msk $0xffff, v1  }
0x54: {  	_ =	swait.ge [sflag:s31], $0x4E20  }
0x55: {  	[sflag:s31] =	ssyncset.done $0x0  }
0x56: {  	[sflag:s31] =	ssyncadd.s32 $0xFFFFB1E0  }
0x57: {  	_ =	swait.ge [sflag:s31], $0x4E20  }
0x58: {  	[sflag:s31] =	ssyncset.done $0x0  }
0x59: {  	[sflag:s31] =	ssyncadd.s32 $0xFFFFB1E0  }
0x5a: {  	[tilespmem:s2], [sflag:$0x1] =	stream.linear.gather [hbm4b:s9+s2], $0x4E20, $0x38;
	[tilespmem:$0x18900] =	vst v63  }
0x5b: {  	s1 =	simm.s32 $0x9D20  }
0x5c: {  	[tilespmem:s26], [sflag:$0x1] =	stream.linear.gather [hbm4b:s10+s2], $0x4E20, $0x38;
	[tilespmem:$0x18900] =	vst v63  }
0x5d: {  	v0 =	vld [tilespmem:s1+$0x20]  }
0x5e: {  	v1 =	vld [tilespmem:s1+$0xFFFFFFF0]  }
0x5f: {  	v3 =	vld [tilespmem:s1+$0x0]  }
0x60: {  	v4 =	vld [tilespmem:s1+$0x10]  }
0x61: {  	v5 =	vld [tilespmem:s1+$0xFFFFFFE0]  }
0x62: {  	s1 =	simm.s32 $0xEBA0  }
0x63: {  	v6 =	vld [tilespmem:s1+$0x20]  }
0x64: {  	v7 =	vld [tilespmem:s1+$0xFFFFFFE0]  }
0x65: {  	v8 =	vld.idx.msk [tilespmem:v0+s23+$0x0], $0xffff  }
0x66: {  	v2 =	vld.idx.msk [tilespmem:v1+s23+$0x0], $0xffff  }
0x67: {  	v0 =	vld.idx.msk [tilespmem:v3+s23+$0x0], $0xffff  }
0x68: {  	v1 =	vld.idx.msk [tilespmem:v4+s23+$0x0], $0xffff  }
0x69: {  	v9 =	vld.idx.msk [tilespmem:v5+s23+$0x0], $0xffff  }
0x6a: {  	v5 =	vld [tilespmem:s1+$0x0]  }
0x6b: {  	v4 =	vld [tilespmem:s1+$0x10]  }
0x6c: {  	v3 =	vld [tilespmem:s1+$0xFFFFFFF0]  }
0x6d: {  	[tilespmem:v6+s25+$0x0] =	vst.idx.add.f32.msk $0xffff, v8  }
0x6e: {  	s3 =	simm.s32 $0x0;
	s4 =	simm.s32 $0x9D70;
	[tilespmem:v7+s25+$0x0] =	vst.idx.add.f32.msk $0xffff, v9  }
.LBB2_4:
0x6f: {  	v6 =	vld [tilespmem:s4+$0x20];
	s3 =	sadd.s32 $0x5, s3;
	v7 =	vmov v5  }
0x70: {  	v5 =	vld [tilespmem:s4+$0xFFFFFFF0];
	p0 =	slt.u32 s3, $0x4DD;
	v8 =	vmov v4  }
0x71: {  	v4 =	vld [tilespmem:s4+$0x0]  }
0x72: {  	v9 =	vld [tilespmem:s4+$0x10]  }
0x73: {  	v10 =	vld [tilespmem:s4+$0xFFFFFFE0]  }
0x74: {  	s1 =	sadd.s32 $0x50, s1;
	[tilespmem:v3+s25+$0x0] =	vst.idx.add.f32.msk $0xffff, v2  }
0x75: {  	v11 =	vld [tilespmem:s1+$0x20]  }
0x76: {  	v12 =	vld [tilespmem:s1+$0xFFFFFFE0]  }
0x77: {  	v6 =	vld.idx.msk [tilespmem:v6+s23+$0x0], $0xffff  }
0x78: {  	v2 =	vld.idx.msk [tilespmem:v5+s23+$0x0], $0xffff  }
0x79: {  	v13 =	vld.idx.msk [tilespmem:v4+s23+$0x0], $0xffff  }
0x7a: {  	v9 =	vld.idx.msk [tilespmem:v9+s23+$0x0], $0xffff  }
0x7b: {  	v10 =	vld.idx.msk [tilespmem:v10+s23+$0x0], $0xffff  }
0x7c: {  	v3 =	vld [tilespmem:s1+$0xFFFFFFF0]  }
0x7d: {  	[tilespmem:v11+s25+$0x0] =	vst.idx.add.f32.msk $0xffff, v6  }
.Ltmp1:
0x7e: {  	v5 =	vld [tilespmem:s1+$0x0];
	(pc) =	sbr.rel @p0 .LBB2_4-.Ltmp1, $4  }
0x7f: {  	v4 =	vld [tilespmem:s1+$0x10]  }
0x80: {  	[tilespmem:v7+s25+$0x0] =	vst.idx.add.f32.msk $0xffff, v0;
	v0 =	vmov v13  }
0x81: {  	[tilespmem:v12+s25+$0x0] =	vst.idx.add.f32.msk $0xffff, v10  }
0x82: {  	s4 =	sadd.s32 $0x50, s4;
	[tilespmem:v8+s25+$0x0] =	vst.idx.add.f32.msk $0xffff, v1;
	v1 =	vmov v9  }
0x83: {  	_ =	sdelay $0x3  }
0x84: {  	[tilespmem:v3+s25+$0x0] =	vst.idx.add.f32.msk $0xffff, v2  }
0x85: {  	[tilespmem:v5+s25+$0x0] =	vst.idx.add.f32.msk $0xffff, v0  }
0x86: {  	[tilespmem:v4+s25+$0x0] =	vst.idx.add.f32.msk $0xffff, v1  }
0x87: {  	_ =	swait.ge [sflag:s28], $0x4E20  }
0x88: {  	[sflag:s28] =	ssyncset.done $0x0  }
0x89: {  	[sflag:s28] =	ssyncadd.s32 $0xFFFFB1E0  }
0x8a: {  	_ =	swait.ge [sflag:s28], $0x4E20  }
0x8b: {  	[sflag:s28] =	ssyncset.done $0x0  }
0x8c: {  	[sflag:s28] =	ssyncadd.s32 $0xFFFFB1E0  }
0x8d: {  	[tilespmem:s29], [sflag:$0x2] =	stream.linear.gather [hbm4b:s11+s2], $0x4E20, $0x38;
	[tilespmem:$0x18900] =	vst v63  }
0x8e: {  	s1 =	simm.s32 $0x20  }
0x8f: {  	[tilespmem:s30], [sflag:$0x2] =	stream.linear.gather [hbm4b:s12+s2], $0x4E20, $0x38;
	[tilespmem:$0x18900] =	vst v63  }
0x90: {  	v0 =	vld [tilespmem:s1+$0x20]  }
0x91: {  	v1 =	vld [tilespmem:s1+$0xFFFFFFF0]  }
0x92: {  	v3 =	vld [tilespmem:s1+$0x0]  }
0x93: {  	v4 =	vld [tilespmem:s1+$0x10]  }
0x94: {  	v5 =	vld [tilespmem:s1+$0xFFFFFFE0]  }
0x95: {  	s1 =	simm.s32 $0x4EA0  }
0x96: {  	v6 =	vld [tilespmem:s1+$0x20]  }
0x97: {  	v7 =	vld [tilespmem:s1+$0xFFFFFFE0]  }
0x98: {  	v8 =	vld.idx.msk [tilespmem:v0+s23+$0x0], $0xffff  }
0x99: {  	v2 =	vld.idx.msk [tilespmem:v1+s23+$0x0], $0xffff  }
0x9a: {  	v0 =	vld.idx.msk [tilespmem:v3+s23+$0x0], $0xffff  }
0x9b: {  	v1 =	vld.idx.msk [tilespmem:v4+s23+$0x0], $0xffff  }
0x9c: {  	v9 =	vld.idx.msk [tilespmem:v5+s23+$0x0], $0xffff  }
0x9d: {  	v5 =	vld [tilespmem:s1+$0x0]  }
0x9e: {  	v4 =	vld [tilespmem:s1+$0x10]  }
0x9f: {  	v3 =	vld [tilespmem:s1+$0xFFFFFFF0]  }
0xa0: {  	[tilespmem:v6+s25+$0x0] =	vst.idx.add.f32.msk $0xffff, v8  }
0xa1: {  	s3 =	simm.s32 $0x0;
	s4 =	simm.s32 $0x70;
	[tilespmem:v7+s25+$0x0] =	vst.idx.add.f32.msk $0xffff, v9  }
.LBB2_6:
0xa2: {  	v6 =	vld [tilespmem:s4+$0x20];
	s3 =	sadd.s32 $0x5, s3;
	v7 =	vmov v5  }
0xa3: {  	v5 =	vld [tilespmem:s4+$0xFFFFFFF0];
	p0 =	slt.u32 s3, $0x4DD;
	v8 =	vmov v4  }
0xa4: {  	v4 =	vld [tilespmem:s4+$0x0]  }
0xa5: {  	v9 =	vld [tilespmem:s4+$0x10]  }
0xa6: {  	v10 =	vld [tilespmem:s4+$0xFFFFFFE0]  }
0xa7: {  	s1 =	sadd.s32 $0x50, s1;
	[tilespmem:v3+s25+$0x0] =	vst.idx.add.f32.msk $0xffff, v2  }
0xa8: {  	v11 =	vld [tilespmem:s1+$0x20]  }
0xa9: {  	v12 =	vld [tilespmem:s1+$0xFFFFFFE0]  }
0xaa: {  	v6 =	vld.idx.msk [tilespmem:v6+s23+$0x0], $0xffff  }
0xab: {  	v2 =	vld.idx.msk [tilespmem:v5+s23+$0x0], $0xffff  }
0xac: {  	v13 =	vld.idx.msk [tilespmem:v4+s23+$0x0], $0xffff  }
0xad: {  	v9 =	vld.idx.msk [tilespmem:v9+s23+$0x0], $0xffff  }
0xae: {  	v10 =	vld.idx.msk [tilespmem:v10+s23+$0x0], $0xffff  }
0xaf: {  	v3 =	vld [tilespmem:s1+$0xFFFFFFF0]  }
0xb0: {  	[tilespmem:v11+s25+$0x0] =	vst.idx.add.f32.msk $0xffff, v6  }
.Ltmp2:
0xb1: {  	v5 =	vld [tilespmem:s1+$0x0];
	(pc) =	sbr.rel @p0 .LBB2_6-.Ltmp2, $4  }
0xb2: {  	v4 =	vld [tilespmem:s1+$0x10]  }
0xb3: {  	[tilespmem:v7+s25+$0x0] =	vst.idx.add.f32.msk $0xffff, v0;
	v0 =	vmov v13  }
0xb4: {  	[tilespmem:v12+s25+$0x0] =	vst.idx.add.f32.msk $0xffff, v10  }
0xb5: {  	s4 =	sadd.s32 $0x50, s4;
	[tilespmem:v8+s25+$0x0] =	vst.idx.add.f32.msk $0xffff, v1;
	v1 =	vmov v9  }
0xb6: {  	_ =	sdelay $0x3  }
0xb7: {  	[tilespmem:v3+s25+$0x0] =	vst.idx.add.f32.msk $0xffff, v2  }
0xb8: {  	[tilespmem:v5+s25+$0x0] =	vst.idx.add.f32.msk $0xffff, v0  }
0xb9: {  	[tilespmem:v4+s25+$0x0] =	vst.idx.add.f32.msk $0xffff, v1  }
0xba: {  	_ =	swait.ge [sflag:s31], $0x4E20  }
0xbb: {  	[sflag:s31] =	ssyncset.done $0x0  }
0xbc: {  	[sflag:s31] =	ssyncadd.s32 $0xFFFFB1E0  }
0xbd: {  	_ =	swait.ge [sflag:s31], $0x4E20  }
0xbe: {  	[sflag:s31] =	ssyncset.done $0x0  }
0xbf: {  	[sflag:s31] =	ssyncadd.s32 $0xFFFFB1E0  }
0xc0: {  	[tilespmem:s2], [sflag:$0x1] =	stream.linear.gather [hbm4b:s13+s2], $0x4E20, $0x38;
	[tilespmem:$0x18900] =	vst v63  }
0xc1: {  	s1 =	simm.s32 $0x9D20  }
0xc2: {  	[tilespmem:s26], [sflag:$0x1] =	stream.linear.gather [hbm4b:s14+s2], $0x4E20, $0x38;
	[tilespmem:$0x18900] =	vst v63  }
0xc3: {  	v0 =	vld [tilespmem:s1+$0x20]  }
0xc4: {  	v1 =	vld [tilespmem:s1+$0xFFFFFFF0]  }
0xc5: {  	v3 =	vld [tilespmem:s1+$0x0]  }
0xc6: {  	v4 =	vld [tilespmem:s1+$0x10]  }
0xc7: {  	v5 =	vld [tilespmem:s1+$0xFFFFFFE0]  }
0xc8: {  	s1 =	simm.s32 $0xEBA0  }
0xc9: {  	v6 =	vld [tilespmem:s1+$0x20]  }
0xca: {  	v7 =	vld [tilespmem:s1+$0xFFFFFFE0]  }
0xcb: {  	v8 =	vld.idx.msk [tilespmem:v0+s23+$0x0], $0xffff  }
0xcc: {  	v2 =	vld.idx.msk [tilespmem:v1+s23+$0x0], $0xffff  }
0xcd: {  	v0 =	vld.idx.msk [tilespmem:v3+s23+$0x0], $0xffff  }
0xce: {  	v1 =	vld.idx.msk [tilespmem:v4+s23+$0x0], $0xffff  }
0xcf: {  	v9 =	vld.idx.msk [tilespmem:v5+s23+$0x0], $0xffff  }
0xd0: {  	v5 =	vld [tilespmem:s1+$0x0]  }
0xd1: {  	v4 =	vld [tilespmem:s1+$0x10]  }
0xd2: {  	v3 =	vld [tilespmem:s1+$0xFFFFFFF0]  }
0xd3: {  	[tilespmem:v6+s25+$0x0] =	vst.idx.add.f32.msk $0xffff, v8  }
0xd4: {  	s3 =	simm.s32 $0x0;
	s4 =	simm.s32 $0x9D70;
	[tilespmem:v7+s25+$0x0] =	vst.idx.add.f32.msk $0xffff, v9  }
.LBB2_8:
0xd5: {  	v6 =	vld [tilespmem:s4+$0x20];
	s3 =	sadd.s32 $0x5, s3;
	v7 =	vmov v5  }
0xd6: {  	v5 =	vld [tilespmem:s4+$0xFFFFFFF0];
	p0 =	slt.u32 s3, $0x4DD;
	v8 =	vmov v4  }
0xd7: {  	v4 =	vld [tilespmem:s4+$0x0]  }
0xd8: {  	v9 =	vld [tilespmem:s4+$0x10]  }
0xd9: {  	v10 =	vld [tilespmem:s4+$0xFFFFFFE0]  }
0xda: {  	s1 =	sadd.s32 $0x50, s1;
	[tilespmem:v3+s25+$0x0] =	vst.idx.add.f32.msk $0xffff, v2  }
0xdb: {  	v11 =	vld [tilespmem:s1+$0x20]  }
0xdc: {  	v12 =	vld [tilespmem:s1+$0xFFFFFFE0]  }
0xdd: {  	v6 =	vld.idx.msk [tilespmem:v6+s23+$0x0], $0xffff  }
0xde: {  	v2 =	vld.idx.msk [tilespmem:v5+s23+$0x0], $0xffff  }
0xdf: {  	v13 =	vld.idx.msk [tilespmem:v4+s23+$0x0], $0xffff  }
0xe0: {  	v9 =	vld.idx.msk [tilespmem:v9+s23+$0x0], $0xffff  }
0xe1: {  	v10 =	vld.idx.msk [tilespmem:v10+s23+$0x0], $0xffff  }
0xe2: {  	v3 =	vld [tilespmem:s1+$0xFFFFFFF0]  }
0xe3: {  	[tilespmem:v11+s25+$0x0] =	vst.idx.add.f32.msk $0xffff, v6  }
.Ltmp3:
0xe4: {  	v5 =	vld [tilespmem:s1+$0x0];
	(pc) =	sbr.rel @p0 .LBB2_8-.Ltmp3, $4  }
0xe5: {  	v4 =	vld [tilespmem:s1+$0x10]  }
0xe6: {  	[tilespmem:v7+s25+$0x0] =	vst.idx.add.f32.msk $0xffff, v0;
	v0 =	vmov v13  }
0xe7: {  	[tilespmem:v12+s25+$0x0] =	vst.idx.add.f32.msk $0xffff, v10  }
0xe8: {  	s4 =	sadd.s32 $0x50, s4;
	[tilespmem:v8+s25+$0x0] =	vst.idx.add.f32.msk $0xffff, v1;
	v1 =	vmov v9  }
0xe9: {  	_ =	sdelay $0x3  }
0xea: {  	[tilespmem:v3+s25+$0x0] =	vst.idx.add.f32.msk $0xffff, v2  }
0xeb: {  	[tilespmem:v5+s25+$0x0] =	vst.idx.add.f32.msk $0xffff, v0  }
0xec: {  	[tilespmem:v4+s25+$0x0] =	vst.idx.add.f32.msk $0xffff, v1  }
0xed: {  	_ =	swait.ge [sflag:s28], $0x4E20  }
0xee: {  	[sflag:s28] =	ssyncset.done $0x0  }
0xef: {  	[sflag:s28] =	ssyncadd.s32 $0xFFFFB1E0  }
0xf0: {  	_ =	swait.ge [sflag:s28], $0x4E20  }
0xf1: {  	[sflag:s28] =	ssyncset.done $0x0  }
0xf2: {  	[sflag:s28] =	ssyncadd.s32 $0xFFFFB1E0  }
0xf3: {  	[tilespmem:s29], [sflag:$0x2] =	stream.linear.gather [hbm4b:s15+s2], $0x4E20, $0x38;
	[tilespmem:$0x18900] =	vst v63  }
0xf4: {  	s1 =	simm.s32 $0x20  }
0xf5: {  	[tilespmem:s30], [sflag:$0x2] =	stream.linear.gather [hbm4b:s16+s2], $0x4E20, $0x38;
	[tilespmem:$0x18900] =	vst v63  }
0xf6: {  	v0 =	vld [tilespmem:s1+$0x20]  }
0xf7: {  	v1 =	vld [tilespmem:s1+$0xFFFFFFF0]  }
0xf8: {  	v3 =	vld [tilespmem:s1+$0x0]  }
0xf9: {  	v4 =	vld [tilespmem:s1+$0x10]  }
0xfa: {  	v5 =	vld [tilespmem:s1+$0xFFFFFFE0]  }
0xfb: {  	s1 =	simm.s32 $0x4EA0  }
0xfc: {  	v6 =	vld [tilespmem:s1+$0x20]  }
0xfd: {  	v7 =	vld [tilespmem:s1+$0xFFFFFFE0]  }
0xfe: {  	v8 =	vld.idx.msk [tilespmem:v0+s23+$0x0], $0xffff  }
0xff: {  	v2 =	vld.idx.msk [tilespmem:v1+s23+$0x0], $0xffff  }
0x100: {  	v0 =	vld.idx.msk [tilespmem:v3+s23+$0x0], $0xffff  }
0x101: {  	v1 =	vld.idx.msk [tilespmem:v4+s23+$0x0], $0xffff  }
0x102: {  	v9 =	vld.idx.msk [tilespmem:v5+s23+$0x0], $0xffff  }
0x103: {  	v5 =	vld [tilespmem:s1+$0x0]  }
0x104: {  	v4 =	vld [tilespmem:s1+$0x10]  }
0x105: {  	v3 =	vld [tilespmem:s1+$0xFFFFFFF0]  }
0x106: {  	[tilespmem:v6+s25+$0x0] =	vst.idx.add.f32.msk $0xffff, v8  }
0x107: {  	s3 =	simm.s32 $0x0;
	s4 =	simm.s32 $0x70;
	[tilespmem:v7+s25+$0x0] =	vst.idx.add.f32.msk $0xffff, v9  }
.LBB2_10:
0x108: {  	v6 =	vld [tilespmem:s4+$0x20];
	s3 =	sadd.s32 $0x5, s3;
	v7 =	vmov v5  }
0x109: {  	v5 =	vld [tilespmem:s4+$0xFFFFFFF0];
	p0 =	slt.u32 s3, $0x4DD;
	v8 =	vmov v4  }
0x10a: {  	v4 =	vld [tilespmem:s4+$0x0]  }
0x10b: {  	v9 =	vld [tilespmem:s4+$0x10]  }
0x10c: {  	v10 =	vld [tilespmem:s4+$0xFFFFFFE0]  }
0x10d: {  	s1 =	sadd.s32 $0x50, s1;
	[tilespmem:v3+s25+$0x0] =	vst.idx.add.f32.msk $0xffff, v2  }
0x10e: {  	v11 =	vld [tilespmem:s1+$0x20]  }
0x10f: {  	v12 =	vld [tilespmem:s1+$0xFFFFFFE0]  }
0x110: {  	v6 =	vld.idx.msk [tilespmem:v6+s23+$0x0], $0xffff  }
0x111: {  	v2 =	vld.idx.msk [tilespmem:v5+s23+$0x0], $0xffff  }
0x112: {  	v13 =	vld.idx.msk [tilespmem:v4+s23+$0x0], $0xffff  }
0x113: {  	v9 =	vld.idx.msk [tilespmem:v9+s23+$0x0], $0xffff  }
0x114: {  	v10 =	vld.idx.msk [tilespmem:v10+s23+$0x0], $0xffff  }
0x115: {  	v3 =	vld [tilespmem:s1+$0xFFFFFFF0]  }
0x116: {  	[tilespmem:v11+s25+$0x0] =	vst.idx.add.f32.msk $0xffff, v6  }
.Ltmp4:
0x117: {  	v5 =	vld [tilespmem:s1+$0x0];
	(pc) =	sbr.rel @p0 .LBB2_10-.Ltmp4, $4  }
0x118: {  	v4 =	vld [tilespmem:s1+$0x10]  }
0x119: {  	[tilespmem:v7+s25+$0x0] =	vst.idx.add.f32.msk $0xffff, v0;
	v0 =	vmov v13  }
0x11a: {  	[tilespmem:v12+s25+$0x0] =	vst.idx.add.f32.msk $0xffff, v10  }
0x11b: {  	s4 =	sadd.s32 $0x50, s4;
	[tilespmem:v8+s25+$0x0] =	vst.idx.add.f32.msk $0xffff, v1;
	v1 =	vmov v9  }
0x11c: {  	_ =	sdelay $0x3  }
0x11d: {  	[tilespmem:v3+s25+$0x0] =	vst.idx.add.f32.msk $0xffff, v2  }
0x11e: {  	[tilespmem:v5+s25+$0x0] =	vst.idx.add.f32.msk $0xffff, v0  }
0x11f: {  	[tilespmem:v4+s25+$0x0] =	vst.idx.add.f32.msk $0xffff, v1  }
0x120: {  	_ =	swait.ge [sflag:s31], $0x4E20  }
0x121: {  	[sflag:s31] =	ssyncset.done $0x0  }
0x122: {  	[sflag:s31] =	ssyncadd.s32 $0xFFFFB1E0  }
0x123: {  	_ =	swait.ge [sflag:s31], $0x4E20  }
0x124: {  	[sflag:s31] =	ssyncset.done $0x0  }
0x125: {  	[sflag:s31] =	ssyncadd.s32 $0xFFFFB1E0  }
0x126: {  	[tilespmem:s2], [sflag:$0x1] =	stream.linear.gather [hbm4b:s17+s2], $0x4E20, $0x38;
	[tilespmem:$0x18900] =	vst v63  }
0x127: {  	s1 =	simm.s32 $0x9D20  }
0x128: {  	[tilespmem:s26], [sflag:$0x1] =	stream.linear.gather [hbm4b:s18+s2], $0x4E20, $0x38;
	[tilespmem:$0x18900] =	vst v63  }
0x129: {  	v0 =	vld [tilespmem:s1+$0x20]  }
0x12a: {  	v1 =	vld [tilespmem:s1+$0xFFFFFFF0]  }
0x12b: {  	v3 =	vld [tilespmem:s1+$0x0]  }
0x12c: {  	v4 =	vld [tilespmem:s1+$0x10]  }
0x12d: {  	v5 =	vld [tilespmem:s1+$0xFFFFFFE0]  }
0x12e: {  	s1 =	simm.s32 $0xEBA0  }
0x12f: {  	v6 =	vld [tilespmem:s1+$0x20]  }
0x130: {  	v7 =	vld [tilespmem:s1+$0xFFFFFFE0]  }
0x131: {  	v8 =	vld.idx.msk [tilespmem:v0+s23+$0x0], $0xffff  }
0x132: {  	v2 =	vld.idx.msk [tilespmem:v1+s23+$0x0], $0xffff  }
0x133: {  	v0 =	vld.idx.msk [tilespmem:v3+s23+$0x0], $0xffff  }
0x134: {  	v1 =	vld.idx.msk [tilespmem:v4+s23+$0x0], $0xffff  }
0x135: {  	v9 =	vld.idx.msk [tilespmem:v5+s23+$0x0], $0xffff  }
0x136: {  	v5 =	vld [tilespmem:s1+$0x0]  }
0x137: {  	v4 =	vld [tilespmem:s1+$0x10]  }
0x138: {  	v3 =	vld [tilespmem:s1+$0xFFFFFFF0]  }
0x139: {  	[tilespmem:v6+s25+$0x0] =	vst.idx.add.f32.msk $0xffff, v8  }
0x13a: {  	s3 =	simm.s32 $0x0;
	s4 =	simm.s32 $0x9D70;
	[tilespmem:v7+s25+$0x0] =	vst.idx.add.f32.msk $0xffff, v9  }
.LBB2_12:
0x13b: {  	v6 =	vld [tilespmem:s4+$0x20];
	s3 =	sadd.s32 $0x5, s3;
	v7 =	vmov v5  }
0x13c: {  	v5 =	vld [tilespmem:s4+$0xFFFFFFF0];
	p0 =	slt.u32 s3, $0x4DD;
	v8 =	vmov v4  }
0x13d: {  	v4 =	vld [tilespmem:s4+$0x0]  }
0x13e: {  	v9 =	vld [tilespmem:s4+$0x10]  }
0x13f: {  	v10 =	vld [tilespmem:s4+$0xFFFFFFE0]  }
0x140: {  	s1 =	sadd.s32 $0x50, s1;
	[tilespmem:v3+s25+$0x0] =	vst.idx.add.f32.msk $0xffff, v2  }
0x141: {  	v11 =	vld [tilespmem:s1+$0x20]  }
0x142: {  	v12 =	vld [tilespmem:s1+$0xFFFFFFE0]  }
0x143: {  	v6 =	vld.idx.msk [tilespmem:v6+s23+$0x0], $0xffff  }
0x144: {  	v2 =	vld.idx.msk [tilespmem:v5+s23+$0x0], $0xffff  }
0x145: {  	v13 =	vld.idx.msk [tilespmem:v4+s23+$0x0], $0xffff  }
0x146: {  	v9 =	vld.idx.msk [tilespmem:v9+s23+$0x0], $0xffff  }
0x147: {  	v10 =	vld.idx.msk [tilespmem:v10+s23+$0x0], $0xffff  }
0x148: {  	v3 =	vld [tilespmem:s1+$0xFFFFFFF0]  }
0x149: {  	[tilespmem:v11+s25+$0x0] =	vst.idx.add.f32.msk $0xffff, v6  }
.Ltmp5:
0x14a: {  	v5 =	vld [tilespmem:s1+$0x0];
	(pc) =	sbr.rel @p0 .LBB2_12-.Ltmp5, $4  }
0x14b: {  	v4 =	vld [tilespmem:s1+$0x10]  }
0x14c: {  	[tilespmem:v7+s25+$0x0] =	vst.idx.add.f32.msk $0xffff, v0;
	v0 =	vmov v13  }
0x14d: {  	[tilespmem:v12+s25+$0x0] =	vst.idx.add.f32.msk $0xffff, v10  }
0x14e: {  	s4 =	sadd.s32 $0x50, s4;
	[tilespmem:v8+s25+$0x0] =	vst.idx.add.f32.msk $0xffff, v1;
	v1 =	vmov v9  }
0x14f: {  	_ =	sdelay $0x3  }
0x150: {  	[tilespmem:v3+s25+$0x0] =	vst.idx.add.f32.msk $0xffff, v2  }
0x151: {  	[tilespmem:v5+s25+$0x0] =	vst.idx.add.f32.msk $0xffff, v0  }
0x152: {  	[tilespmem:v4+s25+$0x0] =	vst.idx.add.f32.msk $0xffff, v1  }
0x153: {  	_ =	swait.ge [sflag:s28], $0x4E20  }
0x154: {  	[sflag:s28] =	ssyncset.done $0x0  }
0x155: {  	[sflag:s28] =	ssyncadd.s32 $0xFFFFB1E0  }
0x156: {  	_ =	swait.ge [sflag:s28], $0x4E20  }
0x157: {  	[sflag:s28] =	ssyncset.done $0x0  }
0x158: {  	[sflag:s28] =	ssyncadd.s32 $0xFFFFB1E0  }
0x159: {  	[tilespmem:s29], [sflag:$0x2] =	stream.linear.gather [hbm4b:s19+s2], $0x4E20, $0x38;
	[tilespmem:$0x18900] =	vst v63  }
0x15a: {  	s1 =	simm.s32 $0x20  }
0x15b: {  	[tilespmem:s30], [sflag:$0x2] =	stream.linear.gather [hbm4b:s20+s2], $0x4E20, $0x38;
	[tilespmem:$0x18900] =	vst v63  }
0x15c: {  	v0 =	vld [tilespmem:s1+$0x20]  }
0x15d: {  	v1 =	vld [tilespmem:s1+$0xFFFFFFF0]  }
0x15e: {  	v3 =	vld [tilespmem:s1+$0x0]  }
0x15f: {  	v4 =	vld [tilespmem:s1+$0x10]  }
0x160: {  	v5 =	vld [tilespmem:s1+$0xFFFFFFE0]  }
0x161: {  	s1 =	simm.s32 $0x4EA0  }
0x162: {  	v6 =	vld [tilespmem:s1+$0x20]  }
0x163: {  	v7 =	vld [tilespmem:s1+$0xFFFFFFE0]  }
0x164: {  	v8 =	vld.idx.msk [tilespmem:v0+s23+$0x0], $0xffff  }
0x165: {  	v2 =	vld.idx.msk [tilespmem:v1+s23+$0x0], $0xffff  }
0x166: {  	v0 =	vld.idx.msk [tilespmem:v3+s23+$0x0], $0xffff  }
0x167: {  	v1 =	vld.idx.msk [tilespmem:v4+s23+$0x0], $0xffff  }
0x168: {  	v9 =	vld.idx.msk [tilespmem:v5+s23+$0x0], $0xffff  }
0x169: {  	v5 =	vld [tilespmem:s1+$0x0]  }
0x16a: {  	v4 =	vld [tilespmem:s1+$0x10]  }
0x16b: {  	v3 =	vld [tilespmem:s1+$0xFFFFFFF0]  }
0x16c: {  	[tilespmem:v6+s25+$0x0] =	vst.idx.add.f32.msk $0xffff, v8  }
0x16d: {  	s3 =	simm.s32 $0x0;
	s4 =	simm.s32 $0x70;
	[tilespmem:v7+s25+$0x0] =	vst.idx.add.f32.msk $0xffff, v9  }
.LBB2_14:
0x16e: {  	v6 =	vld [tilespmem:s4+$0x20];
	s3 =	sadd.s32 $0x5, s3;
	v7 =	vmov v5  }
0x16f: {  	v5 =	vld [tilespmem:s4+$0xFFFFFFF0];
	p0 =	slt.u32 s3, $0x4DD;
	v8 =	vmov v4  }
0x170: {  	v4 =	vld [tilespmem:s4+$0x0]  }
0x171: {  	v9 =	vld [tilespmem:s4+$0x10]  }
0x172: {  	v10 =	vld [tilespmem:s4+$0xFFFFFFE0]  }
0x173: {  	s1 =	sadd.s32 $0x50, s1;
	[tilespmem:v3+s25+$0x0] =	vst.idx.add.f32.msk $0xffff, v2  }
0x174: {  	v11 =	vld [tilespmem:s1+$0x20]  }
0x175: {  	v12 =	vld [tilespmem:s1+$0xFFFFFFE0]  }
0x176: {  	v6 =	vld.idx.msk [tilespmem:v6+s23+$0x0], $0xffff  }
0x177: {  	v2 =	vld.idx.msk [tilespmem:v5+s23+$0x0], $0xffff  }
0x178: {  	v13 =	vld.idx.msk [tilespmem:v4+s23+$0x0], $0xffff  }
0x179: {  	v9 =	vld.idx.msk [tilespmem:v9+s23+$0x0], $0xffff  }
0x17a: {  	v10 =	vld.idx.msk [tilespmem:v10+s23+$0x0], $0xffff  }
0x17b: {  	v3 =	vld [tilespmem:s1+$0xFFFFFFF0]  }
0x17c: {  	[tilespmem:v11+s25+$0x0] =	vst.idx.add.f32.msk $0xffff, v6  }
.Ltmp6:
0x17d: {  	v5 =	vld [tilespmem:s1+$0x0];
	(pc) =	sbr.rel @p0 .LBB2_14-.Ltmp6, $4  }
0x17e: {  	v4 =	vld [tilespmem:s1+$0x10]  }
0x17f: {  	[tilespmem:v7+s25+$0x0] =	vst.idx.add.f32.msk $0xffff, v0;
	v0 =	vmov v13  }
0x180: {  	[tilespmem:v12+s25+$0x0] =	vst.idx.add.f32.msk $0xffff, v10  }
0x181: {  	s4 =	sadd.s32 $0x50, s4;
	[tilespmem:v8+s25+$0x0] =	vst.idx.add.f32.msk $0xffff, v1;
	v1 =	vmov v9  }
0x182: {  	_ =	sdelay $0x3  }
0x183: {  	[tilespmem:v3+s25+$0x0] =	vst.idx.add.f32.msk $0xffff, v2  }
0x184: {  	[tilespmem:v5+s25+$0x0] =	vst.idx.add.f32.msk $0xffff, v0  }
0x185: {  	[tilespmem:v4+s25+$0x0] =	vst.idx.add.f32.msk $0xffff, v1  }
0x186: {  	_ =	swait.ge [sflag:s31], $0x4E20  }
0x187: {  	[sflag:s31] =	ssyncset.done $0x0  }
0x188: {  	[sflag:s31] =	ssyncadd.s32 $0xFFFFB1E0  }
0x189: {  	_ =	swait.ge [sflag:s31], $0x4E20  }
0x18a: {  	[sflag:s31] =	ssyncset.done $0x0  }
0x18b: {  	s1 =	simm.s32 $0x9D20;
	[sflag:s31] =	ssyncadd.s32 $0xFFFFB1E0  }
0x18c: {  	v0 =	vld [tilespmem:s1+$0x20]  }
0x18d: {  	v1 =	vld [tilespmem:s1+$0xFFFFFFF0]  }
0x18e: {  	v3 =	vld [tilespmem:s1+$0x0]  }
0x18f: {  	v4 =	vld [tilespmem:s1+$0x10]  }
0x190: {  	v5 =	vld [tilespmem:s1+$0xFFFFFFE0]  }
0x191: {  	s1 =	simm.s32 $0xEBA0  }
0x192: {  	v6 =	vld [tilespmem:s1+$0x20]  }
0x193: {  	v7 =	vld [tilespmem:s1+$0xFFFFFFE0]  }
0x194: {  	v8 =	vld.idx.msk [tilespmem:v0+s23+$0x0], $0xffff  }
0x195: {  	v2 =	vld.idx.msk [tilespmem:v1+s23+$0x0], $0xffff  }
0x196: {  	v0 =	vld.idx.msk [tilespmem:v3+s23+$0x0], $0xffff  }
0x197: {  	v1 =	vld.idx.msk [tilespmem:v4+s23+$0x0], $0xffff  }
0x198: {  	v9 =	vld.idx.msk [tilespmem:v5+s23+$0x0], $0xffff  }
0x199: {  	v5 =	vld [tilespmem:s1+$0x0]  }
0x19a: {  	v4 =	vld [tilespmem:s1+$0x10]  }
0x19b: {  	v3 =	vld [tilespmem:s1+$0xFFFFFFF0]  }
0x19c: {  	[tilespmem:v6+s25+$0x0] =	vst.idx.add.f32.msk $0xffff, v8  }
0x19d: {  	s3 =	simm.s32 $0x0;
	s4 =	simm.s32 $0x9D70;
	[tilespmem:v7+s25+$0x0] =	vst.idx.add.f32.msk $0xffff, v9  }
.LBB2_16:
0x19e: {  	v6 =	vld [tilespmem:s4+$0x20];
	s3 =	sadd.s32 $0x5, s3;
	v7 =	vmov v5  }
0x19f: {  	v5 =	vld [tilespmem:s4+$0xFFFFFFF0];
	p0 =	slt.u32 s3, $0x4DD;
	v8 =	vmov v4  }
0x1a0: {  	v4 =	vld [tilespmem:s4+$0x0]  }
0x1a1: {  	v9 =	vld [tilespmem:s4+$0x10]  }
0x1a2: {  	v10 =	vld [tilespmem:s4+$0xFFFFFFE0]  }
0x1a3: {  	s1 =	sadd.s32 $0x50, s1;
	[tilespmem:v3+s25+$0x0] =	vst.idx.add.f32.msk $0xffff, v2  }
0x1a4: {  	v11 =	vld [tilespmem:s1+$0x20]  }
0x1a5: {  	v12 =	vld [tilespmem:s1+$0xFFFFFFE0]  }
0x1a6: {  	v6 =	vld.idx.msk [tilespmem:v6+s23+$0x0], $0xffff  }
0x1a7: {  	v2 =	vld.idx.msk [tilespmem:v5+s23+$0x0], $0xffff  }
0x1a8: {  	v13 =	vld.idx.msk [tilespmem:v4+s23+$0x0], $0xffff  }
0x1a9: {  	v9 =	vld.idx.msk [tilespmem:v9+s23+$0x0], $0xffff  }
0x1aa: {  	v10 =	vld.idx.msk [tilespmem:v10+s23+$0x0], $0xffff  }
0x1ab: {  	v3 =	vld [tilespmem:s1+$0xFFFFFFF0]  }
0x1ac: {  	[tilespmem:v11+s25+$0x0] =	vst.idx.add.f32.msk $0xffff, v6  }
.Ltmp7:
0x1ad: {  	v5 =	vld [tilespmem:s1+$0x0];
	(pc) =	sbr.rel @p0 .LBB2_16-.Ltmp7, $4  }
0x1ae: {  	v4 =	vld [tilespmem:s1+$0x10]  }
0x1af: {  	[tilespmem:v7+s25+$0x0] =	vst.idx.add.f32.msk $0xffff, v0;
	v0 =	vmov v13  }
0x1b0: {  	[tilespmem:v12+s25+$0x0] =	vst.idx.add.f32.msk $0xffff, v10  }
0x1b1: {  	s4 =	sadd.s32 $0x50, s4;
	[tilespmem:v8+s25+$0x0] =	vst.idx.add.f32.msk $0xffff, v1;
	v1 =	vmov v9  }
0x1b2: {  	_ =	sdelay $0x3  }
0x1b3: {  	[tilespmem:v3+s25+$0x0] =	vst.idx.add.f32.msk $0xffff, v2;
	s0 =	sadd.s32 $0x1, s0  }
0x1b4: {  	[tilespmem:v5+s25+$0x0] =	vst.idx.add.f32.msk $0xffff, v0;
	p0 =	sne.s32 s0, s22  }
.Ltmp8:
0x1b5: {  	[tilespmem:v4+s25+$0x0] =	vst.idx.add.f32.msk $0xffff, v1;
	(pc) =	sbr.rel @p0 .LBB2_1-.Ltmp8, $4  }
0x1b6: {  	[hbm4b:s21+s2] =	stream.linear.scatter [tilespmem:s25], [sflag:$0x3], $0x2710, $0x38;
	[tilespmem:$0x18900] =	vst v63  }
0x1b7: {  	_ =	swait.ge [sflag:s24], $0x2710  }
0x1b8: {  	[sflag:s24] =	ssyncset.done $0x0  }
0x1b9: {  	[sflag:s24] =	ssyncadd.s32 $0xFFFFD8F0  }
0x1ba: {  	_ =	sfence.sel $0x180000  }
0x1bb: {  	[bflag:$0x0] =	sbarrier.arrive $0xFFFF  }
0x1bc: {  	_ =	strace $0x9000004A  }
0x1bd: {  	s0 =	stileid.u32;
	[bflag:$0x2] =	sbarrier.arrive $0xFFFF  }
0x1be: {  	p0 =	sne.s32 s0, $0x0;
	s0 =	rddreg [dreg:$0x2]  }
0x1bf: {  	s0 =	sadd.s32 @!p0 $0x100000, s0  }
0x1c0: {  	[sflag:s0] =	ssyncadd.tile.s32 @!p0 $0x1;
	_ =	shalt  }
.Lfunc_end2:
_tile_overlayer_lowered:
.L_overlay_start_2:
0x1c1: {  	(tag) =	ssettag $0x2  }
0x1c2: {  	s0 =	rddreg [dreg:$0x0];
	s2 =	stileid.u32  }
0x1c3: {  	s1 =	rddreg [dreg:$0x1];
	p0 =	sne.s32 s2, $0x0  }
0x1c4: {  	s3 =	rddreg [dreg:$0x2];
	[bflag:$0x3] =	sbarrier.arrive $0xFFFF;
	s2 =	simm.s32 @!p0 $0x1C03  }
0x1c5: {  	[timem:s3], [sflag:s2] =	dma.local @!p0 [hbm:s0], s1  }
0x1c6: {  	s0 =	simm.s32 @!p0 $0x3  }
0x1c7: {  	_ =	swait.ge @!p0 [sflag:s0], s1  }
0x1c8: {  	s1 =	ssub.s32 @!p0 $0x0, s1;
	[sflag:s0] =	ssyncset.done @!p0 $0x0  }
0x1c9: {  	[sflag:s0] =	ssyncadd.s32 @!p0 s1  }
0x1ca: {  	[bflag:$0x3] =	sbarrier.arrive $0xFFFF  }
0x1cb: {  	_ =	shalt  }

// kernel: kernel.13.cloned.1.call-start
scs
__scs_entry_jumppad:
0x0: {  	(pc) =	sbr.rel $0x88, $3  }
0x1: {  	(tag) =	ssettag $0x0;
	lr =	simm.s32 $0x1  }
0x2: {  	[smem:$0x3F9B] =	sst lr;
	_ =	strace $0xD0000000  }
0x3: {  	_ = 	snop  }
0x4: {  	_ = 	snop  }
0x5: {  	_ = 	snop  }
0x6: {  	_ = 	snop  }
0x7: {  	_ = 	snop  }
__scs_overlays_trampoline_lowered:
0x8: {  	[smem:$0x3FAA] =	sst s0  }
0x9: {  	[smem:$0x3FAB] =	sst s1  }
0xa: {  	[smem:$0x3FAC] =	sst s2  }
0xb: {  	[smem:$0x3FAD] =	sst s3  }
0xc: {  	[smem:$0x3FAE] =	sst s4  }
0xd: {  	[smem:$0x3FAF] =	sst s5  }
0xe: {  	[smem:$0x3FB0] =	sst s6  }
0xf: {  	[smem:$0x3FB1] =	sst s7  }
0x10: {  	[smem:$0x3FB2] =	sst s8  }
0x11: {  	[smem:$0x3FB3] =	sst s9;
	s0 =	simm.s32 @!p0 $0x0  }
0x12: {  	s1 =	sld [smem:$0x3F99];
	s0 =	simm.s32 @p0 $0x1  }
0x13: {  	[smem:$0x3FB4] =	sst s0;
	s0 =	simm.s32 @!p1 $0x0  }
0x14: {  	s2 =	sld [smem:$0x3F98];
	s0 =	simm.s32 @p1 $0x1  }
0x15: {  	[smem:$0x3FB5] =	sst s0;
	s0 =	simm.s32 @!p2 $0x0  }
0x16: {  	s3 =	sld [smem:$0x3FDB];
	s0 =	simm.s32 @p2 $0x1  }
0x17: {  	s4 =	simm.s32 $0x1BF5;
	[smem:$0x3FB7] =	sst s0  }
0x18: {  	s0 =	sld [smem:$0x3F9A];
	_ =	swait.ge [sflag:s4], $0x0  }
0x19: {  	s7 =	sld [smem:$0x3F9B]  }
0x1a: {  	s8 =	sadd.s32 $0xFFFFE003, lr  }
0x1b: {  	s9 =	sadd.s32 $0xFFFFFEF7, lr;
	s5 =	simm.s32 $0xFFFFFFFF;
	p2 =	slt.u32 s8, $0xFFFFF086  }
0x1c: {  	p1 =	slt.u32 s9, $0xF7A;
	s5 =	simm.s32 @!p2 $0x0  }
0x1d: {  	s5 =	simm.s32 @p1 $0x1;
	p0 =	seq.s32 s7, s2  }
0x1e: {  	s7 =	smul.u32 @!p0 $0xF7A, s2;
	p2 =	seq.s32 @!p0 s5, $0x0  }
0x1f: {  	s9 =	smul.u32 $0xF7A, s1;
	s8 =	simm.s32 @!p0 $0x1BF5;
	p2 =	por !p2, p0  }
0x20: {  	[sflag:s8] =	ssyncset.s32 @!p0 $0xFFFFF086;
	s6 =	sadd.s32 @!p0 s3, s7;
	s7 =	simm.s32 @!p0 $0x108  }
0x21: {  	s3 =	sadd.s32 s3, s9;
	s6 =	sadd.s32 @!p0 $0x88, s6;
	s7 =	simm.s32 @p2 $0x1082  }
0x22: {  	[simem:s7], [sflag:s8] =	dma.local @!p0 [hbm:s6], $0xF7A  }
0x23: {  	s9 =	sor.u32 $0xD0000000, s2;
	s6 =	simm.s32 $0x108;
	_ =	swait.ge @!p0 [sflag:s8], $0x0  }
0x24: {  	s3 =	sadd.s32 $0x88, s3;
	s6 =	simm.s32 @!p1 $0x1082;
	[sflag:s4] =	ssyncset.s32 $0xFFFFF086  }
0x25: {  	[simem:s6], [sflag:s4] =	dma.local [hbm:s3], $0xF7A  }
0x26: {  	[smem:$0x3F9B] =	sst s1;
	(tag) =	ssettag s2;
	_ =	strace s9  }
0x27: {  	s1 =	sld [smem:$0x3FAB]  }
0x28: {  	s2 =	sld [smem:$0x3FAC]  }
0x29: {  	s4 =	sld [smem:$0x3FAE]  }
0x2a: {  	p0 =	seq.s32 s5, $0x0;
	s5 =	sld [smem:$0x3FAF]  }
0x2b: {  	s6 =	sld [smem:$0x3FB0]  }
0x2c: {  	s7 =	sld [smem:$0x3FB1]  }
0x2d: {  	s3 =	simm.s32 $0x108;
	s8 =	sld [smem:$0x3FB2]  }
0x2e: {  	s3 =	simm.s32 @!p0 $0x1082;
	s9 =	sld [smem:$0x3FB3]  }
0x2f: {  	lr =	sadd.s32 s0, s3;
	s0 =	sld [smem:$0x3FAA]  }
0x30: {  	s3 =	sld [smem:$0x3FAD]  }
0x31: {  	[smem:$0x3FB6] =	sst s10  }
0x32: {  	s10 =	sld [smem:$0x3FB4];
	_ =	sdelay $0x3  }
0x33: {  	p0 =	seq.s32 s10, $0x1;
	s10 =	sld [smem:$0x3FB6];
	_ =	sdelay $0x3  }
0x34: {  	[smem:$0x3FB6] =	sst s10  }
0x35: {  	s10 =	sld [smem:$0x3FB5];
	_ =	sdelay $0x3  }
0x36: {  	p1 =	seq.s32 s10, $0x1;
	s10 =	sld [smem:$0x3FB6];
	_ =	sdelay $0x3  }
0x37: {  	[smem:$0x3FB6] =	sst s10  }
0x38: {  	s10 =	sld [smem:$0x3FB7]  }
0x39: {  	_ = 	snop;
	(pc) =	sbr.ind lr, $3  }
0x3a: {  	_ = 	snop  }
0x3b: {  	_ = 	snop  }
0x3c: {  	p2 =	seq.s32 s10, $0x1;
	s10 =	sld [smem:$0x3FB6]  }
0x3d: {  	_ =	shalt  }
0x3e: {  	_ =	shalt  }
0x3f: {  	_ =	shalt  }
0x40: {  	_ =	shalt  }
0x41: {  	_ =	shalt  }
0x42: {  	_ =	shalt  }
0x43: {  	_ =	shalt  }
0x44: {  	_ =	shalt  }
0x45: {  	_ =	shalt  }
0x46: {  	_ =	shalt  }
0x47: {  	_ =	shalt  }
0x48: {  	_ =	shalt  }
0x49: {  	_ =	shalt  }
0x4a: {  	_ =	shalt  }
0x4b: {  	_ =	shalt  }
0x4c: {  	_ =	shalt  }
0x4d: {  	_ =	shalt  }
0x4e: {  	_ =	shalt  }
0x4f: {  	_ =	shalt  }
0x50: {  	_ =	shalt  }
0x51: {  	_ =	shalt  }
0x52: {  	_ =	shalt  }
0x53: {  	_ =	shalt  }
0x54: {  	_ =	shalt  }
0x55: {  	_ =	shalt  }
0x56: {  	_ =	shalt  }
0x57: {  	_ =	shalt  }
0x58: {  	_ =	shalt  }
0x59: {  	_ =	shalt  }
0x5a: {  	_ =	shalt  }
0x5b: {  	_ =	shalt  }
0x5c: {  	_ =	shalt  }
0x5d: {  	_ =	shalt  }
0x5e: {  	_ =	shalt  }
0x5f: {  	_ =	shalt  }
0x60: {  	_ =	shalt  }
0x61: {  	_ =	shalt  }
0x62: {  	_ =	shalt  }
0x63: {  	_ =	shalt  }
0x64: {  	_ =	shalt  }
0x65: {  	_ =	shalt  }
0x66: {  	_ =	shalt  }
0x67: {  	_ =	shalt  }
0x68: {  	_ =	shalt  }
0x69: {  	_ =	shalt  }
0x6a: {  	_ =	shalt  }
0x6b: {  	_ =	shalt  }
0x6c: {  	_ =	shalt  }
0x6d: {  	_ =	shalt  }
0x6e: {  	_ =	shalt  }
0x6f: {  	_ =	shalt  }
0x70: {  	_ =	shalt  }
0x71: {  	_ =	shalt  }
0x72: {  	_ =	shalt  }
0x73: {  	_ =	shalt  }
0x74: {  	_ =	shalt  }
0x75: {  	_ =	shalt  }
0x76: {  	_ =	shalt  }
0x77: {  	_ =	shalt  }
0x78: {  	_ =	shalt  }
0x79: {  	_ =	shalt  }
0x7a: {  	_ =	shalt  }
0x7b: {  	_ =	shalt  }
0x7c: {  	_ =	shalt  }
0x7d: {  	_ =	shalt  }
0x7e: {  	_ =	shalt  }
0x7f: {  	_ =	shalt  }
0x80: {  	_ =	shalt  }
0x81: {  	_ =	shalt  }
0x82: {  	_ =	shalt  }
0x83: {  	_ =	shalt  }
0x84: {  	_ =	shalt  }
0x85: {  	_ =	shalt  }
0x86: {  	_ =	shalt  }
0x87: {  	_ =	shalt  }
.Lfunc_end0:
.L_simem_size_0:
called_computation.2_lowered:
.L_overlay_start_0:
0x88: {  	s2 =	sld [smem:$0x3FD9]  }
0x89: {  	s3 =	sld [smem:$0x3FFE];
	_ =	sdelay $0x1  }
0x8a: {  	s1 =	srdreg.scid  }
0x8b: {  	s0 =	sand.u32 $0x1, s1  }
0x8c: {  	s17 =	sshll.u32 s0, $0xA;
	s2 =	sadd.s32 s3, s2  }
0x8d: {  	s2 =	sadd.s32 s2, s17  }
0x8e: {  	[smem:$0x3FC2] =	sst s2  }
0x8f: {  	_ = 	snop  }
0x90: {  	s2 =	sld [smem:$0x3FC6]  }
0x91: {  	s18 =	sld [smem:$0x3FD0];
	(tm) =	ssettm $0x1  }
0x92: {  	s4 =	sld [smem:$0x3FFB];
	_ =	sdelay $0x3  }
0x93: {  	_ =	strace s4  }
0x94: {  	s4 =	sld [smem:$0x3FFC];
	_ =	sdelay $0x3  }
0x95: {  	_ =	strace s4  }
0x96: {  	s4 =	sld [smem:$0x3FFD];
	_ =	sdelay $0x3  }
0x97: {  	_ =	strace s4  }
0x98: {  	_ =	strace $0x8FFFFFFF  }
0x99: {  	s19 =	sld [smem:$0x3FDB];
	_ =	sdelay $0x1  }
0x9a: {  	s5 =	simm.s32 $_scs_section_size  }
0x9b: {  	s6 =	simm.s32 $_size__tile_overlayer_lowered;
	s7 =	simm.s32 $_tile_overlayer_lowered  }
0x9c: {  	s22 =	simm.s32 $0x1BFF;
	s21 =	sshll.u32 s7, $0x1;
	s4 =	sadd.s32 s5, s19  }
0x9d: {  	s8 =	simm.s32 $0x0;
	s20 =	sshll.u32 s6, $0x1;
	s6 =	sadd.s32 s21, s4  }
0x9e: {  	[timem:s8], [sflag:s22] =	dma.local [hbm:s6], s20  }
0x9f: {  	_ =	swait.ge [sflag:s22], s20  }
0xa0: {  	s5 =	ssub.s32 $0x0, s20;
	[sflag:s22] =	ssyncset.done $0x0  }
0xa1: {  	[sflag:s22] =	ssyncadd.s32 s5;
	_ =	sdelay $0x1  }
0xa2: {  	s23 =	simm.s32 $0x1B8B  }
0xa3: {  	_ =	swait.ge [sflag:s23], $0x1  }
0xa4: {  	[sflag:s23] =	ssyncset.done $0x0  }
0xa5: {  	s25 =	simm.s32 $0x1B8E;
	s24 =	sld [smem:$0x3FFE];
	[sflag:s23] =	ssyncadd.s32 $0xFFFFFFFF  }
0xa6: {  	s26 =	simm.s32 $execute0_lowered;
	[smem:$0x3FD2] =	sst s25  }
0xa7: {  	s6 =	sshll.u32 s26, $0x1;
	_ =	strace $0x8000004C;
	[dreg:$0x1] =	wrdreg $0xFFFFFFFF  }
0xa8: {  	s28 =	simm.s32 $_size_execute0_lowered;
	s4 =	sadd.s32 s4, s6;
	[dreg:$0x0] =	wrdreg $0x0  }
0xa9: {  	s6 =	sshll.u32 s28, $0x1;
	[dreg:$0x2] =	wrdreg s4  }
0xaa: {  	[dreg:$0x3] =	wrdreg s6  }
0xab: {  	[dreg:$0x4] =	wrdreg $0xC0  }
0xac: {  	_ =	task [dreg:s8], $0x5FFFF  }
0xad: {  	[dreg:$0x1] =	wrdreg $0xFFFFFFFF  }
0xae: {  	[dreg:$0x0] =	wrdreg $0x60  }
0xaf: {  	[dreg:$0x2] =	wrdreg s24  }
0xb0: {  	[dreg:$0x3] =	wrdreg s2  }
0xb1: {  	[dreg:$0x4] =	wrdreg s18  }
0xb2: {  	[dreg:$0x5] =	wrdreg $0x9  }
0xb3: {  	_ =	task.clear_ibuf [dreg:s8], $0x6FFFF;
	_ =	strace $0x9000004C  }
0xb4: {  	s29 =	simm.s32 $0x9;
	_ =	strace $0x8000004E  }
0xb5: {  	_ =	swait.ge [sflag:s29], $0x1  }
0xb6: {  	[sflag:s29] =	ssyncadd.s32 $0xFFFFFFFF  }
0xb7: {  	_ =	strace $0x9000004E  }
0xb8: {  	_ =	sfence  }
0xb9: {  	s30 =	sld [smem:$0x0];
	_ =	sdelay $0x2  }
0xba: {  	s31 =	sshll.u32 s1, $0xD;
	s1 =	sshrl.u32 s1, $0x2  }
0xbb: {  	s3 =	sand.u32 $0x4000, s31;
	s1 =	sadd.s32 s1, s30  }
0xbc: {  	s0 =	sor.u32 s3, s0;
	s1 =	sshll.u32 s1, $0x11  }
0xbd: {  	s0 =	sor.u32 s1, s0  }
0xbe: {  	s0 =	sadd.s32 $0x8F2B, s0  }
0xbf: {  	[sflag:s0] =	ssyncadd.remote.s32 $0x1  }
0xc0: {  	_ =	sfence.sel $0xFFFF  }
0xc1: {  	[dreg:$0x0] =	wrdreg $0xFFFFFFFF;
	(pc) =	sbr.abs _section_cstart, $3  }
0xc2: {  	[dreg:$0x1] =	wrdreg $0xFFFFFFFF  }
0xc3: {  	_ =	task.clear_ibuf [dreg:s8], $0x2FFFF;
	_ =	strace $0x9FFFFFFF  }
0xc4: {  	(tm) =	ssettm $0x7FFFFFFF  }
0xc5: {  	_ =	shalt  }
tec
execute0_lowered:
.L_overlay_start_1:
0x0: {  	(tag) =	ssettag $0x1  }
0x1: {  	s0 =	rddreg [dreg:$0x0]  }
0x2: {  	s2 =	rddreg [dreg:$0x2];
	s1 =	simm.s32 $0x0;
	s3 =	srdreg.scid  }
0x3: {  	s10 =	stileid.u32;
	[smem:$0x7FF] =	sst s1  }
0x4: {  	s4 =	sadd.s32 $0x1A00, s0;
	s3 =	sand.u32 $0x1, s3;
	s8 =	smul.u32 $0x2710, s10  }
0x5: {  	s5 =	sshll.u32 s3, $0x4;
	s6 =	ssub.s32 $0x2, s3;
	s3 =	smul.u32 $0x27100, s3  }
0x6: {  	s13 =	smul.u32 $0x4E2, s10;
	s5 =	sor.u32 s10, s5;
	s7 =	sshrl.u32 s6, $0x1  }
0x7: {  	s5 =	smul.u32 $0x4E2, s5;
	s6 =	ssub.s32 s6, s7;
	s3 =	sshrl.u32 s3, $0x3  }
0x8: {  	s7 =	sshrl.u32 s8, $0x3;
	s14 =	sadd.s32 s2, s3;
	s15 =	sadd.s32 $0x7D0, s3  }
0x9: {  	s9 =	sadd.s32 s4, s3;
	s17 =	sadd.s32 $0xFA0, s3;
	s19 =	sadd.s32 $0x1770, s3  }
0xa: {  	s21 =	sadd.s32 $0x1F40, s3;
	s23 =	sadd.s32 $0x2710, s3;
	s25 =	sadd.s32 $0x2EE0, s3  }
0xb: {  	s11 =	sadd.s32 $0x36B0, s3;
	s12 =	sadd.s32 $0x3E80, s3;
	[dreg:$0x4] =	wrdreg s14  }
0xc: {  	s3 =	sadd.s32 $0x4650, s3;
	[dreg:$0x5] =	wrdreg s9;
	s16 =	sadd.s32 s2, s15  }
0xd: {  	s31 =	smax.u32 s6, $0x1;
	s8 =	sadd.s32 s4, s15;
	[dreg:$0x6] =	wrdreg s16  }
0xe: {  	s6 =	simm.s32 $0x7D00;
	s18 =	sadd.s32 s2, s17;
	[dreg:$0x7] =	wrdreg s8  }
0xf: {  	s9 =	sadd.s32 s4, s17;
	s20 =	sadd.s32 s2, s19;
	[dreg:$0x8] =	wrdreg s18  }
0x10: {  	s22 =	sadd.s32 s2, s21;
	s24 =	sadd.s32 s2, s23;
	[dreg:$0x9] =	wrdreg s9  }
0x11: {  	s26 =	sadd.s32 s2, s25;
	s15 =	sadd.s32 s4, s25;
	[dreg:$0xa] =	wrdreg s20  }
0x12: {  	s14 =	sadd.s32 $0x11400, s0;
	s25 =	sadd.s32 $0xBE00, s0;
	[dreg:$0xc] =	wrdreg s22  }
0x13: {  	s8 =	sadd.s32 s4, s19;
	s9 =	sadd.s32 s4, s21;
	[dreg:$0xe] =	wrdreg s24  }
0x14: {  	[dreg:$0x10] =	wrdreg s26;
	s16 =	sadd.s32 s2, s11;
	s18 =	sadd.s32 s4, s11  }
0x15: {  	s19 =	sadd.s32 s2, s12;
	s20 =	sadd.s32 s4, s12;
	s21 =	sadd.s32 s2, s3  }
0x16: {  	s17 =	sadd.s32 s14, s7;
	s24 =	sadd.s32 s14, s13;
	s2 =	sadd.s32 s13, s0  }
0x17: {  	s22 =	sadd.s32 s5, s0;
	s26 =	sadd.s32 $0xB800, s0;
	s0 =	simm.s32 $0x3  }
0x18: {  	s5 =	simm.s32 $0x1;
	s7 =	simm.s32 $0xBB80;
	[dreg:$0xb] =	wrdreg s8  }
0x19: {  	[dreg:$0xd] =	wrdreg s9;
	s8 =	sadd.s32 s4, s23;
	s23 =	sadd.s32 s4, s3  }
0x1a: {  	s28 =	sadd.s32 $0xC400, s2;
	s29 =	sadd.s32 $0x4E20, s17;
	s30 =	sadd.s32 $0x1B200, s22  }
0x1b: {  	s17 =	simm.s32 $0xFA00;
	s22 =	simm.s32 $0x14900;
	s2 =	simm.s32 $0x19800  }
0x1c: {  	s3 =	simm.s32 $0x12180;
	s4 =	simm.s32 $0x3E80;
	[dreg:$0xf] =	wrdreg s8  }
0x1d: {  	v0 =	vmov s10;
	s9 =	simm.s32 $0x0;
	s8 =	simm.s32 $0x2;
	_ =	strace $0x8000004D  }
.LBB2_1:
0x1e: {  	[tilespmem:s17], [sflag:$0x3] =	stream.linear.gather [hbm4b:s28+s1], $0x2710, $0x38;
	[tilespmem:$0x19880] =	vst v63  }
0x1f: {  	_ =	swait.ge [sflag:s0], $0x2710  }
0x20: {  	[sflag:s0] =	ssyncset.done $0x0  }
0x21: {  	[sflag:s0] =	ssyncadd.s32 $0xFFFFD8F0  }
0x22: {  	[tilespmem:s22], [sflag:$0x3] =	stream.linear.gather [hbm4b:s24+s1], $0x2710, $0x38;
	[tilespmem:$0x19880] =	vst v63  }
0x23: {  	_ =	swait.ge [sflag:s0], $0x2710  }
0x24: {  	[sflag:s0] =	ssyncset.done $0x0  }
0x25: {  	s10 =	simm.s32 $0x17080;
	[sflag:s0] =	ssyncadd.s32 $0xFFFFD8F0  }
0x26: {  	[tilespmem:s10], [sflag:$0x3] =	stream.linear.gather [hbm4b:s25+s1], $0x2780, $0x38;
	[tilespmem:$0x19880] =	vst v63  }
0x27: {  	_ =	swait.ge [sflag:s0], $0x2780  }
0x28: {  	[sflag:s0] =	ssyncset.done $0x0  }
0x29: {  	[sflag:s0] =	ssyncadd.s32 $0xFFFFD880  }
0x2a: {  	s14 =	rddreg [dreg:$0x1]  }
0x2b: {  	[tilespmem:s2], [sflag:$0x3] =	stream.linear.gather [hbm4b:s14+s1], $0x80, $0x38;
	[tilespmem:$0x19880] =	vst v63  }
0x2c: {  	_ =	swait.ge [sflag:s0], $0x80  }
0x2d: {  	[sflag:s0] =	ssyncset.done $0x0  }
0x2e: {  	[sflag:s0] =	ssyncadd.s32 $0xFFFFFF80  }
0x2f: {  	[tilespmem:s3], [sflag:$0x3] =	stream.linear.gather [hbm4b:s26+s1], $0x2710, $0x38;
	[tilespmem:$0x19880] =	vst v63  }
0x30: {  	_ =	swait.ge [sflag:s0], $0x2710  }
0x31: {  	[sflag:s0] =	ssyncset.done $0x0  }
0x32: {  	[sflag:s0] =	ssyncadd.s32 $0xFFFFD8F0  }
0x33: {  	s10 =	simm.s32 $0xFA20;
	v1 =	vld.idx.msk [tilespmem:v0+s2+$0x0], $0xffff  }
0x34: {  	s11 =	simm.s32 $0x14920;
	v4 =	vld [tilespmem:s10+$0x20]  }
0x35: {  	v6 =	vld [tilespmem:s11+$0x20]  }
0x36: {  	v2 =	vld [tilespmem:s11+$0xFFFFFFE0]  }
0x37: {  	v8 =	vld [tilespmem:s10+$0xFFFFFFF0]  }
0x38: {  	v9 =	vld [tilespmem:s11+$0xFFFFFFF0]  }
0x39: {  	v3 =	vld [tilespmem:s10+$0x0]  }
0x3a: {  	v5 =	vld [tilespmem:s11+$0x0]  }
0x3b: {  	v7 =	vadd.f32 v6, v4;
	v4 =	vld [tilespmem:s10+$0x10]  }
0x3c: {  	v6 =	vld [tilespmem:s11+$0x10]  }
0x3d: {  	s12 =	simm.s32 $0x0;
	s13 =	simm.s32 $0xFA70;
	v8 =	vadd.f32 v9, v8;
	[tilespmem:s10+$0x20] =	vst v7;
	v7 =	vld [tilespmem:s10+$0xFFFFFFE0]  }
.LBB2_2:
0x3e: {  	v9 =	vld [tilespmem:s13+$0x20];
	s11 =	sadd.s32 $0x50, s11  }
0x3f: {  	s12 =	sadd.s32 $0x5, s12;
	v10 =	vld [tilespmem:s11+$0x20];
	[tilespmem:s10+$0xFFFFFFF0] =	vst v8;
	v3 =	vadd.f32 v5, v3  }
0x40: {  	p0 =	slt.u32 s12, $0x26C;
	v8 =	vld [tilespmem:s11+$0xFFFFFFE0]  }
0x41: {  	v11 =	vld [tilespmem:s13+$0xFFFFFFF0];
	[tilespmem:s10+$0x0] =	vst v3;
	v4 =	vadd.f32 v6, v4  }
0x42: {  	v12 =	vld [tilespmem:s11+$0xFFFFFFF0];
	v6 =	vadd.f32 v2, v7  }
.Ltmp0:
0x43: {  	v3 =	vld [tilespmem:s13+$0x0];
	[tilespmem:s10+$0x10] =	vst v4;
	(pc) =	sbr.rel @p0 .LBB2_2-.Ltmp0, $4  }
0x44: {  	v5 =	vld [tilespmem:s11+$0x0];
	v7 =	vadd.f32 v10, v9;
	[tilespmem:s10+$0xFFFFFFE0] =	vst v6;
	s10 =	smov.u32 s13  }
0x45: {  	v4 =	vld [tilespmem:s13+$0x10];
	v2 =	vmov v8  }
0x46: {  	v6 =	vld [tilespmem:s11+$0x10];
	[tilespmem:s13+$0x20] =	vst v7  }
0x47: {  	s13 =	sadd.s32 $0x50, s13;
	v7 =	vld [tilespmem:s10+$0xFFFFFFE0];
	v8 =	vadd.f32 v12, v11  }
0x48: {  	_ =	sdelay $0x1  }
0x49: {  	v3 =	vadd.f32 v5, v3  }
0x4a: {  	[tilespmem:s10+$0xFFFFFFF0] =	vst v8;
	v4 =	vadd.f32 v6, v4  }
0x4b: {  	[tilespmem:s10+$0x0] =	vst v3;
	v2 =	vadd.f32 v2, v7  }
0x4c: {  	[tilespmem:s10+$0x10] =	vst v4  }
0x4d: {  	[tilespmem:s10+$0xFFFFFFE0] =	vst v2  }
0x4e: {  	[tilespmem:s22], [sflag:$0x3] =	stream.linear.gather [hbm4b:s29+s1], $0x2710, $0x38;
	[tilespmem:$0x19880] =	vst v63  }
0x4f: {  	_ =	swait.ge [sflag:s0], $0x2710  }
0x50: {  	[sflag:s0] =	ssyncset.done $0x0  }
0x51: {  	s10 =	simm.s32 $0xFA20;
	[sflag:s0] =	ssyncadd.s32 $0xFFFFD8F0  }
0x52: {  	s11 =	simm.s32 $0x14920;
	v2 =	vld [tilespmem:s10+$0x20]  }
0x53: {  	v3 =	vld [tilespmem:s11+$0x20]  }
0x54: {  	s12 =	simm.s32 $0x170A0;
	v5 =	vld [tilespmem:s10+$0xFFFFFFE0]  }
0x55: {  	v11 =	vld [tilespmem:s12+$0x20]  }
0x56: {  	v6 =	vld [tilespmem:s11+$0xFFFFFFE0]  }
0x57: {  	v9 =	vld [tilespmem:s10+$0xFFFFFFF0]  }
0x58: {  	v10 =	vld [tilespmem:s11+$0xFFFFFFF0];
	v2 =	vadd.f32 v3, v2  }
0x59: {  	v12 =	vld [tilespmem:s10+$0x0]  }
0x5a: {  	v13 =	vld [tilespmem:s11+$0x0];
	v2 =	vmul.f32 v2, v11  }
0x5b: {  	v7 =	vld [tilespmem:s10+$0x10]  }
0x5c: {  	v8 =	vld [tilespmem:s11+$0x10];
	v3 =	vadd.f32 v2, v1  }
0x5d: {  	v2 =	vld [tilespmem:s12+$0xFFFFFFF0]  }
0x5e: {  	v4 =	vld [tilespmem:s12+$0x0];
	v6 =	vadd.f32 v6, v5;
	v5 =	vmax.f32 v3, $0.0e+00  }
0x5f: {  	v3 =	vld [tilespmem:s12+$0x10];
	v11 =	vmul.f32 v5, v11  }
0x60: {  	s13 =	simm.s32 $0x0;
	s14 =	simm.s32 $0xFA70;
	v9 =	vadd.f32 v10, v9;
	v10 =	vadd.f32 v13, v12;
	v5 =	vld [tilespmem:s12+$0xFFFFFFE0]  }
.LBB2_4:
0x61: {  	v12 =	vld [tilespmem:s14+$0x20];
	v7 =	vadd.f32 v8, v7;
	[tilespmem:s10+$0x20] =	vst v11;
	s11 =	sadd.s32 $0x50, s11  }
0x62: {  	s13 =	sadd.s32 $0x5, s13;
	v8 =	vld [tilespmem:s11+$0x20];
	v9 =	vmul.f32 v9, v2  }
0x63: {  	s12 =	sadd.s32 $0x50, s12;
	p0 =	slt.u32 s13, $0x26C;
	v11 =	vld [tilespmem:s14+$0xFFFFFFE0];
	v10 =	vmul.f32 v10, v4  }
0x64: {  	v13 =	vld [tilespmem:s12+$0x20];
	v9 =	vadd.f32 v9, v1;
	v7 =	vmul.f32 v7, v3  }
0x65: {  	v14 =	vld [tilespmem:s11+$0xFFFFFFE0];
	v6 =	vmul.f32 v6, v5;
	v10 =	vadd.f32 v10, v1  }
0x66: {  	v15 =	vld [tilespmem:s14+$0xFFFFFFF0];
	v9 =	vmax.f32 v9, $0.0e+00;
	v7 =	vadd.f32 v7, v1  }
0x67: {  	v16 =	vld [tilespmem:s11+$0xFFFFFFF0];
	v8 =	vadd.f32 v8, v12;
	v6 =	vadd.f32 v6, v1;
	v10 =	vmax.f32 v10, $0.0e+00  }
0x68: {  	v2 =	vmul.f32 v9, v2;
	v12 =	vld [tilespmem:s14+$0x0];
	v4 =	vmul.f32 v10, v4;
	v7 =	vmax.f32 v7, $0.0e+00  }
0x69: {  	v10 =	vld [tilespmem:s11+$0x0];
	v9 =	vmul.f32 v8, v13;
	v8 =	vmax.f32 v6, $0.0e+00;
	v3 =	vmul.f32 v7, v3  }
0x6a: {  	v6 =	vadd.f32 v14, v11;
	v7 =	vld [tilespmem:s14+$0x10];
	v5 =	vmul.f32 v8, v5;
	[tilespmem:s10+$0xFFFFFFF0] =	vst v2  }
.Ltmp1:
0x6b: {  	v8 =	vld [tilespmem:s11+$0x10];
	v11 =	vadd.f32 v9, v1;
	[tilespmem:s10+$0x0] =	vst v4;
	(pc) =	sbr.rel @p0 .LBB2_4-.Ltmp1, $4  }
0x6c: {  	v2 =	vld [tilespmem:s12+$0xFFFFFFF0];
	v9 =	vadd.f32 v16, v15;
	[tilespmem:s10+$0xFFFFFFE0] =	vst v5  }
0x6d: {  	v4 =	vld [tilespmem:s12+$0x0];
	v5 =	vmax.f32 v11, $0.0e+00;
	[tilespmem:s10+$0x10] =	vst v3;
	s10 =	smov.u32 s14  }
0x6e: {  	v10 =	vadd.f32 v10, v12;
	v3 =	vld [tilespmem:s12+$0x10];
	v11 =	vmul.f32 v5, v13  }
0x6f: {  	s14 =	sadd.s32 $0x50, s14;
	v5 =	vld [tilespmem:s12+$0xFFFFFFE0]  }
0x70: {  	_ =	sdelay $0x1  }
0x71: {  	v9 =	vmul.f32 v9, v2  }
0x72: {  	v7 =	vadd.f32 v8, v7;
	v8 =	vmul.f32 v10, v4  }
0x73: {  	v9 =	vadd.f32 v9, v1;
	v6 =	vmul.f32 v6, v5  }
0x74: {  	v7 =	vmul.f32 v7, v3;
	v8 =	vadd.f32 v8, v1  }
0x75: {  	v9 =	vmax.f32 v9, $0.0e+00;
	v6 =	vadd.f32 v6, v1  }
0x76: {  	v1 =	vadd.f32 v7, v1;
	v7 =	vmax.f32 v8, $0.0e+00;
	v2 =	vmul.f32 v9, v2  }
0x77: {  	[tilespmem:s10+$0x20] =	vst v11;
	v4 =	vmul.f32 v7, v4;
	v6 =	vmax.f32 v6, $0.0e+00  }
0x78: {  	v1 =	vmax.f32 v1, $0.0e+00;
	[tilespmem:s10+$0xFFFFFFF0] =	vst v2;
	v5 =	vmul.f32 v6, v5  }
0x79: {  	v1 =	vmul.f32 v1, v3;
	[tilespmem:s10+$0x0] =	vst v4  }
0x7a: {  	[tilespmem:s10+$0xFFFFFFE0] =	vst v5  }
0x7b: {  	[tilespmem:s10+$0x10] =	vst v1  }
0x7c: {  	s10 =	rddreg [dreg:$0x4]  }
0x7d: {  	[tilespmem:s1], [sflag:$0x1] =	stream.linear.gather [hbm4b:s10+s1], $0x3E80, $0x38;
	[tilespmem:$0x19880] =	vst v63  }
0x7e: {  	s11 =	rddreg [dreg:$0x5]  }
0x7f: {  	[tilespmem:s4], [sflag:$0x1] =	stream.linear.gather [hbm4b:s11+s1], $0x3E80, $0x38;
	[tilespmem:$0x19880] =	vst v63  }
0x80: {  	_ =	swait.ge [sflag:s5], $0x3E80  }
0x81: {  	[sflag:s5] =	ssyncset.done $0x0  }
0x82: {  	[sflag:s5] =	ssyncadd.s32 $0xFFFFC180  }
0x83: {  	_ =	swait.ge [sflag:s5], $0x3E80  }
0x84: {  	[sflag:s5] =	ssyncset.done $0x0  }
0x85: {  	s12 =	rddreg [dreg:$0x6];
	[sflag:s5] =	ssyncadd.s32 $0xFFFFC180  }
0x86: {  	[tilespmem:s6], [sflag:$0x2] =	stream.linear.gather [hbm4b:s12+s1], $0x3E80, $0x38;
	[tilespmem:$0x19880] =	vst v63  }
0x87: {  	s14 =	simm.s32 $0x20;
	s13 =	rddreg [dreg:$0x7]  }
0x88: {  	[tilespmem:s7], [sflag:$0x2] =	stream.linear.gather [hbm4b:s13+s1], $0x3E80, $0x38;
	[tilespmem:$0x19880] =	vst v63  }
0x89: {  	v1 =	vld [tilespmem:s14+$0x20]  }
0x8a: {  	v2 =	vld [tilespmem:s14+$0xFFFFFFF0]  }
0x8b: {  	v4 =	vld [tilespmem:s14+$0x0]  }
0x8c: {  	v5 =	vld [tilespmem:s14+$0x10]  }
0x8d: {  	v6 =	vld [tilespmem:s14+$0xFFFFFFE0]  }
0x8e: {  	s10 =	simm.s32 $0x3EA0  }
0x8f: {  	v7 =	vld [tilespmem:s10+$0x20]  }
0x90: {  	v8 =	vld [tilespmem:s10+$0xFFFFFFE0]  }
0x91: {  	v62 =	vld.idx.msk [tilespmem:v1+s17+$0x0], $0xffff  }
0x92: {  	v3 =	vld.idx.msk [tilespmem:v2+s17+$0x0], $0xffff  }
0x93: {  	v1 =	vld.idx.msk [tilespmem:v4+s17+$0x0], $0xffff  }
0x94: {  	v2 =	vld.idx.msk [tilespmem:v5+s17+$0x0], $0xffff  }
0x95: {  	v63 =	vld.idx.msk [tilespmem:v6+s17+$0x0], $0xffff  }
0x96: {  	v6 =	vld [tilespmem:s10+$0x0]  }
0x97: {  	v5 =	vld [tilespmem:s10+$0x10]  }
0x98: {  	v4 =	vld [tilespmem:s10+$0xFFFFFFF0]  }
0x99: {  	[tilespmem:v7+s3+$0x0] =	vst.idx.add.f32.msk $0xffff, v62  }
0x9a: {  	s11 =	simm.s32 $0x0;
	s12 =	simm.s32 $0x70;
	[tilespmem:v8+s3+$0x0] =	vst.idx.add.f32.msk $0xffff, v63  }
.LBB2_6:
0x9b: {  	v7 =	vld [tilespmem:s12+$0x20];
	s11 =	sadd.s32 $0x5, s11;
	v8 =	vmov v6  }
0x9c: {  	v6 =	vld [tilespmem:s12+$0xFFFFFFF0];
	p0 =	slt.u32 s11, $0x3E3;
	v9 =	vmov v5  }
0x9d: {  	v5 =	vld [tilespmem:s12+$0x0]  }
0x9e: {  	v10 =	vld [tilespmem:s12+$0x10]  }
0x9f: {  	v11 =	vld [tilespmem:s12+$0xFFFFFFE0]  }
0xa0: {  	s10 =	sadd.s32 $0x50, s10;
	[tilespmem:v4+s3+$0x0] =	vst.idx.add.f32.msk $0xffff, v3  }
0xa1: {  	v12 =	vld [tilespmem:s10+$0x20]  }
0xa2: {  	v13 =	vld [tilespmem:s10+$0xFFFFFFE0]  }
0xa3: {  	v7 =	vld.idx.msk [tilespmem:v7+s17+$0x0], $0xffff  }
0xa4: {  	v3 =	vld.idx.msk [tilespmem:v6+s17+$0x0], $0xffff  }
0xa5: {  	v14 =	vld.idx.msk [tilespmem:v5+s17+$0x0], $0xffff  }
0xa6: {  	v10 =	vld.idx.msk [tilespmem:v10+s17+$0x0], $0xffff  }
0xa7: {  	v11 =	vld.idx.msk [tilespmem:v11+s17+$0x0], $0xffff  }
0xa8: {  	v4 =	vld [tilespmem:s10+$0xFFFFFFF0]  }
0xa9: {  	[tilespmem:v12+s3+$0x0] =	vst.idx.add.f32.msk $0xffff, v7  }
.Ltmp2:
0xaa: {  	v6 =	vld [tilespmem:s10+$0x0];
	(pc) =	sbr.rel @p0 .LBB2_6-.Ltmp2, $4  }
0xab: {  	v5 =	vld [tilespmem:s10+$0x10]  }
0xac: {  	[tilespmem:v8+s3+$0x0] =	vst.idx.add.f32.msk $0xffff, v1;
	v1 =	vmov v14  }
0xad: {  	[tilespmem:v13+s3+$0x0] =	vst.idx.add.f32.msk $0xffff, v11  }
0xae: {  	s12 =	sadd.s32 $0x50, s12;
	[tilespmem:v9+s3+$0x0] =	vst.idx.add.f32.msk $0xffff, v2;
	v2 =	vmov v10  }
0xaf: {  	_ =	sdelay $0x3  }
0xb0: {  	[tilespmem:v4+s3+$0x0] =	vst.idx.add.f32.msk $0xffff, v3  }
0xb1: {  	[tilespmem:v6+s3+$0x0] =	vst.idx.add.f32.msk $0xffff, v1  }
0xb2: {  	[tilespmem:v5+s3+$0x0] =	vst.idx.add.f32.msk $0xffff, v2  }
0xb3: {  	_ =	swait.ge [sflag:s8], $0x3E80  }
0xb4: {  	[sflag:s8] =	ssyncset.done $0x0  }
0xb5: {  	[sflag:s8] =	ssyncadd.s32 $0xFFFFC180  }
0xb6: {  	_ =	swait.ge [sflag:s8], $0x3E80  }
0xb7: {  	[sflag:s8] =	ssyncset.done $0x0  }
0xb8: {  	s10 =	rddreg [dreg:$0x8];
	[sflag:s8] =	ssyncadd.s32 $0xFFFFC180  }
0xb9: {  	[tilespmem:s1], [sflag:$0x1] =	stream.linear.gather [hbm4b:s10+s1], $0x3E80, $0x38;
	[tilespmem:$0x19880] =	vst v63  }
0xba: {  	s14 =	simm.s32 $0x7D20;
	s13 =	rddreg [dreg:$0x9]  }
0xbb: {  	[tilespmem:s4], [sflag:$0x1] =	stream.linear.gather [hbm4b:s13+s1], $0x3E80, $0x38;
	[tilespmem:$0x19880] =	vst v63  }
0xbc: {  	v1 =	vld [tilespmem:s14+$0x20]  }
0xbd: {  	v2 =	vld [tilespmem:s14+$0xFFFFFFF0]  }
0xbe: {  	v4 =	vld [tilespmem:s14+$0x0]  }
0xbf: {  	v5 =	vld [tilespmem:s14+$0x10]  }
0xc0: {  	v6 =	vld [tilespmem:s14+$0xFFFFFFE0]  }
0xc1: {  	s10 =	simm.s32 $0xBBA0  }
0xc2: {  	v7 =	vld [tilespmem:s10+$0x20]  }
0xc3: {  	v8 =	vld [tilespmem:s10+$0xFFFFFFE0]  }
0xc4: {  	v9 =	vld.idx.msk [tilespmem:v1+s17+$0x0], $0xffff  }
0xc5: {  	v3 =	vld.idx.msk [tilespmem:v2+s17+$0x0], $0xffff  }
0xc6: {  	v1 =	vld.idx.msk [tilespmem:v4+s17+$0x0], $0xffff  }
0xc7: {  	v2 =	vld.idx.msk [tilespmem:v5+s17+$0x0], $0xffff  }
0xc8: {  	v10 =	vld.idx.msk [tilespmem:v6+s17+$0x0], $0xffff  }
0xc9: {  	v6 =	vld [tilespmem:s10+$0x0]  }
0xca: {  	v5 =	vld [tilespmem:s10+$0x10]  }
0xcb: {  	v4 =	vld [tilespmem:s10+$0xFFFFFFF0]  }
0xcc: {  	[tilespmem:v7+s3+$0x0] =	vst.idx.add.f32.msk $0xffff, v9  }
0xcd: {  	s11 =	simm.s32 $0x0;
	s12 =	simm.s32 $0x7D70;
	[tilespmem:v8+s3+$0x0] =	vst.idx.add.f32.msk $0xffff, v10  }
.LBB2_8:
0xce: {  	v7 =	vld [tilespmem:s12+$0x20];
	s11 =	sadd.s32 $0x5, s11;
	v8 =	vmov v6  }
0xcf: {  	v6 =	vld [tilespmem:s12+$0xFFFFFFF0];
	p0 =	slt.u32 s11, $0x3E3;
	v9 =	vmov v5  }
0xd0: {  	v5 =	vld [tilespmem:s12+$0x0]  }
0xd1: {  	v10 =	vld [tilespmem:s12+$0x10]  }
0xd2: {  	v11 =	vld [tilespmem:s12+$0xFFFFFFE0]  }
0xd3: {  	s10 =	sadd.s32 $0x50, s10;
	[tilespmem:v4+s3+$0x0] =	vst.idx.add.f32.msk $0xffff, v3  }
0xd4: {  	v12 =	vld [tilespmem:s10+$0x20]  }
0xd5: {  	v13 =	vld [tilespmem:s10+$0xFFFFFFE0]  }
0xd6: {  	v7 =	vld.idx.msk [tilespmem:v7+s17+$0x0], $0xffff  }
0xd7: {  	v3 =	vld.idx.msk [tilespmem:v6+s17+$0x0], $0xffff  }
0xd8: {  	v14 =	vld.idx.msk [tilespmem:v5+s17+$0x0], $0xffff  }
0xd9: {  	v10 =	vld.idx.msk [tilespmem:v10+s17+$0x0], $0xffff  }
0xda: {  	v11 =	vld.idx.msk [tilespmem:v11+s17+$0x0], $0xffff  }
0xdb: {  	v4 =	vld [tilespmem:s10+$0xFFFFFFF0]  }
0xdc: {  	[tilespmem:v12+s3+$0x0] =	vst.idx.add.f32.msk $0xffff, v7  }
.Ltmp3:
0xdd: {  	v6 =	vld [tilespmem:s10+$0x0];
	(pc) =	sbr.rel @p0 .LBB2_8-.Ltmp3, $4  }
0xde: {  	v5 =	vld [tilespmem:s10+$0x10]  }
0xdf: {  	[tilespmem:v8+s3+$0x0] =	vst.idx.add.f32.msk $0xffff, v1;
	v1 =	vmov v14  }
0xe0: {  	[tilespmem:v13+s3+$0x0] =	vst.idx.add.f32.msk $0xffff, v11  }
0xe1: {  	s12 =	sadd.s32 $0x50, s12;
	[tilespmem:v9+s3+$0x0] =	vst.idx.add.f32.msk $0xffff, v2;
	v2 =	vmov v10  }
0xe2: {  	_ =	sdelay $0x3  }
0xe3: {  	[tilespmem:v4+s3+$0x0] =	vst.idx.add.f32.msk $0xffff, v3  }
0xe4: {  	[tilespmem:v6+s3+$0x0] =	vst.idx.add.f32.msk $0xffff, v1  }
0xe5: {  	[tilespmem:v5+s3+$0x0] =	vst.idx.add.f32.msk $0xffff, v2  }
0xe6: {  	_ =	swait.ge [sflag:s5], $0x3E80  }
0xe7: {  	[sflag:s5] =	ssyncset.done $0x0  }
0xe8: {  	[sflag:s5] =	ssyncadd.s32 $0xFFFFC180  }
0xe9: {  	_ =	swait.ge [sflag:s5], $0x3E80  }
0xea: {  	[sflag:s5] =	ssyncset.done $0x0  }
0xeb: {  	s10 =	rddreg [dreg:$0xa];
	[sflag:s5] =	ssyncadd.s32 $0xFFFFC180  }
0xec: {  	[tilespmem:s6], [sflag:$0x2] =	stream.linear.gather [hbm4b:s10+s1], $0x3E80, $0x38;
	[tilespmem:$0x19880] =	vst v63  }
0xed: {  	s14 =	simm.s32 $0x20;
	s13 =	rddreg [dreg:$0xb]  }
0xee: {  	[tilespmem:s7], [sflag:$0x2] =	stream.linear.gather [hbm4b:s13+s1], $0x3E80, $0x38;
	[tilespmem:$0x19880] =	vst v63  }
0xef: {  	v1 =	vld [tilespmem:s14+$0x20]  }
0xf0: {  	v2 =	vld [tilespmem:s14+$0xFFFFFFF0]  }
0xf1: {  	v4 =	vld [tilespmem:s14+$0x0]  }
0xf2: {  	v5 =	vld [tilespmem:s14+$0x10]  }
0xf3: {  	v6 =	vld [tilespmem:s14+$0xFFFFFFE0]  }
0xf4: {  	s10 =	simm.s32 $0x3EA0  }
0xf5: {  	v7 =	vld [tilespmem:s10+$0x20]  }
0xf6: {  	v8 =	vld [tilespmem:s10+$0xFFFFFFE0]  }
0xf7: {  	v9 =	vld.idx.msk [tilespmem:v1+s17+$0x0], $0xffff  }
0xf8: {  	v3 =	vld.idx.msk [tilespmem:v2+s17+$0x0], $0xffff  }
0xf9: {  	v1 =	vld.idx.msk [tilespmem:v4+s17+$0x0], $0xffff  }
0xfa: {  	v2 =	vld.idx.msk [tilespmem:v5+s17+$0x0], $0xffff  }
0xfb: {  	v10 =	vld.idx.msk [tilespmem:v6+s17+$0x0], $0xffff  }
0xfc: {  	v6 =	vld [tilespmem:s10+$0x0]  }
0xfd: {  	v5 =	vld [tilespmem:s10+$0x10]  }
0xfe: {  	v4 =	vld [tilespmem:s10+$0xFFFFFFF0]  }
0xff: {  	[tilespmem:v7+s3+$0x0] =	vst.idx.add.f32.msk $0xffff, v9  }
0x100: {  	s11 =	simm.s32 $0x0;
	s12 =	simm.s32 $0x70;
	[tilespmem:v8+s3+$0x0] =	vst.idx.add.f32.msk $0xffff, v10  }
.LBB2_10:
0x101: {  	v7 =	vld [tilespmem:s12+$0x20];
	s11 =	sadd.s32 $0x5, s11;
	v8 =	vmov v6  }
0x102: {  	v6 =	vld [tilespmem:s12+$0xFFFFFFF0];
	p0 =	slt.u32 s11, $0x3E3;
	v9 =	vmov v5  }
0x103: {  	v5 =	vld [tilespmem:s12+$0x0]  }
0x104: {  	v10 =	vld [tilespmem:s12+$0x10]  }
0x105: {  	v11 =	vld [tilespmem:s12+$0xFFFFFFE0]  }
0x106: {  	s10 =	sadd.s32 $0x50, s10;
	[tilespmem:v4+s3+$0x0] =	vst.idx.add.f32.msk $0xffff, v3  }
0x107: {  	v12 =	vld [tilespmem:s10+$0x20]  }
0x108: {  	v13 =	vld [tilespmem:s10+$0xFFFFFFE0]  }
0x109: {  	v7 =	vld.idx.msk [tilespmem:v7+s17+$0x0], $0xffff  }
0x10a: {  	v3 =	vld.idx.msk [tilespmem:v6+s17+$0x0], $0xffff  }
0x10b: {  	v14 =	vld.idx.msk [tilespmem:v5+s17+$0x0], $0xffff  }
0x10c: {  	v10 =	vld.idx.msk [tilespmem:v10+s17+$0x0], $0xffff  }
0x10d: {  	v11 =	vld.idx.msk [tilespmem:v11+s17+$0x0], $0xffff  }
0x10e: {  	v4 =	vld [tilespmem:s10+$0xFFFFFFF0]  }
0x10f: {  	[tilespmem:v12+s3+$0x0] =	vst.idx.add.f32.msk $0xffff, v7  }
.Ltmp4:
0x110: {  	v6 =	vld [tilespmem:s10+$0x0];
	(pc) =	sbr.rel @p0 .LBB2_10-.Ltmp4, $4  }
0x111: {  	v5 =	vld [tilespmem:s10+$0x10]  }
0x112: {  	[tilespmem:v8+s3+$0x0] =	vst.idx.add.f32.msk $0xffff, v1;
	v1 =	vmov v14  }
0x113: {  	[tilespmem:v13+s3+$0x0] =	vst.idx.add.f32.msk $0xffff, v11  }
0x114: {  	s12 =	sadd.s32 $0x50, s12;
	[tilespmem:v9+s3+$0x0] =	vst.idx.add.f32.msk $0xffff, v2;
	v2 =	vmov v10  }
0x115: {  	_ =	sdelay $0x3  }
0x116: {  	[tilespmem:v4+s3+$0x0] =	vst.idx.add.f32.msk $0xffff, v3  }
0x117: {  	[tilespmem:v6+s3+$0x0] =	vst.idx.add.f32.msk $0xffff, v1  }
0x118: {  	[tilespmem:v5+s3+$0x0] =	vst.idx.add.f32.msk $0xffff, v2  }
0x119: {  	_ =	swait.ge [sflag:s8], $0x3E80  }
0x11a: {  	[sflag:s8] =	ssyncset.done $0x0  }
0x11b: {  	[sflag:s8] =	ssyncadd.s32 $0xFFFFC180  }
0x11c: {  	_ =	swait.ge [sflag:s8], $0x3E80  }
0x11d: {  	[sflag:s8] =	ssyncset.done $0x0  }
0x11e: {  	s10 =	rddreg [dreg:$0xc];
	[sflag:s8] =	ssyncadd.s32 $0xFFFFC180  }
0x11f: {  	[tilespmem:s1], [sflag:$0x1] =	stream.linear.gather [hbm4b:s10+s1], $0x3E80, $0x38;
	[tilespmem:$0x19880] =	vst v63  }
0x120: {  	s14 =	simm.s32 $0x7D20;
	s13 =	rddreg [dreg:$0xd]  }
0x121: {  	[tilespmem:s4], [sflag:$0x1] =	stream.linear.gather [hbm4b:s13+s1], $0x3E80, $0x38;
	[tilespmem:$0x19880] =	vst v63  }
0x122: {  	v1 =	vld [tilespmem:s14+$0x20]  }
0x123: {  	v2 =	vld [tilespmem:s14+$0xFFFFFFF0]  }
0x124: {  	v4 =	vld [tilespmem:s14+$0x0]  }
0x125: {  	v5 =	vld [tilespmem:s14+$0x10]  }
0x126: {  	v6 =	vld [tilespmem:s14+$0xFFFFFFE0]  }
0x127: {  	s10 =	simm.s32 $0xBBA0  }
0x128: {  	v7 =	vld [tilespmem:s10+$0x20]  }
0x129: {  	v8 =	vld [tilespmem:s10+$0xFFFFFFE0]  }
0x12a: {  	v9 =	vld.idx.msk [tilespmem:v1+s17+$0x0], $0xffff  }
0x12b: {  	v3 =	vld.idx.msk [tilespmem:v2+s17+$0x0], $0xffff  }
0x12c: {  	v1 =	vld.idx.msk [tilespmem:v4+s17+$0x0], $0xffff  }
0x12d: {  	v2 =	vld.idx.msk [tilespmem:v5+s17+$0x0], $0xffff  }
0x12e: {  	v10 =	vld.idx.msk [tilespmem:v6+s17+$0x0], $0xffff  }
0x12f: {  	v6 =	vld [tilespmem:s10+$0x0]  }
0x130: {  	v5 =	vld [tilespmem:s10+$0x10]  }
0x131: {  	v4 =	vld [tilespmem:s10+$0xFFFFFFF0]  }
0x132: {  	[tilespmem:v7+s3+$0x0] =	vst.idx.add.f32.msk $0xffff, v9  }
0x133: {  	s11 =	simm.s32 $0x0;
	s12 =	simm.s32 $0x7D70;
	[tilespmem:v8+s3+$0x0] =	vst.idx.add.f32.msk $0xffff, v10  }
.LBB2_12:
0x134: {  	v7 =	vld [tilespmem:s12+$0x20];
	s11 =	sadd.s32 $0x5, s11;
	v8 =	vmov v6  }
0x135: {  	v6 =	vld [tilespmem:s12+$0xFFFFFFF0];
	p0 =	slt.u32 s11, $0x3E3;
	v9 =	vmov v5  }
0x136: {  	v5 =	vld [tilespmem:s12+$0x0]  }
0x137: {  	v10 =	vld [tilespmem:s12+$0x10]  }
0x138: {  	v11 =	vld [tilespmem:s12+$0xFFFFFFE0]  }
0x139: {  	s10 =	sadd.s32 $0x50, s10;
	[tilespmem:v4+s3+$0x0] =	vst.idx.add.f32.msk $0xffff, v3  }
0x13a: {  	v12 =	vld [tilespmem:s10+$0x20]  }
0x13b: {  	v13 =	vld [tilespmem:s10+$0xFFFFFFE0]  }
0x13c: {  	v7 =	vld.idx.msk [tilespmem:v7+s17+$0x0], $0xffff  }
0x13d: {  	v3 =	vld.idx.msk [tilespmem:v6+s17+$0x0], $0xffff  }
0x13e: {  	v14 =	vld.idx.msk [tilespmem:v5+s17+$0x0], $0xffff  }
0x13f: {  	v10 =	vld.idx.msk [tilespmem:v10+s17+$0x0], $0xffff  }
0x140: {  	v11 =	vld.idx.msk [tilespmem:v11+s17+$0x0], $0xffff  }
0x141: {  	v4 =	vld [tilespmem:s10+$0xFFFFFFF0]  }
0x142: {  	[tilespmem:v12+s3+$0x0] =	vst.idx.add.f32.msk $0xffff, v7  }
.Ltmp5:
0x143: {  	v6 =	vld [tilespmem:s10+$0x0];
	(pc) =	sbr.rel @p0 .LBB2_12-.Ltmp5, $4  }
0x144: {  	v5 =	vld [tilespmem:s10+$0x10]  }
0x145: {  	[tilespmem:v8+s3+$0x0] =	vst.idx.add.f32.msk $0xffff, v1;
	v1 =	vmov v14  }
0x146: {  	[tilespmem:v13+s3+$0x0] =	vst.idx.add.f32.msk $0xffff, v11  }
0x147: {  	s12 =	sadd.s32 $0x50, s12;
	[tilespmem:v9+s3+$0x0] =	vst.idx.add.f32.msk $0xffff, v2;
	v2 =	vmov v10  }
0x148: {  	_ =	sdelay $0x3  }
0x149: {  	[tilespmem:v4+s3+$0x0] =	vst.idx.add.f32.msk $0xffff, v3  }
0x14a: {  	[tilespmem:v6+s3+$0x0] =	vst.idx.add.f32.msk $0xffff, v1  }
0x14b: {  	[tilespmem:v5+s3+$0x0] =	vst.idx.add.f32.msk $0xffff, v2  }
0x14c: {  	_ =	swait.ge [sflag:s5], $0x3E80  }
0x14d: {  	[sflag:s5] =	ssyncset.done $0x0  }
0x14e: {  	[sflag:s5] =	ssyncadd.s32 $0xFFFFC180  }
0x14f: {  	_ =	swait.ge [sflag:s5], $0x3E80  }
0x150: {  	[sflag:s5] =	ssyncset.done $0x0  }
0x151: {  	s10 =	rddreg [dreg:$0xe];
	[sflag:s5] =	ssyncadd.s32 $0xFFFFC180  }
0x152: {  	[tilespmem:s6], [sflag:$0x2] =	stream.linear.gather [hbm4b:s10+s1], $0x3E80, $0x38;
	[tilespmem:$0x19880] =	vst v63  }
0x153: {  	s14 =	simm.s32 $0x20;
	s13 =	rddreg [dreg:$0xf]  }
0x154: {  	[tilespmem:s7], [sflag:$0x2] =	stream.linear.gather [hbm4b:s13+s1], $0x3E80, $0x38;
	[tilespmem:$0x19880] =	vst v63  }
0x155: {  	v1 =	vld [tilespmem:s14+$0x20]  }
0x156: {  	v2 =	vld [tilespmem:s14+$0xFFFFFFF0]  }
0x157: {  	v4 =	vld [tilespmem:s14+$0x0]  }
0x158: {  	v5 =	vld [tilespmem:s14+$0x10]  }
0x159: {  	v6 =	vld [tilespmem:s14+$0xFFFFFFE0]  }
0x15a: {  	s10 =	simm.s32 $0x3EA0  }
0x15b: {  	v7 =	vld [tilespmem:s10+$0x20]  }
0x15c: {  	v8 =	vld [tilespmem:s10+$0xFFFFFFE0]  }
0x15d: {  	v9 =	vld.idx.msk [tilespmem:v1+s17+$0x0], $0xffff  }
0x15e: {  	v3 =	vld.idx.msk [tilespmem:v2+s17+$0x0], $0xffff  }
0x15f: {  	v1 =	vld.idx.msk [tilespmem:v4+s17+$0x0], $0xffff  }
0x160: {  	v2 =	vld.idx.msk [tilespmem:v5+s17+$0x0], $0xffff  }
0x161: {  	v10 =	vld.idx.msk [tilespmem:v6+s17+$0x0], $0xffff  }
0x162: {  	v6 =	vld [tilespmem:s10+$0x0]  }
0x163: {  	v5 =	vld [tilespmem:s10+$0x10]  }
0x164: {  	v4 =	vld [tilespmem:s10+$0xFFFFFFF0]  }
0x165: {  	[tilespmem:v7+s3+$0x0] =	vst.idx.add.f32.msk $0xffff, v9  }
0x166: {  	s11 =	simm.s32 $0x0;
	s12 =	simm.s32 $0x70;
	[tilespmem:v8+s3+$0x0] =	vst.idx.add.f32.msk $0xffff, v10  }
.LBB2_14:
0x167: {  	v7 =	vld [tilespmem:s12+$0x20];
	s11 =	sadd.s32 $0x5, s11;
	v8 =	vmov v6  }
0x168: {  	v6 =	vld [tilespmem:s12+$0xFFFFFFF0];
	p0 =	slt.u32 s11, $0x3E3;
	v9 =	vmov v5  }
0x169: {  	v5 =	vld [tilespmem:s12+$0x0]  }
0x16a: {  	v10 =	vld [tilespmem:s12+$0x10]  }
0x16b: {  	v11 =	vld [tilespmem:s12+$0xFFFFFFE0]  }
0x16c: {  	s10 =	sadd.s32 $0x50, s10;
	[tilespmem:v4+s3+$0x0] =	vst.idx.add.f32.msk $0xffff, v3  }
0x16d: {  	v12 =	vld [tilespmem:s10+$0x20]  }
0x16e: {  	v13 =	vld [tilespmem:s10+$0xFFFFFFE0]  }
0x16f: {  	v7 =	vld.idx.msk [tilespmem:v7+s17+$0x0], $0xffff  }
0x170: {  	v3 =	vld.idx.msk [tilespmem:v6+s17+$0x0], $0xffff  }
0x171: {  	v14 =	vld.idx.msk [tilespmem:v5+s17+$0x0], $0xffff  }
0x172: {  	v10 =	vld.idx.msk [tilespmem:v10+s17+$0x0], $0xffff  }
0x173: {  	v11 =	vld.idx.msk [tilespmem:v11+s17+$0x0], $0xffff  }
0x174: {  	v4 =	vld [tilespmem:s10+$0xFFFFFFF0]  }
0x175: {  	[tilespmem:v12+s3+$0x0] =	vst.idx.add.f32.msk $0xffff, v7  }
.Ltmp6:
0x176: {  	v6 =	vld [tilespmem:s10+$0x0];
	(pc) =	sbr.rel @p0 .LBB2_14-.Ltmp6, $4  }
0x177: {  	v5 =	vld [tilespmem:s10+$0x10]  }
0x178: {  	[tilespmem:v8+s3+$0x0] =	vst.idx.add.f32.msk $0xffff, v1;
	v1 =	vmov v14  }
0x179: {  	[tilespmem:v13+s3+$0x0] =	vst.idx.add.f32.msk $0xffff, v11  }
0x17a: {  	s12 =	sadd.s32 $0x50, s12;
	[tilespmem:v9+s3+$0x0] =	vst.idx.add.f32.msk $0xffff, v2;
	v2 =	vmov v10  }
0x17b: {  	_ =	sdelay $0x3  }
0x17c: {  	[tilespmem:v4+s3+$0x0] =	vst.idx.add.f32.msk $0xffff, v3  }
0x17d: {  	[tilespmem:v6+s3+$0x0] =	vst.idx.add.f32.msk $0xffff, v1  }
0x17e: {  	[tilespmem:v5+s3+$0x0] =	vst.idx.add.f32.msk $0xffff, v2  }
0x17f: {  	_ =	swait.ge [sflag:s8], $0x3E80  }
0x180: {  	[sflag:s8] =	ssyncset.done $0x0  }
0x181: {  	[sflag:s8] =	ssyncadd.s32 $0xFFFFC180  }
0x182: {  	_ =	swait.ge [sflag:s8], $0x3E80  }
0x183: {  	[sflag:s8] =	ssyncset.done $0x0  }
0x184: {  	s10 =	rddreg [dreg:$0x10];
	[sflag:s8] =	ssyncadd.s32 $0xFFFFC180  }
0x185: {  	[tilespmem:s1], [sflag:$0x1] =	stream.linear.gather [hbm4b:s10+s1], $0x3E80, $0x38;
	[tilespmem:$0x19880] =	vst v63  }
0x186: {  	s14 =	simm.s32 $0x7D20  }
0x187: {  	[tilespmem:s4], [sflag:$0x1] =	stream.linear.gather [hbm4b:s15+s1], $0x3E80, $0x38;
	[tilespmem:$0x19880] =	vst v63  }
0x188: {  	v1 =	vld [tilespmem:s14+$0x20]  }
0x189: {  	v2 =	vld [tilespmem:s14+$0xFFFFFFF0]  }
0x18a: {  	v4 =	vld [tilespmem:s14+$0x0]  }
0x18b: {  	v5 =	vld [tilespmem:s14+$0x10]  }
0x18c: {  	v6 =	vld [tilespmem:s14+$0xFFFFFFE0]  }
0x18d: {  	s10 =	simm.s32 $0xBBA0  }
0x18e: {  	v7 =	vld [tilespmem:s10+$0x20]  }
0x18f: {  	v8 =	vld [tilespmem:s10+$0xFFFFFFE0]  }
0x190: {  	v9 =	vld.idx.msk [tilespmem:v1+s17+$0x0], $0xffff  }
0x191: {  	v3 =	vld.idx.msk [tilespmem:v2+s17+$0x0], $0xffff  }
0x192: {  	v1 =	vld.idx.msk [tilespmem:v4+s17+$0x0], $0xffff  }
0x193: {  	v2 =	vld.idx.msk [tilespmem:v5+s17+$0x0], $0xffff  }
0x194: {  	v10 =	vld.idx.msk [tilespmem:v6+s17+$0x0], $0xffff  }
0x195: {  	v6 =	vld [tilespmem:s10+$0x0]  }
0x196: {  	v5 =	vld [tilespmem:s10+$0x10]  }
0x197: {  	v4 =	vld [tilespmem:s10+$0xFFFFFFF0]  }
0x198: {  	[tilespmem:v7+s3+$0x0] =	vst.idx.add.f32.msk $0xffff, v9  }
0x199: {  	s11 =	simm.s32 $0x0;
	s12 =	simm.s32 $0x7D70;
	[tilespmem:v8+s3+$0x0] =	vst.idx.add.f32.msk $0xffff, v10  }
.LBB2_16:
0x19a: {  	v7 =	vld [tilespmem:s12+$0x20];
	s11 =	sadd.s32 $0x5, s11;
	v8 =	vmov v6  }
0x19b: {  	v6 =	vld [tilespmem:s12+$0xFFFFFFF0];
	p0 =	slt.u32 s11, $0x3E3;
	v9 =	vmov v5  }
0x19c: {  	v5 =	vld [tilespmem:s12+$0x0]  }
0x19d: {  	v10 =	vld [tilespmem:s12+$0x10]  }
0x19e: {  	v11 =	vld [tilespmem:s12+$0xFFFFFFE0]  }
0x19f: {  	s10 =	sadd.s32 $0x50, s10;
	[tilespmem:v4+s3+$0x0] =	vst.idx.add.f32.msk $0xffff, v3  }
0x1a0: {  	v12 =	vld [tilespmem:s10+$0x20]  }
0x1a1: {  	v13 =	vld [tilespmem:s10+$0xFFFFFFE0]  }
0x1a2: {  	v7 =	vld.idx.msk [tilespmem:v7+s17+$0x0], $0xffff  }
0x1a3: {  	v3 =	vld.idx.msk [tilespmem:v6+s17+$0x0], $0xffff  }
0x1a4: {  	v14 =	vld.idx.msk [tilespmem:v5+s17+$0x0], $0xffff  }
0x1a5: {  	v10 =	vld.idx.msk [tilespmem:v10+s17+$0x0], $0xffff  }
0x1a6: {  	v11 =	vld.idx.msk [tilespmem:v11+s17+$0x0], $0xffff  }
0x1a7: {  	v4 =	vld [tilespmem:s10+$0xFFFFFFF0]  }
0x1a8: {  	[tilespmem:v12+s3+$0x0] =	vst.idx.add.f32.msk $0xffff, v7  }
.Ltmp7:
0x1a9: {  	v6 =	vld [tilespmem:s10+$0x0];
	(pc) =	sbr.rel @p0 .LBB2_16-.Ltmp7, $4  }
0x1aa: {  	v5 =	vld [tilespmem:s10+$0x10]  }
0x1ab: {  	[tilespmem:v8+s3+$0x0] =	vst.idx.add.f32.msk $0xffff, v1;
	v1 =	vmov v14  }
0x1ac: {  	[tilespmem:v13+s3+$0x0] =	vst.idx.add.f32.msk $0xffff, v11  }
0x1ad: {  	s12 =	sadd.s32 $0x50, s12;
	[tilespmem:v9+s3+$0x0] =	vst.idx.add.f32.msk $0xffff, v2;
	v2 =	vmov v10  }
0x1ae: {  	_ =	sdelay $0x3  }
0x1af: {  	[tilespmem:v4+s3+$0x0] =	vst.idx.add.f32.msk $0xffff, v3  }
0x1b0: {  	[tilespmem:v6+s3+$0x0] =	vst.idx.add.f32.msk $0xffff, v1  }
0x1b1: {  	[tilespmem:v5+s3+$0x0] =	vst.idx.add.f32.msk $0xffff, v2  }
0x1b2: {  	_ =	swait.ge [sflag:s5], $0x3E80  }
0x1b3: {  	[sflag:s5] =	ssyncset.done $0x0  }
0x1b4: {  	[sflag:s5] =	ssyncadd.s32 $0xFFFFC180  }
0x1b5: {  	_ =	swait.ge [sflag:s5], $0x3E80  }
0x1b6: {  	[sflag:s5] =	ssyncset.done $0x0  }
0x1b7: {  	[sflag:s5] =	ssyncadd.s32 $0xFFFFC180  }
0x1b8: {  	[tilespmem:s6], [sflag:$0x2] =	stream.linear.gather [hbm4b:s16+s1], $0x3E80, $0x38;
	[tilespmem:$0x19880] =	vst v63  }
0x1b9: {  	s10 =	simm.s32 $0x20  }
0x1ba: {  	[tilespmem:s7], [sflag:$0x2] =	stream.linear.gather [hbm4b:s18+s1], $0x3E80, $0x38;
	[tilespmem:$0x19880] =	vst v63  }
0x1bb: {  	v1 =	vld [tilespmem:s10+$0x20]  }
0x1bc: {  	v2 =	vld [tilespmem:s10+$0xFFFFFFF0]  }
0x1bd: {  	v4 =	vld [tilespmem:s10+$0x0]  }
0x1be: {  	v5 =	vld [tilespmem:s10+$0x10]  }
0x1bf: {  	v6 =	vld [tilespmem:s10+$0xFFFFFFE0]  }
0x1c0: {  	s10 =	simm.s32 $0x3EA0  }
0x1c1: {  	v7 =	vld [tilespmem:s10+$0x20]  }
0x1c2: {  	v8 =	vld [tilespmem:s10+$0xFFFFFFE0]  }
0x1c3: {  	v9 =	vld.idx.msk [tilespmem:v1+s17+$0x0], $0xffff  }
0x1c4: {  	v3 =	vld.idx.msk [tilespmem:v2+s17+$0x0], $0xffff  }
0x1c5: {  	v1 =	vld.idx.msk [tilespmem:v4+s17+$0x0], $0xffff  }
0x1c6: {  	v2 =	vld.idx.msk [tilespmem:v5+s17+$0x0], $0xffff  }
0x1c7: {  	v10 =	vld.idx.msk [tilespmem:v6+s17+$0x0], $0xffff  }
0x1c8: {  	v6 =	vld [tilespmem:s10+$0x0]  }
0x1c9: {  	v5 =	vld [tilespmem:s10+$0x10]  }
0x1ca: {  	v4 =	vld [tilespmem:s10+$0xFFFFFFF0]  }
0x1cb: {  	[tilespmem:v7+s3+$0x0] =	vst.idx.add.f32.msk $0xffff, v9  }
0x1cc: {  	s11 =	simm.s32 $0x0;
	s12 =	simm.s32 $0x70;
	[tilespmem:v8+s3+$0x0] =	vst.idx.add.f32.msk $0xffff, v10  }
.LBB2_18:
0x1cd: {  	v7 =	vld [tilespmem:s12+$0x20];
	s11 =	sadd.s32 $0x5, s11;
	v8 =	vmov v6  }
0x1ce: {  	v6 =	vld [tilespmem:s12+$0xFFFFFFF0];
	p0 =	slt.u32 s11, $0x3E3;
	v9 =	vmov v5  }
0x1cf: {  	v5 =	vld [tilespmem:s12+$0x0]  }
0x1d0: {  	v10 =	vld [tilespmem:s12+$0x10]  }
0x1d1: {  	v11 =	vld [tilespmem:s12+$0xFFFFFFE0]  }
0x1d2: {  	s10 =	sadd.s32 $0x50, s10;
	[tilespmem:v4+s3+$0x0] =	vst.idx.add.f32.msk $0xffff, v3  }
0x1d3: {  	v12 =	vld [tilespmem:s10+$0x20]  }
0x1d4: {  	v13 =	vld [tilespmem:s10+$0xFFFFFFE0]  }
0x1d5: {  	v7 =	vld.idx.msk [tilespmem:v7+s17+$0x0], $0xffff  }
0x1d6: {  	v3 =	vld.idx.msk [tilespmem:v6+s17+$0x0], $0xffff  }
0x1d7: {  	v14 =	vld.idx.msk [tilespmem:v5+s17+$0x0], $0xffff  }
0x1d8: {  	v10 =	vld.idx.msk [tilespmem:v10+s17+$0x0], $0xffff  }
0x1d9: {  	v11 =	vld.idx.msk [tilespmem:v11+s17+$0x0], $0xffff  }
0x1da: {  	v4 =	vld [tilespmem:s10+$0xFFFFFFF0]  }
0x1db: {  	[tilespmem:v12+s3+$0x0] =	vst.idx.add.f32.msk $0xffff, v7  }
.Ltmp8:
0x1dc: {  	v6 =	vld [tilespmem:s10+$0x0];
	(pc) =	sbr.rel @p0 .LBB2_18-.Ltmp8, $4  }
0x1dd: {  	v5 =	vld [tilespmem:s10+$0x10]  }
0x1de: {  	[tilespmem:v8+s3+$0x0] =	vst.idx.add.f32.msk $0xffff, v1;
	v1 =	vmov v14  }
0x1df: {  	[tilespmem:v13+s3+$0x0] =	vst.idx.add.f32.msk $0xffff, v11  }
0x1e0: {  	s12 =	sadd.s32 $0x50, s12;
	[tilespmem:v9+s3+$0x0] =	vst.idx.add.f32.msk $0xffff, v2;
	v2 =	vmov v10  }
0x1e1: {  	_ =	sdelay $0x3  }
0x1e2: {  	[tilespmem:v4+s3+$0x0] =	vst.idx.add.f32.msk $0xffff, v3  }
0x1e3: {  	[tilespmem:v6+s3+$0x0] =	vst.idx.add.f32.msk $0xffff, v1  }
0x1e4: {  	[tilespmem:v5+s3+$0x0] =	vst.idx.add.f32.msk $0xffff, v2  }
0x1e5: {  	_ =	swait.ge [sflag:s8], $0x3E80  }
0x1e6: {  	[sflag:s8] =	ssyncset.done $0x0  }
0x1e7: {  	[sflag:s8] =	ssyncadd.s32 $0xFFFFC180  }
0x1e8: {  	_ =	swait.ge [sflag:s8], $0x3E80  }
0x1e9: {  	[sflag:s8] =	ssyncset.done $0x0  }
0x1ea: {  	[sflag:s8] =	ssyncadd.s32 $0xFFFFC180  }
0x1eb: {  	[tilespmem:s1], [sflag:$0x1] =	stream.linear.gather [hbm4b:s19+s1], $0x3E80, $0x38;
	[tilespmem:$0x19880] =	vst v63  }
0x1ec: {  	s10 =	simm.s32 $0x7D20  }
0x1ed: {  	[tilespmem:s4], [sflag:$0x1] =	stream.linear.gather [hbm4b:s20+s1], $0x3E80, $0x38;
	[tilespmem:$0x19880] =	vst v63  }
0x1ee: {  	v1 =	vld [tilespmem:s10+$0x20]  }
0x1ef: {  	v2 =	vld [tilespmem:s10+$0xFFFFFFF0]  }
0x1f0: {  	v4 =	vld [tilespmem:s10+$0x0]  }
0x1f1: {  	v5 =	vld [tilespmem:s10+$0x10]  }
0x1f2: {  	v6 =	vld [tilespmem:s10+$0xFFFFFFE0]  }
0x1f3: {  	s10 =	simm.s32 $0xBBA0  }
0x1f4: {  	v7 =	vld [tilespmem:s10+$0x20]  }
0x1f5: {  	v8 =	vld [tilespmem:s10+$0xFFFFFFE0]  }
0x1f6: {  	v9 =	vld.idx.msk [tilespmem:v1+s17+$0x0], $0xffff  }
0x1f7: {  	v3 =	vld.idx.msk [tilespmem:v2+s17+$0x0], $0xffff  }
0x1f8: {  	v1 =	vld.idx.msk [tilespmem:v4+s17+$0x0], $0xffff  }
0x1f9: {  	v2 =	vld.idx.msk [tilespmem:v5+s17+$0x0], $0xffff  }
0x1fa: {  	v10 =	vld.idx.msk [tilespmem:v6+s17+$0x0], $0xffff  }
0x1fb: {  	v6 =	vld [tilespmem:s10+$0x0]  }
0x1fc: {  	v5 =	vld [tilespmem:s10+$0x10]  }
0x1fd: {  	v4 =	vld [tilespmem:s10+$0xFFFFFFF0]  }
0x1fe: {  	[tilespmem:v7+s3+$0x0] =	vst.idx.add.f32.msk $0xffff, v9  }
0x1ff: {  	s11 =	simm.s32 $0x0;
	s12 =	simm.s32 $0x7D70;
	[tilespmem:v8+s3+$0x0] =	vst.idx.add.f32.msk $0xffff, v10  }
.LBB2_20:
0x200: {  	v7 =	vld [tilespmem:s12+$0x20];
	s11 =	sadd.s32 $0x5, s11;
	v8 =	vmov v6  }
0x201: {  	v6 =	vld [tilespmem:s12+$0xFFFFFFF0];
	p0 =	slt.u32 s11, $0x3E3;
	v9 =	vmov v5  }
0x202: {  	v5 =	vld [tilespmem:s12+$0x0]  }
0x203: {  	v10 =	vld [tilespmem:s12+$0x10]  }
0x204: {  	v11 =	vld [tilespmem:s12+$0xFFFFFFE0]  }
0x205: {  	s10 =	sadd.s32 $0x50, s10;
	[tilespmem:v4+s3+$0x0] =	vst.idx.add.f32.msk $0xffff, v3  }
0x206: {  	v12 =	vld [tilespmem:s10+$0x20]  }
0x207: {  	v13 =	vld [tilespmem:s10+$0xFFFFFFE0]  }
0x208: {  	v7 =	vld.idx.msk [tilespmem:v7+s17+$0x0], $0xffff  }
0x209: {  	v3 =	vld.idx.msk [tilespmem:v6+s17+$0x0], $0xffff  }
0x20a: {  	v14 =	vld.idx.msk [tilespmem:v5+s17+$0x0], $0xffff  }
0x20b: {  	v10 =	vld.idx.msk [tilespmem:v10+s17+$0x0], $0xffff  }
0x20c: {  	v11 =	vld.idx.msk [tilespmem:v11+s17+$0x0], $0xffff  }
0x20d: {  	v4 =	vld [tilespmem:s10+$0xFFFFFFF0]  }
0x20e: {  	[tilespmem:v12+s3+$0x0] =	vst.idx.add.f32.msk $0xffff, v7  }
.Ltmp9:
0x20f: {  	v6 =	vld [tilespmem:s10+$0x0];
	(pc) =	sbr.rel @p0 .LBB2_20-.Ltmp9, $4  }
0x210: {  	v5 =	vld [tilespmem:s10+$0x10]  }
0x211: {  	[tilespmem:v8+s3+$0x0] =	vst.idx.add.f32.msk $0xffff, v1;
	v1 =	vmov v14  }
0x212: {  	[tilespmem:v13+s3+$0x0] =	vst.idx.add.f32.msk $0xffff, v11  }
0x213: {  	s12 =	sadd.s32 $0x50, s12;
	[tilespmem:v9+s3+$0x0] =	vst.idx.add.f32.msk $0xffff, v2;
	v2 =	vmov v10  }
0x214: {  	_ =	sdelay $0x3  }
0x215: {  	[tilespmem:v4+s3+$0x0] =	vst.idx.add.f32.msk $0xffff, v3  }
0x216: {  	[tilespmem:v6+s3+$0x0] =	vst.idx.add.f32.msk $0xffff, v1  }
0x217: {  	[tilespmem:v5+s3+$0x0] =	vst.idx.add.f32.msk $0xffff, v2  }
0x218: {  	_ =	swait.ge [sflag:s5], $0x3E80  }
0x219: {  	[sflag:s5] =	ssyncset.done $0x0  }
0x21a: {  	[sflag:s5] =	ssyncadd.s32 $0xFFFFC180  }
0x21b: {  	_ =	swait.ge [sflag:s5], $0x3E80  }
0x21c: {  	[sflag:s5] =	ssyncset.done $0x0  }
0x21d: {  	[sflag:s5] =	ssyncadd.s32 $0xFFFFC180  }
0x21e: {  	[tilespmem:s6], [sflag:$0x2] =	stream.linear.gather [hbm4b:s21+s1], $0x3E80, $0x38;
	[tilespmem:$0x19880] =	vst v63  }
0x21f: {  	s10 =	simm.s32 $0x20  }
0x220: {  	[tilespmem:s7], [sflag:$0x2] =	stream.linear.gather [hbm4b:s23+s1], $0x3E80, $0x38;
	[tilespmem:$0x19880] =	vst v63  }
0x221: {  	v1 =	vld [tilespmem:s10+$0x20]  }
0x222: {  	v2 =	vld [tilespmem:s10+$0xFFFFFFF0]  }
0x223: {  	v4 =	vld [tilespmem:s10+$0x0]  }
0x224: {  	v5 =	vld [tilespmem:s10+$0x10]  }
0x225: {  	v6 =	vld [tilespmem:s10+$0xFFFFFFE0]  }
0x226: {  	s10 =	simm.s32 $0x3EA0  }
0x227: {  	v7 =	vld [tilespmem:s10+$0x20]  }
0x228: {  	v8 =	vld [tilespmem:s10+$0xFFFFFFE0]  }
0x229: {  	v9 =	vld.idx.msk [tilespmem:v1+s17+$0x0], $0xffff  }
0x22a: {  	v3 =	vld.idx.msk [tilespmem:v2+s17+$0x0], $0xffff  }
0x22b: {  	v1 =	vld.idx.msk [tilespmem:v4+s17+$0x0], $0xffff  }
0x22c: {  	v2 =	vld.idx.msk [tilespmem:v5+s17+$0x0], $0xffff  }
0x22d: {  	v10 =	vld.idx.msk [tilespmem:v6+s17+$0x0], $0xffff  }
0x22e: {  	v6 =	vld [tilespmem:s10+$0x0]  }
0x22f: {  	v5 =	vld [tilespmem:s10+$0x10]  }
0x230: {  	v4 =	vld [tilespmem:s10+$0xFFFFFFF0]  }
0x231: {  	[tilespmem:v7+s3+$0x0] =	vst.idx.add.f32.msk $0xffff, v9  }
0x232: {  	s11 =	simm.s32 $0x0;
	s12 =	simm.s32 $0x70;
	[tilespmem:v8+s3+$0x0] =	vst.idx.add.f32.msk $0xffff, v10  }
.LBB2_22:
0x233: {  	v7 =	vld [tilespmem:s12+$0x20];
	s11 =	sadd.s32 $0x5, s11;
	v8 =	vmov v6  }
0x234: {  	v6 =	vld [tilespmem:s12+$0xFFFFFFF0];
	p0 =	slt.u32 s11, $0x3E3;
	v9 =	vmov v5  }
0x235: {  	v5 =	vld [tilespmem:s12+$0x0]  }
0x236: {  	v10 =	vld [tilespmem:s12+$0x10]  }
0x237: {  	v11 =	vld [tilespmem:s12+$0xFFFFFFE0]  }
0x238: {  	s10 =	sadd.s32 $0x50, s10;
	[tilespmem:v4+s3+$0x0] =	vst.idx.add.f32.msk $0xffff, v3  }
0x239: {  	v12 =	vld [tilespmem:s10+$0x20]  }
0x23a: {  	v13 =	vld [tilespmem:s10+$0xFFFFFFE0]  }
0x23b: {  	v7 =	vld.idx.msk [tilespmem:v7+s17+$0x0], $0xffff  }
0x23c: {  	v3 =	vld.idx.msk [tilespmem:v6+s17+$0x0], $0xffff  }
0x23d: {  	v14 =	vld.idx.msk [tilespmem:v5+s17+$0x0], $0xffff  }
0x23e: {  	v10 =	vld.idx.msk [tilespmem:v10+s17+$0x0], $0xffff  }
0x23f: {  	v11 =	vld.idx.msk [tilespmem:v11+s17+$0x0], $0xffff  }
0x240: {  	v4 =	vld [tilespmem:s10+$0xFFFFFFF0]  }
0x241: {  	[tilespmem:v12+s3+$0x0] =	vst.idx.add.f32.msk $0xffff, v7  }
.Ltmp10:
0x242: {  	v6 =	vld [tilespmem:s10+$0x0];
	(pc) =	sbr.rel @p0 .LBB2_22-.Ltmp10, $4  }
0x243: {  	v5 =	vld [tilespmem:s10+$0x10]  }
0x244: {  	[tilespmem:v8+s3+$0x0] =	vst.idx.add.f32.msk $0xffff, v1;
	v1 =	vmov v14  }
0x245: {  	[tilespmem:v13+s3+$0x0] =	vst.idx.add.f32.msk $0xffff, v11  }
0x246: {  	s12 =	sadd.s32 $0x50, s12;
	[tilespmem:v9+s3+$0x0] =	vst.idx.add.f32.msk $0xffff, v2;
	v2 =	vmov v10  }
0x247: {  	_ =	sdelay $0x3  }
0x248: {  	[tilespmem:v4+s3+$0x0] =	vst.idx.add.f32.msk $0xffff, v3  }
0x249: {  	[tilespmem:v6+s3+$0x0] =	vst.idx.add.f32.msk $0xffff, v1  }
0x24a: {  	[tilespmem:v5+s3+$0x0] =	vst.idx.add.f32.msk $0xffff, v2  }
0x24b: {  	_ =	swait.ge [sflag:s8], $0x3E80  }
0x24c: {  	[sflag:s8] =	ssyncset.done $0x0  }
0x24d: {  	[sflag:s8] =	ssyncadd.s32 $0xFFFFC180  }
0x24e: {  	_ =	swait.ge [sflag:s8], $0x3E80  }
0x24f: {  	[sflag:s8] =	ssyncset.done $0x0  }
0x250: {  	s10 =	simm.s32 $0x7D20;
	[sflag:s8] =	ssyncadd.s32 $0xFFFFC180  }
0x251: {  	v1 =	vld [tilespmem:s10+$0x20]  }
0x252: {  	v2 =	vld [tilespmem:s10+$0xFFFFFFF0]  }
0x253: {  	v4 =	vld [tilespmem:s10+$0x0]  }
0x254: {  	v5 =	vld [tilespmem:s10+$0x10]  }
0x255: {  	v6 =	vld [tilespmem:s10+$0xFFFFFFE0]  }
0x256: {  	s10 =	simm.s32 $0xBBA0  }
0x257: {  	v7 =	vld [tilespmem:s10+$0x20]  }
0x258: {  	v8 =	vld [tilespmem:s10+$0xFFFFFFE0]  }
0x259: {  	v9 =	vld.idx.msk [tilespmem:v1+s17+$0x0], $0xffff  }
0x25a: {  	v3 =	vld.idx.msk [tilespmem:v2+s17+$0x0], $0xffff  }
0x25b: {  	v1 =	vld.idx.msk [tilespmem:v4+s17+$0x0], $0xffff  }
0x25c: {  	v2 =	vld.idx.msk [tilespmem:v5+s17+$0x0], $0xffff  }
0x25d: {  	v10 =	vld.idx.msk [tilespmem:v6+s17+$0x0], $0xffff  }
0x25e: {  	v6 =	vld [tilespmem:s10+$0x0]  }
0x25f: {  	v5 =	vld [tilespmem:s10+$0x10]  }
0x260: {  	v4 =	vld [tilespmem:s10+$0xFFFFFFF0]  }
0x261: {  	[tilespmem:v7+s3+$0x0] =	vst.idx.add.f32.msk $0xffff, v9  }
0x262: {  	s11 =	simm.s32 $0x0;
	s12 =	simm.s32 $0x7D70;
	[tilespmem:v8+s3+$0x0] =	vst.idx.add.f32.msk $0xffff, v10  }
.LBB2_24:
0x263: {  	v7 =	vld [tilespmem:s12+$0x20];
	s11 =	sadd.s32 $0x5, s11;
	v8 =	vmov v6  }
0x264: {  	v6 =	vld [tilespmem:s12+$0xFFFFFFF0];
	p0 =	slt.u32 s11, $0x3E3;
	v9 =	vmov v5  }
0x265: {  	v5 =	vld [tilespmem:s12+$0x0]  }
0x266: {  	v10 =	vld [tilespmem:s12+$0x10]  }
0x267: {  	v11 =	vld [tilespmem:s12+$0xFFFFFFE0]  }
0x268: {  	s10 =	sadd.s32 $0x50, s10;
	[tilespmem:v4+s3+$0x0] =	vst.idx.add.f32.msk $0xffff, v3  }
0x269: {  	v12 =	vld [tilespmem:s10+$0x20]  }
0x26a: {  	v13 =	vld [tilespmem:s10+$0xFFFFFFE0]  }
0x26b: {  	v7 =	vld.idx.msk [tilespmem:v7+s17+$0x0], $0xffff  }
0x26c: {  	v3 =	vld.idx.msk [tilespmem:v6+s17+$0x0], $0xffff  }
0x26d: {  	v14 =	vld.idx.msk [tilespmem:v5+s17+$0x0], $0xffff  }
0x26e: {  	v10 =	vld.idx.msk [tilespmem:v10+s17+$0x0], $0xffff  }
0x26f: {  	v11 =	vld.idx.msk [tilespmem:v11+s17+$0x0], $0xffff  }
0x270: {  	v4 =	vld [tilespmem:s10+$0xFFFFFFF0]  }
0x271: {  	[tilespmem:v12+s3+$0x0] =	vst.idx.add.f32.msk $0xffff, v7  }
.Ltmp11:
0x272: {  	v6 =	vld [tilespmem:s10+$0x0];
	(pc) =	sbr.rel @p0 .LBB2_24-.Ltmp11, $4  }
0x273: {  	v5 =	vld [tilespmem:s10+$0x10]  }
0x274: {  	[tilespmem:v8+s3+$0x0] =	vst.idx.add.f32.msk $0xffff, v1;
	v1 =	vmov v14  }
0x275: {  	[tilespmem:v13+s3+$0x0] =	vst.idx.add.f32.msk $0xffff, v11  }
0x276: {  	s12 =	sadd.s32 $0x50, s12;
	[tilespmem:v9+s3+$0x0] =	vst.idx.add.f32.msk $0xffff, v2;
	v2 =	vmov v10  }
0x277: {  	_ =	sdelay $0x3  }
0x278: {  	[tilespmem:v4+s3+$0x0] =	vst.idx.add.f32.msk $0xffff, v3;
	s9 =	sadd.s32 $0x1, s9  }
0x279: {  	[tilespmem:v6+s3+$0x0] =	vst.idx.add.f32.msk $0xffff, v1;
	p0 =	sne.s32 s9, s31  }
.Ltmp12:
0x27a: {  	[tilespmem:v5+s3+$0x0] =	vst.idx.add.f32.msk $0xffff, v2;
	(pc) =	sbr.rel @p0 .LBB2_1-.Ltmp12, $4  }
0x27b: {  	[hbm4b:s30+s1] =	stream.linear.scatter [tilespmem:s3], [sflag:$0x3], $0x2710, $0x38;
	[tilespmem:$0x19880] =	vst v63  }
0x27c: {  	_ =	swait.ge [sflag:s0], $0x2710  }
0x27d: {  	[sflag:s0] =	ssyncset.done $0x0  }
0x27e: {  	[sflag:s0] =	ssyncadd.s32 $0xFFFFD8F0  }
0x27f: {  	_ =	sfence.sel $0x180000  }
0x280: {  	[bflag:$0x0] =	sbarrier.arrive $0xFFFF  }
0x281: {  	_ =	strace $0x9000004D  }
0x282: {  	s0 =	stileid.u32;
	[bflag:$0x2] =	sbarrier.arrive $0xFFFF  }
0x283: {  	p0 =	sne.s32 s0, $0x0;
	s0 =	rddreg [dreg:$0x3]  }
0x284: {  	s0 =	sadd.s32 @!p0 $0x100000, s0  }
0x285: {  	[sflag:s0] =	ssyncadd.tile.s32 @!p0 $0x1;
	_ =	shalt  }
.Lfunc_end2:
_tile_overlayer_lowered:
.L_overlay_start_2:
0x286: {  	(tag) =	ssettag $0x2  }
0x287: {  	s0 =	rddreg [dreg:$0x0];
	s2 =	stileid.u32  }
0x288: {  	s1 =	rddreg [dreg:$0x1];
	p0 =	sne.s32 s2, $0x0  }
0x289: {  	s3 =	rddreg [dreg:$0x2];
	[bflag:$0x3] =	sbarrier.arrive $0xFFFF;
	s2 =	simm.s32 @!p0 $0x1C03  }
0x28a: {  	[timem:s3], [sflag:s2] =	dma.local @!p0 [hbm:s0], s1  }
0x28b: {  	s0 =	simm.s32 @!p0 $0x3  }
0x28c: {  	_ =	swait.ge @!p0 [sflag:s0], s1  }
0x28d: {  	s1 =	ssub.s32 @!p0 $0x0, s1;
	[sflag:s0] =	ssyncset.done @!p0 $0x0  }
0x28e: {  	[sflag:s0] =	ssyncadd.s32 @!p0 s1  }
0x28f: {  	[bflag:$0x3] =	sbarrier.arrive $0xFFFF  }
0x290: {  	_ =	shalt  }

// kernel: kernel.7.cloned.1.call-start
scs
__scs_entry_jumppad:
0x0: {  	(pc) =	sbr.rel $0x88, $3  }
0x1: {  	(tag) =	ssettag $0x0;
	lr =	simm.s32 $0x1  }
0x2: {  	[smem:$0x3F9B] =	sst lr;
	_ =	strace $0xD0000000  }
0x3: {  	_ = 	snop  }
0x4: {  	_ = 	snop  }
0x5: {  	_ = 	snop  }
0x6: {  	_ = 	snop  }
0x7: {  	_ = 	snop  }
__scs_overlays_trampoline_lowered:
0x8: {  	[smem:$0x3FAA] =	sst s0  }
0x9: {  	[smem:$0x3FAB] =	sst s1  }
0xa: {  	[smem:$0x3FAC] =	sst s2  }
0xb: {  	[smem:$0x3FAD] =	sst s3  }
0xc: {  	[smem:$0x3FAE] =	sst s4  }
0xd: {  	[smem:$0x3FAF] =	sst s5  }
0xe: {  	[smem:$0x3FB0] =	sst s6  }
0xf: {  	[smem:$0x3FB1] =	sst s7  }
0x10: {  	[smem:$0x3FB2] =	sst s8  }
0x11: {  	[smem:$0x3FB3] =	sst s9;
	s0 =	simm.s32 @!p0 $0x0  }
0x12: {  	s1 =	sld [smem:$0x3F99];
	s0 =	simm.s32 @p0 $0x1  }
0x13: {  	[smem:$0x3FB4] =	sst s0;
	s0 =	simm.s32 @!p1 $0x0  }
0x14: {  	s2 =	sld [smem:$0x3F98];
	s0 =	simm.s32 @p1 $0x1  }
0x15: {  	[smem:$0x3FB5] =	sst s0;
	s0 =	simm.s32 @!p2 $0x0  }
0x16: {  	s3 =	sld [smem:$0x3FDB];
	s0 =	simm.s32 @p2 $0x1  }
0x17: {  	s4 =	simm.s32 $0x1BF5;
	[smem:$0x3FB7] =	sst s0  }
0x18: {  	s0 =	sld [smem:$0x3F9A];
	_ =	swait.ge [sflag:s4], $0x0  }
0x19: {  	s7 =	sld [smem:$0x3F9B]  }
0x1a: {  	s8 =	sadd.s32 $0xFFFFE003, lr  }
0x1b: {  	s9 =	sadd.s32 $0xFFFFFEF7, lr;
	s5 =	simm.s32 $0xFFFFFFFF;
	p2 =	slt.u32 s8, $0xFFFFF086  }
0x1c: {  	p1 =	slt.u32 s9, $0xF7A;
	s5 =	simm.s32 @!p2 $0x0  }
0x1d: {  	s5 =	simm.s32 @p1 $0x1;
	p0 =	seq.s32 s7, s2  }
0x1e: {  	s7 =	smul.u32 @!p0 $0xF7A, s2;
	p2 =	seq.s32 @!p0 s5, $0x0  }
0x1f: {  	s9 =	smul.u32 $0xF7A, s1;
	s8 =	simm.s32 @!p0 $0x1BF5;
	p2 =	por !p2, p0  }
0x20: {  	[sflag:s8] =	ssyncset.s32 @!p0 $0xFFFFF086;
	s6 =	sadd.s32 @!p0 s3, s7;
	s7 =	simm.s32 @!p0 $0x108  }
0x21: {  	s3 =	sadd.s32 s3, s9;
	s6 =	sadd.s32 @!p0 $0x88, s6;
	s7 =	simm.s32 @p2 $0x1082  }
0x22: {  	[simem:s7], [sflag:s8] =	dma.local @!p0 [hbm:s6], $0xF7A  }
0x23: {  	s9 =	sor.u32 $0xD0000000, s2;
	s6 =	simm.s32 $0x108;
	_ =	swait.ge @!p0 [sflag:s8], $0x0  }
0x24: {  	s3 =	sadd.s32 $0x88, s3;
	s6 =	simm.s32 @!p1 $0x1082;
	[sflag:s4] =	ssyncset.s32 $0xFFFFF086  }
0x25: {  	[simem:s6], [sflag:s4] =	dma.local [hbm:s3], $0xF7A  }
0x26: {  	[smem:$0x3F9B] =	sst s1;
	(tag) =	ssettag s2;
	_ =	strace s9  }
0x27: {  	s1 =	sld [smem:$0x3FAB]  }
0x28: {  	s2 =	sld [smem:$0x3FAC]  }
0x29: {  	s4 =	sld [smem:$0x3FAE]  }
0x2a: {  	p0 =	seq.s32 s5, $0x0;
	s5 =	sld [smem:$0x3FAF]  }
0x2b: {  	s6 =	sld [smem:$0x3FB0]  }
0x2c: {  	s7 =	sld [smem:$0x3FB1]  }
0x2d: {  	s3 =	simm.s32 $0x108;
	s8 =	sld [smem:$0x3FB2]  }
0x2e: {  	s3 =	simm.s32 @!p0 $0x1082;
	s9 =	sld [smem:$0x3FB3]  }
0x2f: {  	lr =	sadd.s32 s0, s3;
	s0 =	sld [smem:$0x3FAA]  }
0x30: {  	s3 =	sld [smem:$0x3FAD]  }
0x31: {  	[smem:$0x3FB6] =	sst s10  }
0x32: {  	s10 =	sld [smem:$0x3FB4];
	_ =	sdelay $0x3  }
0x33: {  	p0 =	seq.s32 s10, $0x1;
	s10 =	sld [smem:$0x3FB6];
	_ =	sdelay $0x3  }
0x34: {  	[smem:$0x3FB6] =	sst s10  }
0x35: {  	s10 =	sld [smem:$0x3FB5];
	_ =	sdelay $0x3  }
0x36: {  	p1 =	seq.s32 s10, $0x1;
	s10 =	sld [smem:$0x3FB6];
	_ =	sdelay $0x3  }
0x37: {  	[smem:$0x3FB6] =	sst s10  }
0x38: {  	s10 =	sld [smem:$0x3FB7]  }
0x39: {  	_ = 	snop;
	(pc) =	sbr.ind lr, $3  }
0x3a: {  	_ = 	snop  }
0x3b: {  	_ = 	snop  }
0x3c: {  	p2 =	seq.s32 s10, $0x1;
	s10 =	sld [smem:$0x3FB6]  }
0x3d: {  	_ =	shalt  }
0x3e: {  	_ =	shalt  }
0x3f: {  	_ =	shalt  }
0x40: {  	_ =	shalt  }
0x41: {  	_ =	shalt  }
0x42: {  	_ =	shalt  }
0x43: {  	_ =	shalt  }
0x44: {  	_ =	shalt  }
0x45: {  	_ =	shalt  }
0x46: {  	_ =	shalt  }
0x47: {  	_ =	shalt  }
0x48: {  	_ =	shalt  }
0x49: {  	_ =	shalt  }
0x4a: {  	_ =	shalt  }
0x4b: {  	_ =	shalt  }
0x4c: {  	_ =	shalt  }
0x4d: {  	_ =	shalt  }
0x4e: {  	_ =	shalt  }
0x4f: {  	_ =	shalt  }
0x50: {  	_ =	shalt  }
0x51: {  	_ =	shalt  }
0x52: {  	_ =	shalt  }
0x53: {  	_ =	shalt  }
0x54: {  	_ =	shalt  }
0x55: {  	_ =	shalt  }
0x56: {  	_ =	shalt  }
0x57: {  	_ =	shalt  }
0x58: {  	_ =	shalt  }
0x59: {  	_ =	shalt  }
0x5a: {  	_ =	shalt  }
0x5b: {  	_ =	shalt  }
0x5c: {  	_ =	shalt  }
0x5d: {  	_ =	shalt  }
0x5e: {  	_ =	shalt  }
0x5f: {  	_ =	shalt  }
0x60: {  	_ =	shalt  }
0x61: {  	_ =	shalt  }
0x62: {  	_ =	shalt  }
0x63: {  	_ =	shalt  }
0x64: {  	_ =	shalt  }
0x65: {  	_ =	shalt  }
0x66: {  	_ =	shalt  }
0x67: {  	_ =	shalt  }
0x68: {  	_ =	shalt  }
0x69: {  	_ =	shalt  }
0x6a: {  	_ =	shalt  }
0x6b: {  	_ =	shalt  }
0x6c: {  	_ =	shalt  }
0x6d: {  	_ =	shalt  }
0x6e: {  	_ =	shalt  }
0x6f: {  	_ =	shalt  }
0x70: {  	_ =	shalt  }
0x71: {  	_ =	shalt  }
0x72: {  	_ =	shalt  }
0x73: {  	_ =	shalt  }
0x74: {  	_ =	shalt  }
0x75: {  	_ =	shalt  }
0x76: {  	_ =	shalt  }
0x77: {  	_ =	shalt  }
0x78: {  	_ =	shalt  }
0x79: {  	_ =	shalt  }
0x7a: {  	_ =	shalt  }
0x7b: {  	_ =	shalt  }
0x7c: {  	_ =	shalt  }
0x7d: {  	_ =	shalt  }
0x7e: {  	_ =	shalt  }
0x7f: {  	_ =	shalt  }
0x80: {  	_ =	shalt  }
0x81: {  	_ =	shalt  }
0x82: {  	_ =	shalt  }
0x83: {  	_ =	shalt  }
0x84: {  	_ =	shalt  }
0x85: {  	_ =	shalt  }
0x86: {  	_ =	shalt  }
0x87: {  	_ =	shalt  }
.Lfunc_end0:
.L_simem_size_0:
called_computation_lowered:
.L_overlay_start_0:
0x88: {  	s2 =	sld [smem:$0x3FD9]  }
0x89: {  	s3 =	sld [smem:$0x3FFE];
	_ =	sdelay $0x1  }
0x8a: {  	s1 =	srdreg.scid  }
0x8b: {  	s0 =	sand.u32 $0x1, s1  }
0x8c: {  	s16 =	sshll.u32 s0, $0xA;
	s2 =	sadd.s32 s3, s2  }
0x8d: {  	s2 =	sadd.s32 s2, s16  }
0x8e: {  	[smem:$0x3FC2] =	sst s2  }
0x8f: {  	_ = 	snop  }
0x90: {  	(tm) =	ssettm $0x1  }
0x91: {  	s17 =	sld [smem:$0x3FFB];
	_ =	sdelay $0x3  }
0x92: {  	_ =	strace s17  }
0x93: {  	s2 =	sld [smem:$0x3FFC];
	_ =	sdelay $0x3  }
0x94: {  	_ =	strace s2  }
0x95: {  	s2 =	sld [smem:$0x3FFD];
	_ =	sdelay $0x3  }
0x96: {  	_ =	strace s2  }
0x97: {  	_ =	strace $0x8FFFFFFF  }
0x98: {  	s18 =	sld [smem:$0x3FDB];
	_ =	sdelay $0x1  }
0x99: {  	s19 =	simm.s32 $_scs_section_size  }
0x9a: {  	s4 =	simm.s32 $_size__tile_overlayer_lowered;
	s5 =	simm.s32 $_tile_overlayer_lowered  }
0x9b: {  	s22 =	simm.s32 $0x1BFF;
	s21 =	sshll.u32 s5, $0x1;
	s2 =	sadd.s32 s19, s18  }
0x9c: {  	s6 =	simm.s32 $0x0;
	s20 =	sshll.u32 s4, $0x1;
	s4 =	sadd.s32 s21, s2  }
0x9d: {  	[timem:s6], [sflag:s22] =	dma.local [hbm:s4], s20  }
0x9e: {  	_ =	swait.ge [sflag:s22], s20  }
0x9f: {  	s3 =	ssub.s32 $0x0, s20;
	[sflag:s22] =	ssyncset.done $0x0  }
0xa0: {  	[sflag:s22] =	ssyncadd.s32 s3;
	_ =	sdelay $0x1  }
0xa1: {  	s23 =	simm.s32 $0x1B8B  }
0xa2: {  	_ =	swait.ge [sflag:s23], $0x1  }
0xa3: {  	[sflag:s23] =	ssyncset.done $0x0  }
0xa4: {  	s25 =	simm.s32 $0x1B8E;
	s24 =	sld [smem:$0x3FFE];
	[sflag:s23] =	ssyncadd.s32 $0xFFFFFFFF  }
0xa5: {  	s26 =	simm.s32 $execute0_lowered;
	[smem:$0x3FD2] =	sst s25  }
0xa6: {  	s4 =	sshll.u32 s26, $0x1;
	_ =	strace $0x80000046;
	[dreg:$0x1] =	wrdreg $0xFFFFFFFF  }
0xa7: {  	s28 =	simm.s32 $_size_execute0_lowered;
	s2 =	sadd.s32 s2, s4;
	[dreg:$0x0] =	wrdreg $0x0  }
0xa8: {  	s4 =	sshll.u32 s28, $0x1;
	[dreg:$0x2] =	wrdreg s2  }
0xa9: {  	[dreg:$0x3] =	wrdreg s4  }
0xaa: {  	[dreg:$0x4] =	wrdreg $0xC0  }
0xab: {  	_ =	task [dreg:s6], $0x5FFFF  }
0xac: {  	[dreg:$0x1] =	wrdreg $0xFFFFFFFF  }
0xad: {  	[dreg:$0x0] =	wrdreg $0x60  }
0xae: {  	[dreg:$0x2] =	wrdreg s24  }
0xaf: {  	[dreg:$0x3] =	wrdreg $0x54800  }
0xb0: {  	[dreg:$0x4] =	wrdreg $0x9  }
0xb1: {  	_ =	task.clear_ibuf [dreg:s6], $0x5FFFF;
	_ =	strace $0x90000046  }
0xb2: {  	s29 =	simm.s32 $0x9;
	_ =	strace $0x80000048  }
0xb3: {  	_ =	swait.ge [sflag:s29], $0x1  }
0xb4: {  	[sflag:s29] =	ssyncadd.s32 $0xFFFFFFFF  }
0xb5: {  	_ =	strace $0x90000048  }
0xb6: {  	_ =	sfence  }
0xb7: {  	s30 =	sld [smem:$0x0];
	_ =	sdelay $0x2  }
0xb8: {  	s31 =	sshll.u32 s1, $0xD;
	s1 =	sshrl.u32 s1, $0x2  }
0xb9: {  	s3 =	sand.u32 $0x4000, s31;
	s1 =	sadd.s32 s1, s30  }
0xba: {  	s0 =	sor.u32 s3, s0;
	s1 =	sshll.u32 s1, $0x11  }
0xbb: {  	s0 =	sor.u32 s1, s0  }
0xbc: {  	s0 =	sadd.s32 $0x8F2B, s0  }
0xbd: {  	[sflag:s0] =	ssyncadd.remote.s32 $0x1  }
0xbe: {  	_ =	sfence.sel $0xFFFF  }
0xbf: {  	[dreg:$0x0] =	wrdreg $0xFFFFFFFF;
	(pc) =	sbr.abs _section_cstart, $3  }
0xc0: {  	[dreg:$0x1] =	wrdreg $0xFFFFFFFF  }
0xc1: {  	_ =	task.clear_ibuf [dreg:s6], $0x2FFFF;
	_ =	strace $0x9FFFFFFF  }
0xc2: {  	(tm) =	ssettm $0x7FFFFFFF  }
0xc3: {  	_ =	shalt  }
tec
execute0_lowered:
.L_overlay_start_1:
0x0: {  	(tag) =	ssettag $0x1  }
0x1: {  	s0 =	srdreg.scid  }
0x2: {  	s8 =	stileid.u32;
	s4 =	rddreg [dreg:$0x0]  }
0x3: {  	s6 =	rddreg [dreg:$0x1];
	s2 =	simm.s32 $0x0;
	s28 =	simm.s32 $0x400  }
0x4: {  	s29 =	simm.s32 $0x4F80;
	s30 =	simm.s32 $0x5200;
	s31 =	simm.s32 $0x0  }
0x5: {  	s0 =	sand.u32 $0x1, s0;
	s5 =	smul.u32 $0x280, s8;
	[smem:$0x7FF] =	sst s2  }
0x6: {  	s3 =	sadd.s32 $0xB800, s4;
	s23 =	sshrl.u32 s8, $0x3;
	s25 =	smul.u32 $0x5000, s8  }
0x7: {  	s26 =	sshll.u32 s8, $0x7;
	s1 =	sshll.u32 s0, $0x4;
	s7 =	smul.u32 $0x2800, s0  }
0x8: {  	_ =	strace $0x80000047;
	s0 =	ssub.s32 $0x2, s0;
	s1 =	sor.u32 s8, s1  }
0x9: {  	s24 =	sshrl.u32 s0, $0x1;
	s8 =	sand.u32 $0x380, s26;
	s9 =	sshrl.u32 s25, $0x2  }
0xa: {  	s25 =	simm.s32 $0x1;
	s26 =	simm.s32 $0x80;
	s1 =	smul.u32 $0x4E2, s1  }
0xb: {  	s5 =	sadd.s32 s5, s7;
	s7 =	smul.u32 $0x50000, s23;
	s0 =	ssub.s32 s0, s24  }
0xc: {  	s24 =	simm.s32 $0x2780;
	s5 =	sshrl.u32 s5, $0x3;
	s23 =	smax.u32 s0, $0x1  }
0xd: {  	s1 =	sadd.s32 s1, s4;
	s22 =	sadd.s32 s5, s4;
	s7 =	sshrl.u32 s7, $0x2  }
0xe: {  	s7 =	sadd.s32 s7, s6;
	s1 =	sadd.s32 $0x1A00, s1;
	s6 =	sadd.s32 s9, s6  }
0xf: {  	s22 =	sadd.s32 $0xBE00, s22;
	[dreg:$0x3] =	wrdreg s1;
	s5 =	sadd.s32 s8, s7  }
0x10: {  	s7 =	sadd.s32 $0x80, s6;
	s8 =	sadd.s32 $0x100, s6;
	s9 =	sadd.s32 $0x180, s6  }
0x11: {  	s10 =	sadd.s32 $0x200, s6;
	s11 =	sadd.s32 $0x280, s6;
	s12 =	sadd.s32 $0x300, s6  }
0x12: {  	s13 =	sadd.s32 $0x380, s6;
	s14 =	sadd.s32 $0x14000, s6;
	s15 =	sadd.s32 $0x14080, s6  }
0x13: {  	s16 =	sadd.s32 $0x14100, s6;
	s17 =	sadd.s32 $0x14180, s6;
	s18 =	sadd.s32 $0x14200, s6  }
0x14: {  	v0 =	vimm.f32 $1.000000000e+00;
	s19 =	sadd.s32 $0x14280, s6;
	s20 =	sadd.s32 $0x14300, s6;
	s21 =	sadd.s32 $0x14380, s6  }
.LBB2_1:
0x15: {  	[tilespmem:s24], [sflag:$0x1] =	stream.linear.gather [hbm4b:s3+s2], $0x2800, $0x38;
	[tilespmem:$0x7C80] =	vst v63  }
0x16: {  	_ =	swait.ge [sflag:s25], $0x2800  }
0x17: {  	[sflag:s25] =	ssyncset.done $0x0  }
0x18: {  	s0 =	rddreg [dreg:$0x3];
	[sflag:s25] =	ssyncadd.s32 $0xFFFFD800  }
0x19: {  	[tilespmem:s2], [sflag:$0x1] =	stream.linear.gather [hbm4b:s0+s2], $0x2710, $0x38;
	[tilespmem:$0x7C80] =	vst v63  }
0x1a: {  	_ =	swait.ge [sflag:s25], $0x2710  }
0x1b: {  	[sflag:s25] =	ssyncset.done $0x0  }
0x1c: {  	s4 =	simm.s32 $0x20;
	[sflag:s25] =	ssyncadd.s32 $0xFFFFD8F0  }
0x1d: {  	v4 =	vld [tilespmem:s4+$0x20]  }
0x1e: {  	v5 =	vld [tilespmem:s4+$0xFFFFFFF0];
	_ =	sdelay $0x3  }
0x1f: {  	v1 =	vld [tilespmem:s4+$0x0]  }
0x20: {  	v2 =	vld [tilespmem:s4+$0x10]  }
0x21: {  	v3 =	vld [tilespmem:s4+$0xFFFFFFE0]  }
0x22: {  	[tilespmem:v4+s24+$0x0] =	vst.idx.add.f32.msk $0xffff, v0  }
0x23: {  	s1 =	simm.s32 $0x0;
	s0 =	simm.s32 $0x70;
	[tilespmem:v5+s24+$0x0] =	vst.idx.add.f32.msk $0xffff, v0  }
.LBB2_2:
0x24: {  	v4 =	vld [tilespmem:s0+$0x20];
	s1 =	sadd.s32 $0x5, s1  }
0x25: {  	v5 =	vld [tilespmem:s0+$0xFFFFFFF0];
	p0 =	slt.u32 s1, $0x26C  }
0x26: {  	v6 =	vld [tilespmem:s0+$0x0]  }
0x27: {  	v7 =	vld [tilespmem:s0+$0x10]  }
0x28: {  	v8 =	vld [tilespmem:s0+$0xFFFFFFE0]  }
.Ltmp0:
0x29: {  	[tilespmem:v3+s24+$0x0] =	vst.idx.add.f32.msk $0xffff, v0;
	(pc) =	sbr.rel @p0 .LBB2_2-.Ltmp0, $4  }
0x2a: {  	[tilespmem:v1+s24+$0x0] =	vst.idx.add.f32.msk $0xffff, v0  }
0x2b: {  	[tilespmem:v2+s24+$0x0] =	vst.idx.add.f32.msk $0xffff, v0;
	v1 =	vmov v6  }
0x2c: {  	[tilespmem:v4+s24+$0x0] =	vst.idx.add.f32.msk $0xffff, v0;
	v2 =	vmov v7  }
0x2d: {  	s0 =	sadd.s32 $0x50, s0;
	[tilespmem:v5+s24+$0x0] =	vst.idx.add.f32.msk $0xffff, v0;
	v3 =	vmov v8  }
0x2e: {  	_ =	sdelay $0x3  }
0x2f: {  	[tilespmem:v3+s24+$0x0] =	vst.idx.add.f32.msk $0xffff, v0  }
0x30: {  	[tilespmem:v1+s24+$0x0] =	vst.idx.add.f32.msk $0xffff, v0  }
0x31: {  	[tilespmem:v2+s24+$0x0] =	vst.idx.add.f32.msk $0xffff, v0  }
0x32: {  	[spmem:s5] =	stream.strided.scatter [tilespmem:s24], [sflag:$0x1], $0x2800, s28, s26, $0x38;
	[tilespmem:$0x7C80] =	vst v63  }
0x33: {  	_ =	swait.ge [sflag:s25], $0x2800  }
0x34: {  	[sflag:s25] =	ssyncset.done $0x0  }
0x35: {  	[sflag:s25] =	ssyncadd.s32 $0xFFFFD800  }
0x36: {  	s0 =	simm.s32 $0x0;
	[bflag:$0x0] =	sbarrier.arrive $0xFFFF  }
0x37: {  	[tilespmem:s29], [sflag:$0x1] =	stream.linear.gather [hbm4b:s3+s0], $0x280, $0x38;
	[tilespmem:$0x7C80] =	vst v63  }
0x38: {  	_ =	swait.ge [sflag:s25], $0x280  }
0x39: {  	[sflag:s25] =	ssyncset.done $0x0  }
0x3a: {  	[sflag:s25] =	ssyncadd.s32 $0xFFFFFD80  }
0x3b: {  	[tilespmem:s30], [sflag:$0x1] =	stream.strided.gather [spmem:s6], $0x280, s28, s26, $0x38;
	[tilespmem:$0x7C80] =	vst v63  }
0x3c: {  	_ =	swait.ge [sflag:s25], $0x280  }
0x3d: {  	[sflag:s25] =	ssyncset.done $0x0  }
0x3e: {  	s0 =	simm.s32 $0x0;
	[sflag:s25] =	ssyncadd.s32 $0xFFFFFD80  }
0x3f: {  	s1 =	simm.s32 $0x40;
	v1 =	vld [tilespmem:s0+$0x5200]  }
.LBB2_4:
0x40: {  	p0 =	sne.s32 s1, $0x9C0;
	v2 =	vld [tilespmem:s0+$0x4F80];
	_ =	sdelay $0x2  }
.Ltmp1:
0x41: {  	(pc) =	sbr.rel @p0 .LBB2_4-.Ltmp1, $4  }
0x42: {  	_ = 	snop  }
0x43: {  	v2 =	vadd.f32 v1, v2  }
0x44: {  	s4 =	sshra.s32 s1, $0x2  }
0x45: {  	s1 =	sadd.s32 $0x40, s1;
	v1 =	vld [tilespmem:s4+$0x5200];
	[tilespmem:s0+$0x4F80] =	vst v2;
	s0 =	smov.u32 s4  }
0x46: {  	v2 =	vld [tilespmem:s0+$0x4F80];
	_ =	sdelay $0x4  }
0x47: {  	v1 =	vadd.f32 v1, v2;
	_ =	sdelay $0x1  }
0x48: {  	[tilespmem:s0+$0x4F80] =	vst v1  }
0x49: {  	[tilespmem:s30], [sflag:$0x1] =	stream.strided.gather [spmem:s7], $0x280, s28, s26, $0x38;
	[tilespmem:$0x7C80] =	vst v63  }
0x4a: {  	_ =	swait.ge [sflag:s25], $0x280  }
0x4b: {  	[sflag:s25] =	ssyncset.done $0x0  }
0x4c: {  	s0 =	simm.s32 $0x0;
	[sflag:s25] =	ssyncadd.s32 $0xFFFFFD80  }
0x4d: {  	s1 =	simm.s32 $0x40;
	v1 =	vld [tilespmem:s0+$0x5200]  }
.LBB2_6:
0x4e: {  	p0 =	sne.s32 s1, $0x9C0;
	v2 =	vld [tilespmem:s0+$0x4F80];
	_ =	sdelay $0x2  }
.Ltmp2:
0x4f: {  	(pc) =	sbr.rel @p0 .LBB2_6-.Ltmp2, $4  }
0x50: {  	_ = 	snop  }
0x51: {  	v2 =	vadd.f32 v1, v2  }
0x52: {  	s4 =	sshra.s32 s1, $0x2  }
0x53: {  	s1 =	sadd.s32 $0x40, s1;
	v1 =	vld [tilespmem:s4+$0x5200];
	[tilespmem:s0+$0x4F80] =	vst v2;
	s0 =	smov.u32 s4  }
0x54: {  	v2 =	vld [tilespmem:s0+$0x4F80];
	_ =	sdelay $0x4  }
0x55: {  	v1 =	vadd.f32 v1, v2;
	_ =	sdelay $0x1  }
0x56: {  	[tilespmem:s0+$0x4F80] =	vst v1  }
0x57: {  	[tilespmem:s30], [sflag:$0x1] =	stream.strided.gather [spmem:s8], $0x280, s28, s26, $0x38;
	[tilespmem:$0x7C80] =	vst v63  }
0x58: {  	_ =	swait.ge [sflag:s25], $0x280  }
0x59: {  	[sflag:s25] =	ssyncset.done $0x0  }
0x5a: {  	s0 =	simm.s32 $0x0;
	[sflag:s25] =	ssyncadd.s32 $0xFFFFFD80  }
0x5b: {  	s1 =	simm.s32 $0x40;
	v1 =	vld [tilespmem:s0+$0x5200]  }
.LBB2_8:
0x5c: {  	p0 =	sne.s32 s1, $0x9C0;
	v2 =	vld [tilespmem:s0+$0x4F80];
	_ =	sdelay $0x2  }
.Ltmp3:
0x5d: {  	(pc) =	sbr.rel @p0 .LBB2_8-.Ltmp3, $4  }
0x5e: {  	_ = 	snop  }
0x5f: {  	v2 =	vadd.f32 v1, v2  }
0x60: {  	s4 =	sshra.s32 s1, $0x2  }
0x61: {  	s1 =	sadd.s32 $0x40, s1;
	v1 =	vld [tilespmem:s4+$0x5200];
	[tilespmem:s0+$0x4F80] =	vst v2;
	s0 =	smov.u32 s4  }
0x62: {  	v2 =	vld [tilespmem:s0+$0x4F80];
	_ =	sdelay $0x4  }
0x63: {  	v1 =	vadd.f32 v1, v2;
	_ =	sdelay $0x1  }
0x64: {  	[tilespmem:s0+$0x4F80] =	vst v1  }
0x65: {  	[tilespmem:s30], [sflag:$0x1] =	stream.strided.gather [spmem:s9], $0x280, s28, s26, $0x38;
	[tilespmem:$0x7C80] =	vst v63  }
0x66: {  	_ =	swait.ge [sflag:s25], $0x280  }
0x67: {  	[sflag:s25] =	ssyncset.done $0x0  }
0x68: {  	s0 =	simm.s32 $0x0;
	[sflag:s25] =	ssyncadd.s32 $0xFFFFFD80  }
0x69: {  	s1 =	simm.s32 $0x40;
	v1 =	vld [tilespmem:s0+$0x5200]  }
.LBB2_10:
0x6a: {  	p0 =	sne.s32 s1, $0x9C0;
	v2 =	vld [tilespmem:s0+$0x4F80];
	_ =	sdelay $0x2  }
.Ltmp4:
0x6b: {  	(pc) =	sbr.rel @p0 .LBB2_10-.Ltmp4, $4  }
0x6c: {  	_ = 	snop  }
0x6d: {  	v2 =	vadd.f32 v1, v2  }
0x6e: {  	s4 =	sshra.s32 s1, $0x2  }
0x6f: {  	s1 =	sadd.s32 $0x40, s1;
	v1 =	vld [tilespmem:s4+$0x5200];
	[tilespmem:s0+$0x4F80] =	vst v2;
	s0 =	smov.u32 s4  }
0x70: {  	v2 =	vld [tilespmem:s0+$0x4F80];
	_ =	sdelay $0x4  }
0x71: {  	v1 =	vadd.f32 v1, v2;
	_ =	sdelay $0x1  }
0x72: {  	[tilespmem:s0+$0x4F80] =	vst v1  }
0x73: {  	[tilespmem:s30], [sflag:$0x1] =	stream.strided.gather [spmem:s10], $0x280, s28, s26, $0x38;
	[tilespmem:$0x7C80] =	vst v63  }
0x74: {  	_ =	swait.ge [sflag:s25], $0x280  }
0x75: {  	[sflag:s25] =	ssyncset.done $0x0  }
0x76: {  	s0 =	simm.s32 $0x0;
	[sflag:s25] =	ssyncadd.s32 $0xFFFFFD80  }
0x77: {  	s1 =	simm.s32 $0x40;
	v1 =	vld [tilespmem:s0+$0x5200]  }
.LBB2_12:
0x78: {  	p0 =	sne.s32 s1, $0x9C0;
	v2 =	vld [tilespmem:s0+$0x4F80];
	_ =	sdelay $0x2  }
.Ltmp5:
0x79: {  	(pc) =	sbr.rel @p0 .LBB2_12-.Ltmp5, $4  }
0x7a: {  	_ = 	snop  }
0x7b: {  	v2 =	vadd.f32 v1, v2  }
0x7c: {  	s4 =	sshra.s32 s1, $0x2  }
0x7d: {  	s1 =	sadd.s32 $0x40, s1;
	v1 =	vld [tilespmem:s4+$0x5200];
	[tilespmem:s0+$0x4F80] =	vst v2;
	s0 =	smov.u32 s4  }
0x7e: {  	v2 =	vld [tilespmem:s0+$0x4F80];
	_ =	sdelay $0x4  }
0x7f: {  	v1 =	vadd.f32 v1, v2;
	_ =	sdelay $0x1  }
0x80: {  	[tilespmem:s0+$0x4F80] =	vst v1  }
0x81: {  	[tilespmem:s30], [sflag:$0x1] =	stream.strided.gather [spmem:s11], $0x280, s28, s26, $0x38;
	[tilespmem:$0x7C80] =	vst v63  }
0x82: {  	_ =	swait.ge [sflag:s25], $0x280  }
0x83: {  	[sflag:s25] =	ssyncset.done $0x0  }
0x84: {  	s0 =	simm.s32 $0x0;
	[sflag:s25] =	ssyncadd.s32 $0xFFFFFD80  }
0x85: {  	s1 =	simm.s32 $0x40;
	v1 =	vld [tilespmem:s0+$0x5200]  }
.LBB2_14:
0x86: {  	p0 =	sne.s32 s1, $0x9C0;
	v2 =	vld [tilespmem:s0+$0x4F80];
	_ =	sdelay $0x2  }
.Ltmp6:
0x87: {  	(pc) =	sbr.rel @p0 .LBB2_14-.Ltmp6, $4  }
0x88: {  	_ = 	snop  }
0x89: {  	v2 =	vadd.f32 v1, v2  }
0x8a: {  	s4 =	sshra.s32 s1, $0x2  }
0x8b: {  	s1 =	sadd.s32 $0x40, s1;
	v1 =	vld [tilespmem:s4+$0x5200];
	[tilespmem:s0+$0x4F80] =	vst v2;
	s0 =	smov.u32 s4  }
0x8c: {  	v2 =	vld [tilespmem:s0+$0x4F80];
	_ =	sdelay $0x4  }
0x8d: {  	v1 =	vadd.f32 v1, v2;
	_ =	sdelay $0x1  }
0x8e: {  	[tilespmem:s0+$0x4F80] =	vst v1  }
0x8f: {  	[tilespmem:s30], [sflag:$0x1] =	stream.strided.gather [spmem:s12], $0x280, s28, s26, $0x38;
	[tilespmem:$0x7C80] =	vst v63  }
0x90: {  	_ =	swait.ge [sflag:s25], $0x280  }
0x91: {  	[sflag:s25] =	ssyncset.done $0x0  }
0x92: {  	s0 =	simm.s32 $0x0;
	[sflag:s25] =	ssyncadd.s32 $0xFFFFFD80  }
0x93: {  	s1 =	simm.s32 $0x40;
	v1 =	vld [tilespmem:s0+$0x5200]  }
.LBB2_16:
0x94: {  	p0 =	sne.s32 s1, $0x9C0;
	v2 =	vld [tilespmem:s0+$0x4F80];
	_ =	sdelay $0x2  }
.Ltmp7:
0x95: {  	(pc) =	sbr.rel @p0 .LBB2_16-.Ltmp7, $4  }
0x96: {  	_ = 	snop  }
0x97: {  	v2 =	vadd.f32 v1, v2  }
0x98: {  	s4 =	sshra.s32 s1, $0x2  }
0x99: {  	s1 =	sadd.s32 $0x40, s1;
	v1 =	vld [tilespmem:s4+$0x5200];
	[tilespmem:s0+$0x4F80] =	vst v2;
	s0 =	smov.u32 s4  }
0x9a: {  	v2 =	vld [tilespmem:s0+$0x4F80];
	_ =	sdelay $0x4  }
0x9b: {  	v1 =	vadd.f32 v1, v2;
	_ =	sdelay $0x1  }
0x9c: {  	[tilespmem:s0+$0x4F80] =	vst v1  }
0x9d: {  	[tilespmem:s30], [sflag:$0x1] =	stream.strided.gather [spmem:s13], $0x280, s28, s26, $0x38;
	[tilespmem:$0x7C80] =	vst v63  }
0x9e: {  	_ =	swait.ge [sflag:s25], $0x280  }
0x9f: {  	[sflag:s25] =	ssyncset.done $0x0  }
0xa0: {  	s0 =	simm.s32 $0x0;
	[sflag:s25] =	ssyncadd.s32 $0xFFFFFD80  }
0xa1: {  	s1 =	simm.s32 $0x40;
	v1 =	vld [tilespmem:s0+$0x5200]  }
.LBB2_18:
0xa2: {  	p0 =	sne.s32 s1, $0x9C0;
	v2 =	vld [tilespmem:s0+$0x4F80];
	_ =	sdelay $0x2  }
.Ltmp8:
0xa3: {  	(pc) =	sbr.rel @p0 .LBB2_18-.Ltmp8, $4  }
0xa4: {  	_ = 	snop  }
0xa5: {  	v2 =	vadd.f32 v1, v2  }
0xa6: {  	s4 =	sshra.s32 s1, $0x2  }
0xa7: {  	s1 =	sadd.s32 $0x40, s1;
	v1 =	vld [tilespmem:s4+$0x5200];
	[tilespmem:s0+$0x4F80] =	vst v2;
	s0 =	smov.u32 s4  }
0xa8: {  	v2 =	vld [tilespmem:s0+$0x4F80];
	_ =	sdelay $0x4  }
0xa9: {  	v1 =	vadd.f32 v1, v2;
	_ =	sdelay $0x1  }
0xaa: {  	[tilespmem:s0+$0x4F80] =	vst v1  }
0xab: {  	[tilespmem:s30], [sflag:$0x1] =	stream.strided.gather [spmem:s14], $0x280, s28, s26, $0x38;
	[tilespmem:$0x7C80] =	vst v63  }
0xac: {  	_ =	swait.ge [sflag:s25], $0x280  }
0xad: {  	[sflag:s25] =	ssyncset.done $0x0  }
0xae: {  	s0 =	simm.s32 $0x0;
	[sflag:s25] =	ssyncadd.s32 $0xFFFFFD80  }
0xaf: {  	s1 =	simm.s32 $0x40;
	v1 =	vld [tilespmem:s0+$0x5200]  }
.LBB2_20:
0xb0: {  	p0 =	sne.s32 s1, $0x9C0;
	v2 =	vld [tilespmem:s0+$0x4F80];
	_ =	sdelay $0x2  }
.Ltmp9:
0xb1: {  	(pc) =	sbr.rel @p0 .LBB2_20-.Ltmp9, $4  }
0xb2: {  	_ = 	snop  }
0xb3: {  	v2 =	vadd.f32 v1, v2  }
0xb4: {  	s4 =	sshra.s32 s1, $0x2  }
0xb5: {  	s1 =	sadd.s32 $0x40, s1;
	v1 =	vld [tilespmem:s4+$0x5200];
	[tilespmem:s0+$0x4F80] =	vst v2;
	s0 =	smov.u32 s4  }
0xb6: {  	v2 =	vld [tilespmem:s0+$0x4F80];
	_ =	sdelay $0x4  }
0xb7: {  	v1 =	vadd.f32 v1, v2;
	_ =	sdelay $0x1  }
0xb8: {  	[tilespmem:s0+$0x4F80] =	vst v1  }
0xb9: {  	[tilespmem:s30], [sflag:$0x1] =	stream.strided.gather [spmem:s15], $0x280, s28, s26, $0x38;
	[tilespmem:$0x7C80] =	vst v63  }
0xba: {  	_ =	swait.ge [sflag:s25], $0x280  }
0xbb: {  	[sflag:s25] =	ssyncset.done $0x0  }
0xbc: {  	s0 =	simm.s32 $0x0;
	[sflag:s25] =	ssyncadd.s32 $0xFFFFFD80  }
0xbd: {  	s1 =	simm.s32 $0x40;
	v1 =	vld [tilespmem:s0+$0x5200]  }
.LBB2_22:
0xbe: {  	p0 =	sne.s32 s1, $0x9C0;
	v2 =	vld [tilespmem:s0+$0x4F80];
	_ =	sdelay $0x2  }
.Ltmp10:
0xbf: {  	(pc) =	sbr.rel @p0 .LBB2_22-.Ltmp10, $4  }
0xc0: {  	_ = 	snop  }
0xc1: {  	v2 =	vadd.f32 v1, v2  }
0xc2: {  	s4 =	sshra.s32 s1, $0x2  }
0xc3: {  	s1 =	sadd.s32 $0x40, s1;
	v1 =	vld [tilespmem:s4+$0x5200];
	[tilespmem:s0+$0x4F80] =	vst v2;
	s0 =	smov.u32 s4  }
0xc4: {  	v2 =	vld [tilespmem:s0+$0x4F80];
	_ =	sdelay $0x4  }
0xc5: {  	v1 =	vadd.f32 v1, v2;
	_ =	sdelay $0x1  }
0xc6: {  	[tilespmem:s0+$0x4F80] =	vst v1  }
0xc7: {  	[tilespmem:s30], [sflag:$0x1] =	stream.strided.gather [spmem:s16], $0x280, s28, s26, $0x38;
	[tilespmem:$0x7C80] =	vst v63  }
0xc8: {  	_ =	swait.ge [sflag:s25], $0x280  }
0xc9: {  	[sflag:s25] =	ssyncset.done $0x0  }
0xca: {  	s0 =	simm.s32 $0x0;
	[sflag:s25] =	ssyncadd.s32 $0xFFFFFD80  }
0xcb: {  	s1 =	simm.s32 $0x40;
	v1 =	vld [tilespmem:s0+$0x5200]  }
.LBB2_24:
0xcc: {  	p0 =	sne.s32 s1, $0x9C0;
	v2 =	vld [tilespmem:s0+$0x4F80];
	_ =	sdelay $0x2  }
.Ltmp11:
0xcd: {  	(pc) =	sbr.rel @p0 .LBB2_24-.Ltmp11, $4  }
0xce: {  	_ = 	snop  }
0xcf: {  	v2 =	vadd.f32 v1, v2  }
0xd0: {  	s4 =	sshra.s32 s1, $0x2  }
0xd1: {  	s1 =	sadd.s32 $0x40, s1;
	v1 =	vld [tilespmem:s4+$0x5200];
	[tilespmem:s0+$0x4F80] =	vst v2;
	s0 =	smov.u32 s4  }
0xd2: {  	v2 =	vld [tilespmem:s0+$0x4F80];
	_ =	sdelay $0x4  }
0xd3: {  	v1 =	vadd.f32 v1, v2;
	_ =	sdelay $0x1  }
0xd4: {  	[tilespmem:s0+$0x4F80] =	vst v1  }
0xd5: {  	[tilespmem:s30], [sflag:$0x1] =	stream.strided.gather [spmem:s17], $0x280, s28, s26, $0x38;
	[tilespmem:$0x7C80] =	vst v63  }
0xd6: {  	_ =	swait.ge [sflag:s25], $0x280  }
0xd7: {  	[sflag:s25] =	ssyncset.done $0x0  }
0xd8: {  	s0 =	simm.s32 $0x0;
	[sflag:s25] =	ssyncadd.s32 $0xFFFFFD80  }
0xd9: {  	s1 =	simm.s32 $0x40;
	v1 =	vld [tilespmem:s0+$0x5200]  }
.LBB2_26:
0xda: {  	p0 =	sne.s32 s1, $0x9C0;
	v2 =	vld [tilespmem:s0+$0x4F80];
	_ =	sdelay $0x2  }
.Ltmp12:
0xdb: {  	(pc) =	sbr.rel @p0 .LBB2_26-.Ltmp12, $4  }
0xdc: {  	_ = 	snop  }
0xdd: {  	v2 =	vadd.f32 v1, v2  }
0xde: {  	s4 =	sshra.s32 s1, $0x2  }
0xdf: {  	s1 =	sadd.s32 $0x40, s1;
	v1 =	vld [tilespmem:s4+$0x5200];
	[tilespmem:s0+$0x4F80] =	vst v2;
	s0 =	smov.u32 s4  }
0xe0: {  	v2 =	vld [tilespmem:s0+$0x4F80];
	_ =	sdelay $0x4  }
0xe1: {  	v1 =	vadd.f32 v1, v2;
	_ =	sdelay $0x1  }
0xe2: {  	[tilespmem:s0+$0x4F80] =	vst v1  }
0xe3: {  	[tilespmem:s30], [sflag:$0x1] =	stream.strided.gather [spmem:s18], $0x280, s28, s26, $0x38;
	[tilespmem:$0x7C80] =	vst v63  }
0xe4: {  	_ =	swait.ge [sflag:s25], $0x280  }
0xe5: {  	[sflag:s25] =	ssyncset.done $0x0  }
0xe6: {  	s0 =	simm.s32 $0x0;
	[sflag:s25] =	ssyncadd.s32 $0xFFFFFD80  }
0xe7: {  	s1 =	simm.s32 $0x40;
	v1 =	vld [tilespmem:s0+$0x5200]  }
.LBB2_28:
0xe8: {  	p0 =	sne.s32 s1, $0x9C0;
	v2 =	vld [tilespmem:s0+$0x4F80];
	_ =	sdelay $0x2  }
.Ltmp13:
0xe9: {  	(pc) =	sbr.rel @p0 .LBB2_28-.Ltmp13, $4  }
0xea: {  	_ = 	snop  }
0xeb: {  	v2 =	vadd.f32 v1, v2  }
0xec: {  	s4 =	sshra.s32 s1, $0x2  }
0xed: {  	s1 =	sadd.s32 $0x40, s1;
	v1 =	vld [tilespmem:s4+$0x5200];
	[tilespmem:s0+$0x4F80] =	vst v2;
	s0 =	smov.u32 s4  }
0xee: {  	v2 =	vld [tilespmem:s0+$0x4F80];
	_ =	sdelay $0x4  }
0xef: {  	v1 =	vadd.f32 v1, v2;
	_ =	sdelay $0x1  }
0xf0: {  	[tilespmem:s0+$0x4F80] =	vst v1  }
0xf1: {  	[tilespmem:s30], [sflag:$0x1] =	stream.strided.gather [spmem:s19], $0x280, s28, s26, $0x38;
	[tilespmem:$0x7C80] =	vst v63  }
0xf2: {  	_ =	swait.ge [sflag:s25], $0x280  }
0xf3: {  	[sflag:s25] =	ssyncset.done $0x0  }
0xf4: {  	s0 =	simm.s32 $0x0;
	[sflag:s25] =	ssyncadd.s32 $0xFFFFFD80  }
0xf5: {  	s1 =	simm.s32 $0x40;
	v1 =	vld [tilespmem:s0+$0x5200]  }
.LBB2_30:
0xf6: {  	p0 =	sne.s32 s1, $0x9C0;
	v2 =	vld [tilespmem:s0+$0x4F80];
	_ =	sdelay $0x2  }
.Ltmp14:
0xf7: {  	(pc) =	sbr.rel @p0 .LBB2_30-.Ltmp14, $4  }
0xf8: {  	_ = 	snop  }
0xf9: {  	v2 =	vadd.f32 v1, v2  }
0xfa: {  	s4 =	sshra.s32 s1, $0x2  }
0xfb: {  	s1 =	sadd.s32 $0x40, s1;
	v1 =	vld [tilespmem:s4+$0x5200];
	[tilespmem:s0+$0x4F80] =	vst v2;
	s0 =	smov.u32 s4  }
0xfc: {  	v2 =	vld [tilespmem:s0+$0x4F80];
	_ =	sdelay $0x4  }
0xfd: {  	v1 =	vadd.f32 v1, v2;
	_ =	sdelay $0x1  }
0xfe: {  	[tilespmem:s0+$0x4F80] =	vst v1  }
0xff: {  	[tilespmem:s30], [sflag:$0x1] =	stream.strided.gather [spmem:s20], $0x280, s28, s26, $0x38;
	[tilespmem:$0x7C80] =	vst v63  }
0x100: {  	_ =	swait.ge [sflag:s25], $0x280  }
0x101: {  	[sflag:s25] =	ssyncset.done $0x0  }
0x102: {  	s0 =	simm.s32 $0x0;
	[sflag:s25] =	ssyncadd.s32 $0xFFFFFD80  }
0x103: {  	s1 =	simm.s32 $0x40;
	v1 =	vld [tilespmem:s0+$0x5200]  }
.LBB2_32:
0x104: {  	p0 =	sne.s32 s1, $0x9C0;
	v2 =	vld [tilespmem:s0+$0x4F80];
	_ =	sdelay $0x2  }
.Ltmp15:
0x105: {  	(pc) =	sbr.rel @p0 .LBB2_32-.Ltmp15, $4  }
0x106: {  	_ = 	snop  }
0x107: {  	v2 =	vadd.f32 v1, v2  }
0x108: {  	s4 =	sshra.s32 s1, $0x2  }
0x109: {  	s1 =	sadd.s32 $0x40, s1;
	v1 =	vld [tilespmem:s4+$0x5200];
	[tilespmem:s0+$0x4F80] =	vst v2;
	s0 =	smov.u32 s4  }
0x10a: {  	v2 =	vld [tilespmem:s0+$0x4F80];
	_ =	sdelay $0x4  }
0x10b: {  	v1 =	vadd.f32 v1, v2;
	_ =	sdelay $0x1  }
0x10c: {  	[tilespmem:s0+$0x4F80] =	vst v1  }
0x10d: {  	[tilespmem:s30], [sflag:$0x1] =	stream.strided.gather [spmem:s21], $0x280, s28, s26, $0x38;
	[tilespmem:$0x7C80] =	vst v63  }
0x10e: {  	_ =	swait.ge [sflag:s25], $0x280  }
0x10f: {  	[sflag:s25] =	ssyncset.done $0x0  }
0x110: {  	s0 =	simm.s32 $0x0;
	[sflag:s25] =	ssyncadd.s32 $0xFFFFFD80  }
0x111: {  	s1 =	simm.s32 $0x40;
	v1 =	vld [tilespmem:s0+$0x5200]  }
.LBB2_34:
0x112: {  	p0 =	sne.s32 s1, $0x9C0;
	v2 =	vld [tilespmem:s0+$0x4F80];
	_ =	sdelay $0x2  }
.Ltmp16:
0x113: {  	(pc) =	sbr.rel @p0 .LBB2_34-.Ltmp16, $4  }
0x114: {  	_ = 	snop  }
0x115: {  	v2 =	vadd.f32 v1, v2  }
0x116: {  	s4 =	sshra.s32 s1, $0x2  }
0x117: {  	s1 =	sadd.s32 $0x40, s1;
	v1 =	vld [tilespmem:s4+$0x5200];
	[tilespmem:s0+$0x4F80] =	vst v2;
	s0 =	smov.u32 s4  }
0x118: {  	v2 =	vld [tilespmem:s0+$0x4F80];
	_ =	sdelay $0x4  }
0x119: {  	s31 =	sadd.s32 $0x1, s31;
	v1 =	vadd.f32 v1, v2  }
0x11a: {  	p0 =	sne.s32 s31, s23  }
.Ltmp17:
0x11b: {  	[tilespmem:s0+$0x4F80] =	vst v1;
	(pc) =	sbr.rel @p0 .LBB2_1-.Ltmp17, $4  }
0x11c: {  	[hbm4b:s22+s2] =	stream.linear.scatter [tilespmem:s29], [sflag:$0x1], $0x280, $0x38;
	[tilespmem:$0x7C80] =	vst v63  }
0x11d: {  	_ =	swait.ge [sflag:s25], $0x280  }
0x11e: {  	[sflag:s25] =	ssyncset.done $0x0  }
0x11f: {  	[sflag:s25] =	ssyncadd.s32 $0xFFFFFD80  }
0x120: {  	_ =	sfence.sel $0x180000  }
0x121: {  	[bflag:$0x0] =	sbarrier.arrive $0xFFFF  }
0x122: {  	_ =	strace $0x90000047  }
0x123: {  	s0 =	stileid.u32;
	[bflag:$0x2] =	sbarrier.arrive $0xFFFF  }
0x124: {  	p0 =	sne.s32 s0, $0x0;
	s0 =	rddreg [dreg:$0x2]  }
0x125: {  	s0 =	sadd.s32 @!p0 $0x100000, s0  }
0x126: {  	[sflag:s0] =	ssyncadd.tile.s32 @!p0 $0x1;
	_ =	shalt  }
.Lfunc_end2:
_tile_overlayer_lowered:
.L_overlay_start_2:
0x127: {  	(tag) =	ssettag $0x2  }
0x128: {  	s0 =	rddreg [dreg:$0x0];
	s2 =	stileid.u32  }
0x129: {  	s1 =	rddreg [dreg:$0x1];
	p0 =	sne.s32 s2, $0x0  }
0x12a: {  	s3 =	rddreg [dreg:$0x2];
	[bflag:$0x3] =	sbarrier.arrive $0xFFFF;
	s2 =	simm.s32 @!p0 $0x1C01  }
0x12b: {  	[timem:s3], [sflag:s2] =	dma.local @!p0 [hbm:s0], s1  }
0x12c: {  	s0 =	simm.s32 @!p0 $0x1  }
0x12d: {  	_ =	swait.ge @!p0 [sflag:s0], s1  }
0x12e: {  	s1 =	ssub.s32 @!p0 $0x0, s1;
	[sflag:s0] =	ssyncset.done @!p0 $0x0  }
0x12f: {  	[sflag:s0] =	ssyncadd.s32 @!p0 s1  }
0x130: {  	[bflag:$0x3] =	sbarrier.arrive $0xFFFF  }
0x131: {  	_ =	shalt  }

</sc_bundles>
